<compile_context>
chip_gen: v7x
topology: tpu7x:2x2x1
jax: 0.10.2.dev20260603
libtpu: 0.0.44.dev20260713+nightly
codegen_flags: <defaults>
</compile_context>

<pallas_src>
import functools

import jax
import jax.numpy as jnp
from jax import lax
from jax.experimental import pallas as pl
from jax.experimental.pallas import tpu as pltpu
from jax.experimental.pallas import tpu_sc as plsc

F = 13
MSG = 16

_SC_TILES = 32
_GW = 128


def _sc_mesh():
    return plsc.VectorSubcoreMesh(core_axis_name="c", subcore_axis_name="s")


_SC_PARAMS = pltpu.CompilerParams(use_tc_tiling_on_sc=False)


_FP = 16


def _sc_gather(zh, zl, src2, tgt2):
    E = src2.shape[1]

    @functools.partial(
        pl.kernel,
        out_type=(
            jax.ShapeDtypeStruct((E, _FP), jnp.float32),
            jax.ShapeDtypeStruct((E, _FP), jnp.float32),
        ),
        mesh=_sc_mesh(),
        compiler_params=_SC_PARAMS,
    )
    def gk(zh_hbm, zl_hbm, src_hbm, tgt_hbm, zs_hbm, zt_hbm):
        def body(src_v, tgt_v, zs_v, zt_v):
            pltpu.sync_copy(zh_hbm.at[src_v.at[0]], zs_v)
            pltpu.sync_copy(zl_hbm.at[tgt_v.at[0]], zt_v)

        pltpu.emit_pipeline(
            body,
            grid=(E // _GW,),
            in_specs=[
                pl.BlockSpec((1, _GW), lambda i: (0, i)),
                pl.BlockSpec((1, _GW), lambda i: (0, i)),
            ],
            out_specs=[
                pl.BlockSpec((_GW, _FP), lambda i: (i, 0)),
                pl.BlockSpec((_GW, _FP), lambda i: (i, 0)),
            ],
            core_axis_name=("c", "s"),
            dimension_semantics=(pltpu.PARALLEL,),
        )(src_hbm, tgt_hbm, zs_hbm, zt_hbm)

    return gk(zh, zl, src2, tgt2)


def _sc_scatter_add(wm, tgt2, n_nodes):
    E = tgt2.shape[1]
    rows_per_tile = n_nodes // 16
    zr = 1250
    n_zero_copies = rows_per_tile // zr

    @functools.partial(
        pl.kernel,
        out_type=jax.ShapeDtypeStruct((2, n_nodes, MSG), jnp.float32),
        mesh=_sc_mesh(),
        compiler_params=_SC_PARAMS,
        scratch_types=[
            pltpu.VMEM_SHARED((n_nodes, MSG), jnp.float32),
            pltpu.VMEM((zr, MSG), jnp.float32),
        ],
    )
    def sk(wm_hbm, tgt_hbm, o_hbm, acc, zbuf):
        c = lax.axis_index("c")
        s = lax.axis_index("s")

        @pl.loop(0, zr)
        def _(r):
            zbuf[r, :] = jnp.zeros((MSG,), jnp.float32)

        @pl.loop(0, n_zero_copies)
        def _(k):
            pltpu.sync_copy(zbuf, acc.at[pl.ds(s * rows_per_tile + k * zr, zr)])

        plsc.subcore_barrier()

        def body(wm_v, tgt_v):
            pltpu.sync_copy(wm_v, acc.at[tgt_v.at[0]], add=True)

        pltpu.emit_pipeline(
            body,
            grid=(E // _GW,),
            in_specs=[
                pl.BlockSpec((_GW, MSG), lambda i: (i, 0)),
                pl.BlockSpec((1, _GW), lambda i: (0, i)),
            ],
            out_specs=[],
            core_axis_name=("c", "s"),
            dimension_semantics=(pltpu.PARALLEL,),
        )(wm_hbm, tgt_hbm)

        plsc.subcore_barrier()
        pltpu.sync_copy(
            acc.at[pl.ds(s * rows_per_tile, rows_per_tile)],
            o_hbm.at[c, pl.ds(s * rows_per_tile, rows_per_tile)],
        )

    return sk(wm, tgt2)


def _edge_mlp_body(zs_ref, zt_ref, w1t_ref, b1_ref, w2t_ref, b2_ref, out_ref):
    zst = zs_ref[...].T
    ztt = zt_ref[...].T
    diff = zst[0:3, :] - ztt[0:3, :]
    dist = jnp.sum(diff * diff, axis=0, keepdims=True)
    a1, a2, a3 = zst[3:4, :], zst[4:5, :], zst[5:6, :]
    b1, b2, b3 = ztt[3:4, :], ztt[4:5, :], ztt[5:6, :]
    c1 = a2 * b3 - a3 * b2
    c2 = a3 * b1 - a1 * b3
    c3 = a1 * b2 - a2 * b1
    abscp = jnp.sqrt(c1 * c1 + c2 * c2 + c3 * c3)
    inp = jnp.concatenate([zst, ztt, diff, dist, c1, c2, c3, abscp], axis=0)
    h = jnp.tanh(
        jnp.dot(w1t_ref[...], inp, preferred_element_type=jnp.float32)
        + b1_ref[...]
    )
    o = (
        jnp.dot(w2t_ref[...], h, preferred_element_type=jnp.float32)
        + b2_ref[...]
    )
    wmt = o[0:MSG, :] * jax.nn.sigmoid(o[MSG:MSG + 1, :])
    out_ref[...] = wmt.T


def _tc_edge_mlp(zs, zt, w1t, b1, w2t, b2):
    E = zs.shape[0]
    T = 6400
    in_edge = w1t.shape[1]
    hid2 = w1t.shape[0]
    return pl.pallas_call(
        _edge_mlp_body,
        grid=(E // T,),
        in_specs=[
            pl.BlockSpec((T, _FP), lambda i: (i, 0)),
            pl.BlockSpec((T, _FP), lambda i: (i, 0)),
            pl.BlockSpec((hid2, in_edge), lambda i: (0, 0)),
            pl.BlockSpec((hid2, 1), lambda i: (0, 0)),
            pl.BlockSpec((MSG + 1, hid2), lambda i: (0, 0)),
            pl.BlockSpec((MSG + 1, 1), lambda i: (0, 0)),
        ],
        out_specs=pl.BlockSpec((T, MSG), lambda i: (i, 0)),
        out_shape=jax.ShapeDtypeStruct((E, MSG), jnp.float32),
    )(zs, zt, w1t, b1, w2t, b2)


def _node_mlp_body(zl_ref, p0_ref, p1_ref, wn1_ref, bn1_ref, wn2_ref, bn2_ref,
                   out_ref):
    magg = p0_ref[...] + p1_ref[...]
    inp = jnp.concatenate([zl_ref[...], magg], axis=-1)
    h = jnp.tanh(
        jnp.dot(inp, wn1_ref[...], preferred_element_type=jnp.float32)
        + bn1_ref[...]
    )
    out_ref[...] = (
        jnp.dot(h, wn2_ref[...], preferred_element_type=jnp.float32)
        + bn2_ref[...]
    )


def _tc_node_mlp(zl, p0, p1, wn1, bn1, wn2, bn2):
    n = zl.shape[0]
    T = 4000
    hid = wn1.shape[1]
    return pl.pallas_call(
        _node_mlp_body,
        grid=(n // T,),
        in_specs=[
            pl.BlockSpec((T, F), lambda i: (i, 0)),
            pl.BlockSpec((T, MSG), lambda i: (i, 0)),
            pl.BlockSpec((T, MSG), lambda i: (i, 0)),
            pl.BlockSpec((F + MSG, hid), lambda i: (0, 0)),
            pl.BlockSpec((1, hid), lambda i: (0, 0)),
            pl.BlockSpec((hid, F), lambda i: (0, 0)),
            pl.BlockSpec((1, F), lambda i: (0, 0)),
        ],
        out_specs=pl.BlockSpec((T, F), lambda i: (i, 0)),
        out_shape=jax.ShapeDtypeStruct((n, F), jnp.float32),
    )(zl, p0, p1, wn1, bn1, wn2, bn2)


def kernel(z_h, z_l, edge_index_h_l, We1, be1, We2, be2, Ww1, bw1, Ww2, bw2,
           Wn1, bn1, Wn2, bn2):
    B, n_h, _ = z_h.shape
    n_l = z_l.shape[1]
    E = edge_index_h_l.shape[2]
    hid = We1.shape[1]

    w1c = jnp.concatenate([We1, Ww1], axis=1)
    pad = jnp.zeros((_FP - F, 2 * hid), jnp.float32)
    w1 = jnp.concatenate([w1c[:F], pad, w1c[F:2 * F], pad, w1c[2 * F:]], axis=0)
    w1t = w1.T
    b1 = jnp.concatenate([be1, bw1]).reshape(-1, 1)
    w2 = jnp.zeros((2 * hid, MSG + 1), jnp.float32)
    w2 = w2.at[:hid, :MSG].set(We2).at[hid:, MSG:].set(Ww2)
    w2t = w2.T
    b2 = jnp.concatenate([be2, bw2]).reshape(-1, 1)
    bn1r = bn1.reshape(1, -1)
    bn2r = bn2.reshape(1, -1)

    zpad = ((0, 0), (0, _FP - F))
    outs = []
    for b in range(B):
        src2 = edge_index_h_l[b, 0].reshape(1, E)
        tgt2 = edge_index_h_l[b, 1].reshape(1, E)
        zh_p = jnp.pad(z_h[b], zpad)
        zl_p = jnp.pad(z_l[b], zpad)
        zs, zt = _sc_gather(zh_p, zl_p, src2, tgt2)
        wm = _tc_edge_mlp(zs, zt, w1t, b1, w2t, b2)
        partials = _sc_scatter_add(wm, tgt2, n_l)
        delta = _tc_node_mlp(z_l[b], partials[0], partials[1],
                             Wn1, bn1r, Wn2, bn2r)
        outs.append(delta)
    return jnp.stack(outs, axis=0)

# --- scband reference (transcript-rebuilt; emitter-appended) ---
"""Pipeline reference for scband-gnn-h-l-45114336477553 (READ-ONLY COPY).

The authoritative reference and input builder live on the scoring server;
editing this copy changes nothing except your own understanding.
"""

import jax, jax.numpy as jnp
import numpy as np

N_H = 100000
N_L = 100000
E = 3200000
F = 13
EDGE_DIM = 8
MSG = 16
HID = 32


def _mlp(x, W1, b1, W2, b2):
    return jnp.tanh(x @ W1 + b1) @ W2 + b2


def setup_inputs(seed: int = 0) -> dict:
    key = jax.random.key(seed)
    ks = jax.random.split(key, 16)
    z_h = jax.random.normal(ks[0], (1, N_H, F), dtype=jnp.float32)
    z_l = jax.random.normal(ks[1], (1, N_L, F), dtype=jnp.float32)
    edge_index_h_l = jax.random.randint(ks[2], (1, 2, E), 0, N_H, dtype=jnp.int64 if jax.config.jax_enable_x64 else jnp.int32).astype(jnp.int32)
    def lin(k, fi, fo):
        return jax.random.normal(k, (fi, fo), dtype=jnp.float32) * (1.0 / np.sqrt(fi))
    in_edge = F * 2 + EDGE_DIM
    params = {
        'We1': lin(ks[3], in_edge, HID), 'be1': jnp.zeros((HID,), jnp.float32),
        'We2': lin(ks[4], HID, MSG),     'be2': jnp.zeros((MSG,), jnp.float32),
        'Ww1': lin(ks[5], in_edge, HID), 'bw1': jnp.zeros((HID,), jnp.float32),
        'Ww2': lin(ks[6], HID, 1),       'bw2': jnp.zeros((1,), jnp.float32),
        'Wn1': lin(ks[7], F + MSG, HID), 'bn1': jnp.zeros((HID,), jnp.float32),
        'Wn2': lin(ks[8], HID, F),       'bn2': jnp.zeros((F,), jnp.float32),
    }
    out = {'z_h': z_h, 'z_l': z_l, 'edge_index_h_l': edge_index_h_l}
    out.update(params)
    return out


def reference(z_h, z_l, edge_index_h_l, We1, be1, We2, be2, Ww1, bw1, Ww2, bw2, Wn1, bn1, Wn2, bn2):
    B = z_h.shape[0]
    m_agg_list = []
    for b in range(B):
        src = edge_index_h_l[b, 0]
        tgt = edge_index_h_l[b, 1]
        z_h_b = z_h[b]
        z_l_b = z_l[b]
        z_s = jnp.take(z_h_b, src, axis=0)
        z_t = jnp.take(z_l_b, tgt, axis=0)
        pos_s = z_s[:, 0:3]
        pos_t = z_t[:, 0:3]
        vel_s = z_s[:, 3:6]
        vel_t = z_t[:, 3:6]
        diff = pos_s - pos_t
        dist = jnp.sum(diff ** 2, axis=-1, keepdims=True)
        cp = jnp.cross(vel_s, vel_t)
        abscp = jnp.linalg.norm(cp, axis=-1, keepdims=True)
        e = jnp.concatenate([diff, dist, cp, abscp], axis=-1)
        inp = jnp.concatenate([z_s, z_t, e], axis=-1)
        m = _mlp(inp, We1, be1, We2, be2)
        w = jax.nn.sigmoid(_mlp(inp, Ww1, bw1, Ww2, bw2))
        m_agg = jnp.zeros((z_l_b.shape[0], MSG), dtype=jnp.float32).at[tgt].add(w * m)
        m_agg_list.append(m_agg)
    m_agg_l = jnp.stack(m_agg_list, axis=0)
    input_node = jnp.concatenate([z_l, m_agg_l], axis=-1)
    delta_z_l = _mlp(input_node, Wn1, bn1, Wn2, bn2)
    return delta_z_l

if __name__ == "__main__":
    import jax
    _d = setup_inputs()
    print(jax.jit(kernel)(*tuple(_d.values())))

</pallas_src>

<mosaic_0001>
#map = affine_map<(d0, d1) -> (0, 0)>
#map1 = affine_map<(d0, d1) -> (0, 0, 0)>
module attributes {stable_mosaic.version = 14 : i64} {
  func.func @sk(%arg0: i32, %arg1: i32, %arg2: memref<3200000x16xf32, #tpu.memory_space<hbm>>, %arg3: memref<1x3200000xi32, #tpu.memory_space<hbm>>, %arg4: memref<2x100000x16xf32, #tpu.memory_space<hbm>>, %arg5: memref<100000x16xf32, #tpu.memory_space<vmem_shared>>, %arg6: memref<1250x16xf32, #tpu.memory_space<vmem>>) attributes {dimension_semantics = [#tpu.dimension_semantics<core_parallel>, #tpu.dimension_semantics<subcore_parallel>], iteration_bounds = array<i64: 2, 16>, scalar_prefetch = 0 : i64, scratch_operands = 2 : i64, tpu.core_type = #tpu.core_type<sc_vector_subcore>, window_params = [{transform_indices = #map}, {transform_indices = #map}, {transform_indices = #map1}]} {
    %scan3A = arith.constant 0 : i32
    %scan3A_0 = arith.constant 1250 : i32
    %scan3A_1 = arith.addi %scan3A, %scan3A_0 : i32
    %scan3A_2 = arith.constant 1 : i32
    scf.for %scan3A_31 = %scan3A to %scan3A_1 step %scan3A_2  : i32 {
      %mul3A_32 = arith.constant 1 : i32
      %mul3A_33 = arith.muli %scan3A_31, %mul3A_32 : i32
      %add3A_34 = arith.constant 0 : i32
      %add3A_35 = arith.addi %add3A_34, %mul3A_33 : i32
      %broadcast_in_dim3A = arith.constant 0.000000e+00 : f32
      %broadcast_in_dim3A_36 = vector.broadcast %broadcast_in_dim3A : f32 to vector<16xf32>
      %swap3A = arith.index_cast %add3A_35 : i32 to index
      %swap3A_37 = arith.constant 0 : index
      %swap3A_38 = tpu.vector_load %arg6[%swap3A, %swap3A_37] {strides = array<i32>} : memref<1250x16xf32, #tpu.memory_space<vmem>>, vector<1x16xf32>,
      %swap3A_39 = vector.shape_cast %swap3A_38 : vector<1x16xf32> to vector<16xf32>
      %swap3A_40 = vector.shape_cast %broadcast_in_dim3A_36 : vector<16xf32> to vector<1x16xf32>
      tpu.vector_store %arg6[%swap3A, %swap3A_37], %swap3A_40 {strides = array<i32>} : memref<1250x16xf32, #tpu.memory_space<vmem>>, vector<1x16xf32>,
    }
    %scan3A_3 = arith.constant 1250 : i32
    %scan3A_4 = arith.constant 0 : i32
    %scan3A_5 = arith.constant 5 : i32
    %scan3A_6 = arith.addi %scan3A_4, %scan3A_5 : i32
    %scan3A_7 = arith.constant 1 : i32
    scf.for %scan3A_31 = %scan3A_4 to %scan3A_6 step %scan3A_7  : i32 {
      %mul3A_32 = arith.constant 1 : i32
      %mul3A_33 = arith.muli %scan3A_31, %mul3A_32 : i32
      %add3A_34 = arith.constant 0 : i32
      %add3A_35 = arith.addi %add3A_34, %mul3A_33 : i32
      %mul3A_36 = arith.constant 6250 : i32
      %mul3A_37 = arith.muli %arg1, %mul3A_36 : i32
      %mul3A_38 = arith.constant 1250 : i32
      %mul3A_39 = arith.muli %add3A_35, %mul3A_38 : i32
      %add3A_40 = arith.addi %mul3A_37, %mul3A_39 : i32
      "tpu.region"() ({
        %run_scoped3A = tpu.sem_alloc : memref<!tpu.dma_semaphore, #tpu.memory_space<semaphore_mem>>
        %dma_start3A = arith.constant 0 : i32
        %dma_start3A_41 = tpu.memref_slice %arg5[%add3A_40, %dma_start3A] : memref<100000x16xf32, #tpu.memory_space<vmem_shared>> -> memref<1250x16xf32, #tpu.memory_space<vmem_shared>>
        %dma_start3A_42 = arith.constant 0 : i32
        %dma_start3A_43 = tpu.memref_slice %arg5[%add3A_40, %dma_start3A_42] : memref<100000x16xf32, #tpu.memory_space<vmem_shared>> -> memref<1250x16xf32, #tpu.memory_space<vmem_shared>>
        tpu.enqueue_dma source(%arg6 : memref<1250x16xf32, #tpu.memory_space<vmem>>) target(%dma_start3A_43 : memref<1250x16xf32, #tpu.memory_space<vmem_shared>>) target_semaphore(%run_scoped3A : memref<!tpu.dma_semaphore, #tpu.memory_space<semaphore_mem>>)
        %dma_wait3A = arith.constant 0 : i32
        %dma_wait3A_44 = tpu.memref_slice %arg5[%add3A_40, %dma_wait3A] : memref<100000x16xf32, #tpu.memory_space<vmem_shared>> -> memref<1250x16xf32, #tpu.memory_space<vmem_shared>>
        %dma_wait3A_45 = arith.constant 0 : i32
        %dma_wait3A_46 = tpu.memref_slice %arg5[%add3A_40, %dma_wait3A_45] : memref<100000x16xf32, #tpu.memory_space<vmem_shared>> -> memref<1250x16xf32, #tpu.memory_space<vmem_shared>>
        tpu.wait_dma2 semaphore(%run_scoped3A : memref<!tpu.dma_semaphore, #tpu.memory_space<semaphore_mem>>) src(%arg6 : memref<1250x16xf32, #tpu.memory_space<vmem>>) dst(%dma_wait3A_46 : memref<1250x16xf32, #tpu.memory_space<vmem_shared>>)
        tpu.yield
      }) : () -> ()
    }
    %scan3A_8 = arith.constant 5 : i32
    %barrier3A = arith.constant 0 : index
    tpu.barrier barrier_id(%barrier3A)
    %mul3A = arith.constant 1 : i32
    %mul3A_9 = arith.muli %arg1, %mul3A : i32
    %add3A = arith.constant 0 : i32
    %add3A_10 = arith.addi %add3A, %mul3A_9 : i32
    %mul3A_11 = arith.constant 16 : i32
    %mul3A_12 = arith.muli %arg0, %mul3A_11 : i32
    %add3A_13 = arith.addi %add3A_10, %mul3A_12 : i32
    %lt3A = arith.constant 8 : i32
    %lt3A_14 = arith.cmpi slt, %add3A_13, %lt3A : i32
    %jit3A = arith.constant 782 : i32
    %jit3A_15 = arith.constant 781 : i32
    %select_n3A = arith.select %lt3A_14, %jit3A, %jit3A_15 : i32
    %lt3A_16 = arith.constant 8 : i32
    %lt3A_17 = arith.cmpi slt, %add3A_13, %lt3A_16 : i32
    %mul3A_18 = arith.muli %add3A_13, %select_n3A : i32
    %mul3A_19 = arith.constant 781 : i32
    %mul3A_20 = arith.muli %add3A_13, %mul3A_19 : i32
    %add3A_21 = arith.constant 8 : i32
    %add3A_22 = arith.addi %mul3A_20, %add3A_21 : i32
    %select_n3A_23 = arith.select %lt3A_17, %mul3A_18, %add3A_22 : i32
    %mul3A_24 = arith.constant 1 : i32
    %mul3A_25 = arith.muli %mul3A_24, %select_n3A : i32
    "tpu.region"() ({
      %run_scoped3A = memref.alloca() : memref<2x128x16xf32, #tpu.memory_space<vmem>>
      %run_scoped3A_31 = tpu.sem_alloc : memref<2x!tpu.dma_semaphore, #tpu.memory_space<semaphore_mem>>
      %run_scoped3A_32 = memref.alloca() : memref<2x1x128xi32, #tpu.memory_space<vmem>>
      %run_scoped3A_33 = tpu.sem_alloc : memref<2x!tpu.dma_semaphore, #tpu.memory_space<semaphore_mem>>
      %gt3A = arith.constant 0 : i32
      %gt3A_34 = arith.cmpi sgt, %mul3A_25, %gt3A : i32
      %convert_element_type3A = arith.extui %gt3A_34 : i1 to i32
      %cond3A = arith.constant 0 : i32
      %cond3A_35 = arith.cmpi ne, %convert_element_type3A, %cond3A : i32
      scf.if %cond3A_35 {
        %mul3A_36 = arith.constant 1 : i32
        %mul3A_37 = arith.muli %mul3A_36, %select_n3A : i32
        %sub3A = arith.constant 1 : i32
        %sub3A_38 = arith.subi %mul3A_37, %sub3A : i32
        %eq3A = arith.constant 0 : i32
        %eq3A_39 = arith.cmpi eq, %sub3A_38, %eq3A : i32
        %add3A_40 = arith.constant 0 : i32
        %add3A_41 = arith.addi %add3A_40, %select_n3A_23 : i32
        %select_n3A_42 = arith.constant true
        %select_n3A_43 = arith.constant 0 : i32
        %select_n3A_44 = arith.constant -1 : i32
        %select_n3A_45 = arith.select %select_n3A_42, %select_n3A_44, %select_n3A_43 : i32
        %eq3A_46 = arith.constant -1 : i32
        %eq3A_47 = arith.cmpi eq, %select_n3A_45, %eq3A_46 : i32
        %sub3A_48 = arith.constant 1 : i32
        %sub3A_49 = arith.subi %select_n3A, %sub3A_48 : i32
        %select_n3A_50 = arith.select %eq3A_47, %sub3A_49, %select_n3A_45 : i32
        %add3A_51 = arith.addi %select_n3A_50, %select_n3A_23 : i32
        %select_n3A_52 = arith.constant true
        %select_n3A_53 = arith.constant 0 : i32
        %select_n3A_54 = arith.constant 1 : i32
        %select_n3A_55 = arith.select %select_n3A_52, %select_n3A_54, %select_n3A_53 : i32
        %eq3A_56 = arith.cmpi eq, %select_n3A_55, %select_n3A : i32
        %select_n3A_57 = arith.constant 0 : i32
        %select_n3A_58 = arith.select %eq3A_56, %select_n3A_57, %select_n3A_55 : i32
        %add3A_59 = arith.addi %select_n3A_58, %select_n3A_23 : i32
        %add3A_60 = arith.constant 1 : i32
        %add3A_61 = arith.addi %select_n3A_58, %add3A_60 : i32
        %select_n3A_62 = arith.constant true
        %select_n3A_63 = arith.select %select_n3A_62, %add3A_61, %select_n3A_58 : i32
        %eq3A_64 = arith.cmpi eq, %select_n3A_63, %select_n3A : i32
        %select_n3A_65 = arith.constant 0 : i32
        %select_n3A_66 = arith.select %eq3A_64, %select_n3A_65, %select_n3A_63 : i32
        %add3A_67 = arith.addi %select_n3A_66, %select_n3A_23 : i32
        "tpu.trace_start"() <{level = 10 : i32, message = "ep_initialize_0"}> : () -> ()
        %rem3A = arith.constant 0 : i32
        %rem3A_68 = arith.constant 2 : i32
        %rem3A_69 = arith.remui %rem3A, %rem3A_68 : i32
        %mul3A_70 = arith.constant 128 : i32
        %mul3A_71 = arith.muli %mul3A_70, %add3A_41 : i32
        %dma_start3A = arith.constant 0 : i32
        %dma_start3A_72 = arith.constant 0 : i32
        %dma_start3A_73 = tpu.memref_slice %run_scoped3A[%rem3A_69, %dma_start3A, %dma_start3A_72] : memref<2x128x16xf32, #tpu.memory_space<vmem>> -> memref<1x128x16xf32, #tpu.memory_space<vmem>>
        %dma_start3A_74 = tpu.memref_squeeze %dma_start3A_73 : memref<1x128x16xf32, #tpu.memory_space<vmem>> -> memref<128x16xf32, #tpu.memory_space<vmem>>
        %dma_start3A_75 = arith.constant 0 : i32
        %dma_start3A_76 = tpu.memref_slice %arg2[%mul3A_71, %dma_start3A_75] : memref<3200000x16xf32, #tpu.memory_space<hbm>> -> memref<128x16xf32, #tpu.memory_space<hbm>>
        %dma_start3A_77 = tpu.memref_slice %run_scoped3A_31[%rem3A_69] : memref<2x!tpu.dma_semaphore, #tpu.memory_space<semaphore_mem>> -> memref<1x!tpu.dma_semaphore, #tpu.memory_space<semaphore_mem>>
        %dma_start3A_78 = tpu.memref_squeeze %dma_start3A_77 : memref<1x!tpu.dma_semaphore, #tpu.memory_space<semaphore_mem>> -> memref<!tpu.dma_semaphore, #tpu.memory_space<semaphore_mem>>
        %dma_start3A_79 = arith.constant 0 : i32
        %dma_start3A_80 = arith.constant 0 : i32
        %dma_start3A_81 = tpu.memref_slice %run_scoped3A[%rem3A_69, %dma_start3A_79, %dma_start3A_80] : memref<2x128x16xf32, #tpu.memory_space<vmem>> -> memref<1x128x16xf32, #tpu.memory_space<vmem>>
        %dma_start3A_82 = tpu.memref_squeeze %dma_start3A_81 : memref<1x128x16xf32, #tpu.memory_space<vmem>> -> memref<128x16xf32, #tpu.memory_space<vmem>>
        %dma_start3A_83 = arith.constant 0 : i32
        %dma_start3A_84 = tpu.memref_slice %arg2[%mul3A_71, %dma_start3A_83] : memref<3200000x16xf32, #tpu.memory_space<hbm>> -> memref<128x16xf32, #tpu.memory_space<hbm>>
        tpu.enqueue_dma source(%dma_start3A_84 : memref<128x16xf32, #tpu.memory_space<hbm>>) target(%dma_start3A_82 : memref<128x16xf32, #tpu.memory_space<vmem>>) target_semaphore(%dma_start3A_78 : memref<!tpu.dma_semaphore, #tpu.memory_space<semaphore_mem>>)
        %add3A_85 = arith.constant 0 : i32
        %add3A_86 = arith.constant 1 : i32
        %add3A_87 = arith.addi %add3A_85, %add3A_86 : i32
        %select_n3A_88 = arith.constant true
        %select_n3A_89 = arith.constant 0 : i32
        %select_n3A_90 = arith.select %select_n3A_88, %add3A_87, %select_n3A_89 : i32
        %rem3A_91 = arith.constant 0 : i32
        %rem3A_92 = arith.constant 2 : i32
        %rem3A_93 = arith.remui %rem3A_91, %rem3A_92 : i32
        %mul3A_94 = arith.constant 128 : i32
        %mul3A_95 = arith.muli %mul3A_94, %add3A_41 : i32
        %dma_start3A_96 = arith.constant 0 : i32
        %dma_start3A_97 = arith.constant 0 : i32
        %dma_start3A_98 = tpu.memref_slice %run_scoped3A_32[%rem3A_93, %dma_start3A_96, %dma_start3A_97] : memref<2x1x128xi32, #tpu.memory_space<vmem>> -> memref<1x1x128xi32, #tpu.memory_space<vmem>>
        %dma_start3A_99 = tpu.memref_squeeze %dma_start3A_98 : memref<1x1x128xi32, #tpu.memory_space<vmem>> -> memref<1x128xi32, #tpu.memory_space<vmem>>
        %dma_start3A_100 = arith.constant 0 : i32
        %dma_start3A_101 = tpu.memref_slice %arg3[%dma_start3A_100, %mul3A_95] : memref<1x3200000xi32, #tpu.memory_space<hbm>> -> memref<1x128xi32, #tpu.memory_space<hbm>>
        %dma_start3A_102 = tpu.memref_slice %run_scoped3A_33[%rem3A_93] : memref<2x!tpu.dma_semaphore, #tpu.memory_space<semaphore_mem>> -> memref<1x!tpu.dma_semaphore, #tpu.memory_space<semaphore_mem>>
        %dma_start3A_103 = tpu.memref_squeeze %dma_start3A_102 : memref<1x!tpu.dma_semaphore, #tpu.memory_space<semaphore_mem>> -> memref<!tpu.dma_semaphore, #tpu.memory_space<semaphore_mem>>
        %dma_start3A_104 = arith.constant 0 : i32
        %dma_start3A_105 = arith.constant 0 : i32
        %dma_start3A_106 = tpu.memref_slice %run_scoped3A_32[%rem3A_93, %dma_start3A_104, %dma_start3A_105] : memref<2x1x128xi32, #tpu.memory_space<vmem>> -> memref<1x1x128xi32, #tpu.memory_space<vmem>>
        %dma_start3A_107 = tpu.memref_squeeze %dma_start3A_106 : memref<1x1x128xi32, #tpu.memory_space<vmem>> -> memref<1x128xi32, #tpu.memory_space<vmem>>
        %dma_start3A_108 = arith.constant 0 : i32
        %dma_start3A_109 = tpu.memref_slice %arg3[%dma_start3A_108, %mul3A_95] : memref<1x3200000xi32, #tpu.memory_space<hbm>> -> memref<1x128xi32, #tpu.memory_space<hbm>>
        tpu.enqueue_dma source(%dma_start3A_109 : memref<1x128xi32, #tpu.memory_space<hbm>>) target(%dma_start3A_107 : memref<1x128xi32, #tpu.memory_space<vmem>>) target_semaphore(%dma_start3A_103 : memref<!tpu.dma_semaphore, #tpu.memory_space<semaphore_mem>>)
        %add3A_110 = arith.constant 0 : i32
        %add3A_111 = arith.constant 1 : i32
        %add3A_112 = arith.addi %add3A_110, %add3A_111 : i32
        %select_n3A_113 = arith.constant true
        %select_n3A_114 = arith.constant 0 : i32
        %select_n3A_115 = arith.select %select_n3A_113, %add3A_112, %select_n3A_114 : i32
        %while3A = arith.constant 0 : i32
        %while3A_116 = arith.constant 0 : i32
        %while3A_117 = arith.constant 0 : i32
        %while3A_118 = arith.constant 0 : i32
        "tpu.trace_stop"() : () -> ()
        %while3A_119 = arith.subi %mul3A_25, %while3A : i32
        %while3A_120 = arith.addi %while3A, %while3A_119 : i32
        %while3A_121 = arith.constant 1 : i32
        %while3A_122 = arith.divsi %while3A_119, %while3A_121 : i32
        %while3A_123 = arith.muli %while3A_122, %while3A_121 : i32
        %while3A_124 = arith.addi %while3A, %while3A_123 : i32
        %while3A_125 = arith.constant 1 : i32
        %while3A_126:5 = scf.for %while3A_180 = %while3A to %while3A_124 step %while3A_125 iter_args(%while3A_181 = %select_n3A_90, %while3A_182 = %while3A_116, %while3A_183 = %select_n3A_115, %while3A_184 = %while3A_117, %while3A_185 = %while3A_118) -> (i32, i32, i32, i32, i32)  : i32 {
          %mul3A_186 = arith.constant 1 : i32
          %mul3A_187 = arith.muli %mul3A_186, %select_n3A : i32
          %eq3A_188 = arith.constant 0 : i32
          %eq3A_189 = arith.cmpi eq, %while3A_180, %eq3A_188 : i32
          %sub3A_190 = arith.constant 1 : i32
          %sub3A_191 = arith.subi %mul3A_187, %sub3A_190 : i32
          %eq3A_192 = arith.cmpi eq, %while3A_180, %sub3A_191 : i32
          %add3A_193 = arith.addi %while3A_185, %select_n3A_23 : i32
          %sub3A_194 = arith.constant 1 : i32
          %sub3A_195 = arith.subi %while3A_185, %sub3A_194 : i32
          %select_n3A_196 = arith.constant true
          %select_n3A_197 = arith.select %select_n3A_196, %sub3A_195, %while3A_185 : i32
          %eq3A_198 = arith.constant -1 : i32
          %eq3A_199 = arith.cmpi eq, %select_n3A_197, %eq3A_198 : i32
          %sub3A_200 = arith.constant 1 : i32
          %sub3A_201 = arith.subi %select_n3A, %sub3A_200 : i32
          %select_n3A_202 = arith.select %eq3A_199, %sub3A_201, %select_n3A_197 : i32
          %add3A_203 = arith.addi %select_n3A_202, %select_n3A_23 : i32
          %add3A_204 = arith.constant 1 : i32
          %add3A_205 = arith.addi %while3A_185, %add3A_204 : i32
          %select_n3A_206 = arith.constant true
          %select_n3A_207 = arith.select %select_n3A_206, %add3A_205, %while3A_185 : i32
          %eq3A_208 = arith.cmpi eq, %select_n3A_207, %select_n3A : i32
          %select_n3A_209 = arith.constant 0 : i32
          %select_n3A_210 = arith.select %eq3A_208, %select_n3A_209, %select_n3A_207 : i32
          %add3A_211 = arith.addi %select_n3A_210, %select_n3A_23 : i32
          %add3A_212 = arith.constant 1 : i32
          %add3A_213 = arith.addi %select_n3A_210, %add3A_212 : i32
          %select_n3A_214 = arith.constant true
          %select_n3A_215 = arith.select %select_n3A_214, %add3A_213, %select_n3A_210 : i32
          %eq3A_216 = arith.cmpi eq, %select_n3A_215, %select_n3A : i32
          %select_n3A_217 = arith.constant 0 : i32
          %select_n3A_218 = arith.select %eq3A_216, %select_n3A_217, %select_n3A_215 : i32
          %add3A_219 = arith.addi %select_n3A_218, %select_n3A_23 : i32
          %ne3A = arith.cmpi ne, %add3A_193, %add3A_211 : i32
          %or3A = arith.constant false
          %or3A_220 = arith.ori %or3A, %ne3A : i1
          %or3A_221 = arith.constant false
          %or3A_222 = arith.ori %or3A_220, %or3A_221 : i1
          %sub3A_223 = arith.constant 2 : i32
          %sub3A_224 = arith.subi %mul3A_187, %sub3A_223 : i32
          %add3A_225 = arith.constant 1 : i32
          %add3A_226 = arith.addi %sub3A_224, %add3A_225 : i32
          %ge3A = arith.cmpi sge, %while3A_180, %add3A_226 : i32
          %not3A = arith.constant true
          %not3A_227 = arith.xori %ge3A, %not3A : i1
          %and3A = arith.andi %or3A_222, %not3A_227 : i1
          %convert_element_type3A_228 = arith.extui %and3A : i1 to i32
          %cond3A_229 = arith.constant 0 : i32
          %cond3A_230 = arith.cmpi ne, %convert_element_type3A_228, %cond3A_229 : i32
          scf.if %cond3A_230 {
            "tpu.trace_start"() <{level = 10 : i32, message = "ep_copy_in"}> : () -> ()
            %rem3A_343 = arith.constant 2 : i32
            %rem3A_344 = arith.remui %while3A_181, %rem3A_343 : i32
            %mul3A_345 = arith.constant 128 : i32
            %mul3A_346 = arith.muli %mul3A_345, %add3A_211 : i32
            %dma_start3A_347 = arith.constant 0 : i32
            %dma_start3A_348 = arith.constant 0 : i32
            %dma_start3A_349 = tpu.memref_slice %run_scoped3A[%rem3A_344, %dma_start3A_347, %dma_start3A_348] : memref<2x128x16xf32, #tpu.memory_space<vmem>> -> memref<1x128x16xf32, #tpu.memory_space<vmem>>
            %dma_start3A_350 = tpu.memref_squeeze %dma_start3A_349 : memref<1x128x16xf32, #tpu.memory_space<vmem>> -> memref<128x16xf32, #tpu.memory_space<vmem>>
            %dma_start3A_351 = arith.constant 0 : i32
            %dma_start3A_352 = tpu.memref_slice %arg2[%mul3A_346, %dma_start3A_351] : memref<3200000x16xf32, #tpu.memory_space<hbm>> -> memref<128x16xf32, #tpu.memory_space<hbm>>
            %dma_start3A_353 = tpu.memref_slice %run_scoped3A_31[%rem3A_344] : memref<2x!tpu.dma_semaphore, #tpu.memory_space<semaphore_mem>> -> memref<1x!tpu.dma_semaphore, #tpu.memory_space<semaphore_mem>>
            %dma_start3A_354 = tpu.memref_squeeze %dma_start3A_353 : memref<1x!tpu.dma_semaphore, #tpu.memory_space<semaphore_mem>> -> memref<!tpu.dma_semaphore, #tpu.memory_space<semaphore_mem>>
            %dma_start3A_355 = arith.constant 0 : i32
            %dma_start3A_356 = arith.constant 0 : i32
            %dma_start3A_357 = tpu.memref_slice %run_scoped3A[%rem3A_344, %dma_start3A_355, %dma_start3A_356] : memref<2x128x16xf32, #tpu.memory_space<vmem>> -> memref<1x128x16xf32, #tpu.memory_space<vmem>>
            %dma_start3A_358 = tpu.memref_squeeze %dma_start3A_357 : memref<1x128x16xf32, #tpu.memory_space<vmem>> -> memref<128x16xf32, #tpu.memory_space<vmem>>
            %dma_start3A_359 = arith.constant 0 : i32
            %dma_start3A_360 = tpu.memref_slice %arg2[%mul3A_346, %dma_start3A_359] : memref<3200000x16xf32, #tpu.memory_space<hbm>> -> memref<128x16xf32, #tpu.memory_space<hbm>>
            tpu.enqueue_dma source(%dma_start3A_360 : memref<128x16xf32, #tpu.memory_space<hbm>>) target(%dma_start3A_358 : memref<128x16xf32, #tpu.memory_space<vmem>>) target_semaphore(%dma_start3A_354 : memref<!tpu.dma_semaphore, #tpu.memory_space<semaphore_mem>>)
            "tpu.trace_stop"() : () -> ()
          } else {
          }
          %and3A_231 = arith.constant true
          %and3A_232 = arith.andi %and3A, %and3A_231 : i1
          %add3A_233 = arith.constant 1 : i32
          %add3A_234 = arith.addi %while3A_181, %add3A_233 : i32
          %select_n3A_235 = arith.select %and3A_232, %add3A_234, %while3A_181 : i32
          %ne3A_236 = arith.cmpi ne, %add3A_193, %add3A_211 : i32
          %or3A_237 = arith.constant false
          %or3A_238 = arith.ori %or3A_237, %ne3A_236 : i1
          %sub3A_239 = arith.constant 2 : i32
          %sub3A_240 = arith.subi %mul3A_187, %sub3A_239 : i32
          %add3A_241 = arith.constant 1 : i32
          %add3A_242 = arith.addi %sub3A_240, %add3A_241 : i32
          %ge3A_243 = arith.cmpi sge, %while3A_180, %add3A_242 : i32
          %not3A_244 = arith.constant true
          %not3A_245 = arith.xori %ge3A_243, %not3A_244 : i1
          %and3A_246 = arith.andi %or3A_238, %not3A_245 : i1
          %convert_element_type3A_247 = arith.extui %and3A_246 : i1 to i32
          %cond3A_248 = arith.constant 0 : i32
          %cond3A_249 = arith.cmpi ne, %convert_element_type3A_247, %cond3A_248 : i32
          scf.if %cond3A_249 {
            "tpu.trace_start"() <{level = 10 : i32, message = "ep_copy_in"}> : () -> ()
            %rem3A_343 = arith.constant 2 : i32
            %rem3A_344 = arith.remui %while3A_183, %rem3A_343 : i32
            %mul3A_345 = arith.constant 128 : i32
            %mul3A_346 = arith.muli %mul3A_345, %add3A_211 : i32
            %dma_start3A_347 = arith.constant 0 : i32
            %dma_start3A_348 = arith.constant 0 : i32
            %dma_start3A_349 = tpu.memref_slice %run_scoped3A_32[%rem3A_344, %dma_start3A_347, %dma_start3A_348] : memref<2x1x128xi32, #tpu.memory_space<vmem>> -> memref<1x1x128xi32, #tpu.memory_space<vmem>>
            %dma_start3A_350 = tpu.memref_squeeze %dma_start3A_349 : memref<1x1x128xi32, #tpu.memory_space<vmem>> -> memref<1x128xi32, #tpu.memory_space<vmem>>
            %dma_start3A_351 = arith.constant 0 : i32
            %dma_start3A_352 = tpu.memref_slice %arg3[%dma_start3A_351, %mul3A_346] : memref<1x3200000xi32, #tpu.memory_space<hbm>> -> memref<1x128xi32, #tpu.memory_space<hbm>>
            %dma_start3A_353 = tpu.memref_slice %run_scoped3A_33[%rem3A_344] : memref<2x!tpu.dma_semaphore, #tpu.memory_space<semaphore_mem>> -> memref<1x!tpu.dma_semaphore, #tpu.memory_space<semaphore_mem>>
            %dma_start3A_354 = tpu.memref_squeeze %dma_start3A_353 : memref<1x!tpu.dma_semaphore, #tpu.memory_space<semaphore_mem>> -> memref<!tpu.dma_semaphore, #tpu.memory_space<semaphore_mem>>
            %dma_start3A_355 = arith.constant 0 : i32
            %dma_start3A_356 = arith.constant 0 : i32
            %dma_start3A_357 = tpu.memref_slice %run_scoped3A_32[%rem3A_344, %dma_start3A_355, %dma_start3A_356] : memref<2x1x128xi32, #tpu.memory_space<vmem>> -> memref<1x1x128xi32, #tpu.memory_space<vmem>>
            %dma_start3A_358 = tpu.memref_squeeze %dma_start3A_357 : memref<1x1x128xi32, #tpu.memory_space<vmem>> -> memref<1x128xi32, #tpu.memory_space<vmem>>
            %dma_start3A_359 = arith.constant 0 : i32
            %dma_start3A_360 = tpu.memref_slice %arg3[%dma_start3A_359, %mul3A_346] : memref<1x3200000xi32, #tpu.memory_space<hbm>> -> memref<1x128xi32, #tpu.memory_space<hbm>>
            tpu.enqueue_dma source(%dma_start3A_360 : memref<1x128xi32, #tpu.memory_space<hbm>>) target(%dma_start3A_358 : memref<1x128xi32, #tpu.memory_space<vmem>>) target_semaphore(%dma_start3A_354 : memref<!tpu.dma_semaphore, #tpu.memory_space<semaphore_mem>>)
            "tpu.trace_stop"() : () -> ()
          } else {
          }
          %and3A_250 = arith.constant true
          %and3A_251 = arith.andi %and3A_246, %and3A_250 : i1
          %add3A_252 = arith.constant 1 : i32
          %add3A_253 = arith.addi %while3A_183, %add3A_252 : i32
          %select_n3A_254 = arith.select %and3A_251, %add3A_253, %while3A_183 : i32
          %ne3A_255 = arith.cmpi ne, %add3A_193, %add3A_203 : i32
          %or3A_256 = arith.constant false
          %or3A_257 = arith.ori %or3A_256, %ne3A_255 : i1
          %or3A_258 = arith.constant false
          %or3A_259 = arith.ori %or3A_257, %or3A_258 : i1
          %or3A_260 = arith.ori %or3A_259, %eq3A_189 : i1
          %convert_element_type3A_261 = arith.extui %or3A_260 : i1 to i32
          %cond3A_262 = arith.constant 0 : i32
          %cond3A_263 = arith.cmpi ne, %convert_element_type3A_261, %cond3A_262 : i32
          scf.if %cond3A_263 {
            "tpu.trace_start"() <{level = 10 : i32, message = "ep_wait_in"}> : () -> ()
            %mul3A_343 = arith.constant 128 : i32
            %mul3A_344 = arith.muli %mul3A_343, %add3A_193 : i32
            %rem3A_345 = arith.constant 2 : i32
            %rem3A_346 = arith.remui %while3A_182, %rem3A_345 : i32
            %dma_wait3A = arith.constant 0 : i32
            %dma_wait3A_347 = arith.constant 0 : i32
            %dma_wait3A_348 = tpu.memref_slice %run_scoped3A[%rem3A_346, %dma_wait3A, %dma_wait3A_347] : memref<2x128x16xf32, #tpu.memory_space<vmem>> -> memref<1x128x16xf32, #tpu.memory_space<vmem>>
            %dma_wait3A_349 = tpu.memref_squeeze %dma_wait3A_348 : memref<1x128x16xf32, #tpu.memory_space<vmem>> -> memref<128x16xf32, #tpu.memory_space<vmem>>
            %dma_wait3A_350 = arith.constant 0 : i32
            %dma_wait3A_351 = tpu.memref_slice %arg2[%mul3A_344, %dma_wait3A_350] : memref<3200000x16xf32, #tpu.memory_space<hbm>> -> memref<128x16xf32, #tpu.memory_space<hbm>>
            %dma_wait3A_352 = tpu.memref_slice %run_scoped3A_31[%rem3A_346] : memref<2x!tpu.dma_semaphore, #tpu.memory_space<semaphore_mem>> -> memref<1x!tpu.dma_semaphore, #tpu.memory_space<semaphore_mem>>
            %dma_wait3A_353 = tpu.memref_squeeze %dma_wait3A_352 : memref<1x!tpu.dma_semaphore, #tpu.memory_space<semaphore_mem>> -> memref<!tpu.dma_semaphore, #tpu.memory_space<semaphore_mem>>
            %dma_wait3A_354 = arith.constant 0 : i32
            %dma_wait3A_355 = arith.constant 0 : i32
            %dma_wait3A_356 = tpu.memref_slice %run_scoped3A[%rem3A_346, %dma_wait3A_354, %dma_wait3A_355] : memref<2x128x16xf32, #tpu.memory_space<vmem>> -> memref<1x128x16xf32, #tpu.memory_space<vmem>>
            %dma_wait3A_357 = tpu.memref_squeeze %dma_wait3A_356 : memref<1x128x16xf32, #tpu.memory_space<vmem>> -> memref<128x16xf32, #tpu.memory_space<vmem>>
            %dma_wait3A_358 = arith.constant 0 : i32
            %dma_wait3A_359 = tpu.memref_slice %arg2[%mul3A_344, %dma_wait3A_358] : memref<3200000x16xf32, #tpu.memory_space<hbm>> -> memref<128x16xf32, #tpu.memory_space<hbm>>
            tpu.wait_dma2 semaphore(%dma_wait3A_353 : memref<!tpu.dma_semaphore, #tpu.memory_space<semaphore_mem>>) src(%dma_wait3A_359 : memref<128x16xf32, #tpu.memory_space<hbm>>) dst(%dma_wait3A_357 : memref<128x16xf32, #tpu.memory_space<vmem>>)
            "tpu.trace_stop"() : () -> ()
          } else {
          }
          %ne3A_264 = arith.cmpi ne, %add3A_193, %add3A_203 : i32
          %or3A_265 = arith.constant false
          %or3A_266 = arith.ori %or3A_265, %ne3A_264 : i1
          %or3A_267 = arith.ori %or3A_266, %eq3A_189 : i1
          %convert_element_type3A_268 = arith.extui %or3A_267 : i1 to i32
          %cond3A_269 = arith.constant 0 : i32
          %cond3A_270 = arith.cmpi ne, %convert_element_type3A_268, %cond3A_269 : i32
          scf.if %cond3A_270 {
            "tpu.trace_start"() <{level = 10 : i32, message = "ep_wait_in"}> : () -> ()
            %mul3A_343 = arith.constant 128 : i32
            %mul3A_344 = arith.muli %mul3A_343, %add3A_193 : i32
            %rem3A_345 = arith.constant 2 : i32
            %rem3A_346 = arith.remui %while3A_184, %rem3A_345 : i32
            %dma_wait3A = arith.constant 0 : i32
            %dma_wait3A_347 = arith.constant 0 : i32
            %dma_wait3A_348 = tpu.memref_slice %run_scoped3A_32[%rem3A_346, %dma_wait3A, %dma_wait3A_347] : memref<2x1x128xi32, #tpu.memory_space<vmem>> -> memref<1x1x128xi32, #tpu.memory_space<vmem>>
            %dma_wait3A_349 = tpu.memref_squeeze %dma_wait3A_348 : memref<1x1x128xi32, #tpu.memory_space<vmem>> -> memref<1x128xi32, #tpu.memory_space<vmem>>
            %dma_wait3A_350 = arith.constant 0 : i32
            %dma_wait3A_351 = tpu.memref_slice %arg3[%dma_wait3A_350, %mul3A_344] : memref<1x3200000xi32, #tpu.memory_space<hbm>> -> memref<1x128xi32, #tpu.memory_space<hbm>>
            %dma_wait3A_352 = tpu.memref_slice %run_scoped3A_33[%rem3A_346] : memref<2x!tpu.dma_semaphore, #tpu.memory_space<semaphore_mem>> -> memref<1x!tpu.dma_semaphore, #tpu.memory_space<semaphore_mem>>
            %dma_wait3A_353 = tpu.memref_squeeze %dma_wait3A_352 : memref<1x!tpu.dma_semaphore, #tpu.memory_space<semaphore_mem>> -> memref<!tpu.dma_semaphore, #tpu.memory_space<semaphore_mem>>
            %dma_wait3A_354 = arith.constant 0 : i32
            %dma_wait3A_355 = arith.constant 0 : i32
            %dma_wait3A_356 = tpu.memref_slice %run_scoped3A_32[%rem3A_346, %dma_wait3A_354, %dma_wait3A_355] : memref<2x1x128xi32, #tpu.memory_space<vmem>> -> memref<1x1x128xi32, #tpu.memory_space<vmem>>
            %dma_wait3A_357 = tpu.memref_squeeze %dma_wait3A_356 : memref<1x1x128xi32, #tpu.memory_space<vmem>> -> memref<1x128xi32, #tpu.memory_space<vmem>>
            %dma_wait3A_358 = arith.constant 0 : i32
            %dma_wait3A_359 = tpu.memref_slice %arg3[%dma_wait3A_358, %mul3A_344] : memref<1x3200000xi32, #tpu.memory_space<hbm>> -> memref<1x128xi32, #tpu.memory_space<hbm>>
            tpu.wait_dma2 semaphore(%dma_wait3A_353 : memref<!tpu.dma_semaphore, #tpu.memory_space<semaphore_mem>>) src(%dma_wait3A_359 : memref<1x128xi32, #tpu.memory_space<hbm>>) dst(%dma_wait3A_357 : memref<1x128xi32, #tpu.memory_space<vmem>>)
            "tpu.trace_stop"() : () -> ()
          } else {
          }
          %rem3A_271 = arith.constant 2 : i32
          %rem3A_272 = arith.remui %while3A_182, %rem3A_271 : i32
          %rem3A_273 = arith.constant 2 : i32
          %rem3A_274 = arith.remui %while3A_184, %rem3A_273 : i32
          %run_scoped3A_275 = arith.constant 0 : i32
          "tpu.trace_start"() <{level = 10 : i32, message = "ep_run_kernel"}> : () -> ()
          "tpu.region"() ({
            %run_scoped3A_343 = tpu.sem_alloc : memref<!tpu.dma_semaphore, #tpu.memory_space<semaphore_mem>>
            %dma_start3A_344 = arith.constant 0 : i32
            %dma_start3A_345 = arith.constant 0 : i32
            %dma_start3A_346 = tpu.memref_slice %run_scoped3A[%rem3A_272, %dma_start3A_344, %dma_start3A_345] : memref<2x128x16xf32, #tpu.memory_space<vmem>> -> memref<1x128x16xf32, #tpu.memory_space<vmem>>
            %dma_start3A_347 = tpu.memref_squeeze %dma_start3A_346 : memref<1x128x16xf32, #tpu.memory_space<vmem>> -> memref<128x16xf32, #tpu.memory_space<vmem>>
            %dma_start3A_348 = arith.constant 0 : i32
            %dma_start3A_349 = arith.constant 0 : i32
            %dma_start3A_350 = tpu.memref_slice %run_scoped3A_32[%rem3A_274, %dma_start3A_348, %dma_start3A_349] : memref<2x1x128xi32, #tpu.memory_space<vmem>> -> memref<1x1x128xi32, #tpu.memory_space<vmem>>
            %dma_start3A_351 = tpu.memref_squeeze %dma_start3A_350 : memref<1x1x128xi32, #tpu.memory_space<vmem>> -> memref<1x128xi32, #tpu.memory_space<vmem>>
            %dma_start3A_352 = arith.constant 0 : i32
            %dma_start3A_353 = tpu.memref_slice %dma_start3A_351[%run_scoped3A_275, %dma_start3A_352] : memref<1x128xi32, #tpu.memory_space<vmem>> -> memref<1x128xi32, #tpu.memory_space<vmem>>
            %dma_start3A_354 = tpu.memref_squeeze %dma_start3A_353 : memref<1x128xi32, #tpu.memory_space<vmem>> -> memref<128xi32, #tpu.memory_space<vmem>>
            %dma_start3A_355 = arith.constant 0 : i32
            %dma_start3A_356 = arith.constant 0 : i32
            %dma_start3A_357 = tpu.memref_slice %arg5[%dma_start3A_355, %dma_start3A_356] : memref<100000x16xf32, #tpu.memory_space<vmem_shared>> -> memref<100000x16xf32, #tpu.memory_space<vmem_shared>>
            tpu.enqueue_indirect_dma source(%dma_start3A_347 : memref<128x16xf32, #tpu.memory_space<vmem>>) target(%dma_start3A_357 : memref<100000x16xf32, #tpu.memory_space<vmem_shared>>) offsets(%dma_start3A_354 : memref<128xi32, #tpu.memory_space<vmem>>) semaphore(%run_scoped3A_343 : memref<!tpu.dma_semaphore, #tpu.memory_space<semaphore_mem>>) {add = true}
            %dma_wait3A = arith.constant 0 : i32
            %dma_wait3A_358 = arith.constant 0 : i32
            %dma_wait3A_359 = tpu.memref_slice %run_scoped3A[%rem3A_272, %dma_wait3A, %dma_wait3A_358] : memref<2x128x16xf32, #tpu.memory_space<vmem>> -> memref<1x128x16xf32, #tpu.memory_space<vmem>>
            %dma_wait3A_360 = tpu.memref_squeeze %dma_wait3A_359 : memref<1x128x16xf32, #tpu.memory_space<vmem>> -> memref<128x16xf32, #tpu.memory_space<vmem>>
            %dma_wait3A_361 = arith.constant 0 : i32
            %dma_wait3A_362 = arith.constant 0 : i32
            %dma_wait3A_363 = tpu.memref_slice %run_scoped3A_32[%rem3A_274, %dma_wait3A_361, %dma_wait3A_362] : memref<2x1x128xi32, #tpu.memory_space<vmem>> -> memref<1x1x128xi32, #tpu.memory_space<vmem>>
            %dma_wait3A_364 = tpu.memref_squeeze %dma_wait3A_363 : memref<1x1x128xi32, #tpu.memory_space<vmem>> -> memref<1x128xi32, #tpu.memory_space<vmem>>
            %dma_wait3A_365 = arith.constant 0 : i32
            %dma_wait3A_366 = tpu.memref_slice %dma_wait3A_364[%run_scoped3A_275, %dma_wait3A_365] : memref<1x128xi32, #tpu.memory_space<vmem>> -> memref<1x128xi32, #tpu.memory_space<vmem>>
            %dma_wait3A_367 = tpu.memref_squeeze %dma_wait3A_366 : memref<1x128xi32, #tpu.memory_space<vmem>> -> memref<128xi32, #tpu.memory_space<vmem>>
            %dma_wait3A_368 = arith.constant 0 : i32
            %dma_wait3A_369 = arith.constant 0 : i32
            %dma_wait3A_370 = tpu.memref_slice %arg5[%dma_wait3A_368, %dma_wait3A_369] : memref<100000x16xf32, #tpu.memory_space<vmem_shared>> -> memref<100000x16xf32, #tpu.memory_space<vmem_shared>>
            tpu.wait_indirect_dma semaphore(%run_scoped3A_343 : memref<!tpu.dma_semaphore, #tpu.memory_space<semaphore_mem>>) src(%dma_wait3A_360 : memref<128x16xf32, #tpu.memory_space<vmem>>) dst(%dma_wait3A_370 : memref<100000x16xf32, #tpu.memory_space<vmem_shared>>)
            tpu.yield
          }) : () -> ()
          "tpu.trace_stop"() : () -> ()
          %ne3A_276 = arith.cmpi ne, %add3A_193, %add3A_211 : i32
          %or3A_277 = arith.constant false
          %or3A_278 = arith.ori %or3A_277, %ne3A_276 : i1
          %or3A_279 = arith.constant false
          %or3A_280 = arith.ori %or3A_278, %or3A_279 : i1
          %or3A_281 = arith.ori %or3A_280, %eq3A_192 : i1
          %convert_element_type3A_282 = arith.extui %or3A_281 : i1 to i32
          %cond3A_283 = arith.constant 0 : i32
          %cond3A_284 = arith.cmpi ne, %convert_element_type3A_282, %cond3A_283 : i32
          scf.if %cond3A_284 {
          } else {
          }
          %and3A_285 = arith.constant false
          %and3A_286 = arith.andi %or3A_281, %and3A_285 : i1
          %ne3A_287 = arith.cmpi ne, %add3A_193, %add3A_211 : i32
          %or3A_288 = arith.constant false
          %or3A_289 = arith.ori %or3A_288, %ne3A_287 : i1
          %or3A_290 = arith.ori %or3A_289, %eq3A_192 : i1
          %convert_element_type3A_291 = arith.extui %or3A_290 : i1 to i32
          %cond3A_292 = arith.constant 0 : i32
          %cond3A_293 = arith.cmpi ne, %convert_element_type3A_291, %cond3A_292 : i32
          scf.if %cond3A_293 {
          } else {
          }
          %and3A_294 = arith.constant false
          %and3A_295 = arith.andi %or3A_290, %and3A_294 : i1
          %ne3A_296 = arith.cmpi ne, %add3A_193, %add3A_203 : i32
          %or3A_297 = arith.constant false
          %or3A_298 = arith.ori %or3A_297, %ne3A_296 : i1
          %or3A_299 = arith.constant false
          %or3A_300 = arith.ori %or3A_298, %or3A_299 : i1
          %not3A_301 = arith.constant true
          %not3A_302 = arith.xori %eq3A_189, %not3A_301 : i1
          %and3A_303 = arith.andi %or3A_300, %not3A_302 : i1
          %convert_element_type3A_304 = arith.extui %and3A_303 : i1 to i32
          %cond3A_305 = arith.constant 0 : i32
          %cond3A_306 = arith.cmpi ne, %convert_element_type3A_304, %cond3A_305 : i32
          scf.if %cond3A_306 {
          } else {
          }
          %and3A_307 = arith.constant false
          %and3A_308 = arith.andi %and3A_303, %and3A_307 : i1
          %ne3A_309 = arith.cmpi ne, %add3A_193, %add3A_203 : i32
          %or3A_310 = arith.constant false
          %or3A_311 = arith.ori %or3A_310, %ne3A_309 : i1
          %not3A_312 = arith.constant true
          %not3A_313 = arith.xori %eq3A_189, %not3A_312 : i1
          %and3A_314 = arith.andi %or3A_311, %not3A_313 : i1
          %convert_element_type3A_315 = arith.extui %and3A_314 : i1 to i32
          %cond3A_316 = arith.constant 0 : i32
          %cond3A_317 = arith.cmpi ne, %convert_element_type3A_315, %cond3A_316 : i32
          scf.if %cond3A_317 {
          } else {
          }
          %and3A_318 = arith.constant false
          %and3A_319 = arith.andi %and3A_314, %and3A_318 : i1
          %ne3A_320 = arith.cmpi ne, %add3A_193, %add3A_211 : i32
          %or3A_321 = arith.constant false
          %or3A_322 = arith.ori %or3A_321, %ne3A_320 : i1
          %or3A_323 = arith.constant false
          %or3A_324 = arith.ori %or3A_322, %or3A_323 : i1
          %or3A_325 = arith.ori %or3A_324, %eq3A_192 : i1
          %add3A_326 = arith.constant 1 : i32
          %add3A_327 = arith.addi %while3A_182, %add3A_326 : i32
          %select_n3A_328 = arith.select %or3A_325, %add3A_327, %while3A_182 : i32
          %ne3A_329 = arith.cmpi ne, %add3A_193, %add3A_211 : i32
          %or3A_330 = arith.constant false
          %or3A_331 = arith.ori %or3A_330, %ne3A_329 : i1
          %or3A_332 = arith.ori %or3A_331, %eq3A_192 : i1
          %add3A_333 = arith.constant 1 : i32
          %add3A_334 = arith.addi %while3A_184, %add3A_333 : i32
          %select_n3A_335 = arith.select %or3A_332, %add3A_334, %while3A_184 : i32
          %add3A_336 = arith.constant 1 : i32
          %add3A_337 = arith.addi %while3A_185, %add3A_336 : i32
          %select_n3A_338 = arith.constant true
          %select_n3A_339 = arith.select %select_n3A_338, %add3A_337, %while3A_185 : i32
          %eq3A_340 = arith.cmpi eq, %select_n3A_339, %select_n3A : i32
          %select_n3A_341 = arith.constant 0 : i32
          %select_n3A_342 = arith.select %eq3A_340, %select_n3A_341, %select_n3A_339 : i32
          scf.yield %select_n3A_235, %select_n3A_328, %select_n3A_254, %select_n3A_335, %select_n3A_342 : i32, i32, i32, i32, i32
        }
        %while3A_127 = arith.constant 1 : i32
        %while3A_128:5 = scf.for %while3A_180 = %while3A_124 to %while3A_120 step %while3A_127 iter_args(%while3A_181 = %while3A_126#0, %while3A_182 = %while3A_126#1, %while3A_183 = %while3A_126#2, %while3A_184 = %while3A_126#3, %while3A_185 = %while3A_126#4) -> (i32, i32, i32, i32, i32)  : i32 {
          %mul3A_186 = arith.constant 1 : i32
          %mul3A_187 = arith.muli %mul3A_186, %select_n3A : i32
          %eq3A_188 = arith.constant 0 : i32
          %eq3A_189 = arith.cmpi eq, %while3A_180, %eq3A_188 : i32
          %sub3A_190 = arith.constant 1 : i32
          %sub3A_191 = arith.subi %mul3A_187, %sub3A_190 : i32
          %eq3A_192 = arith.cmpi eq, %while3A_180, %sub3A_191 : i32
          %add3A_193 = arith.addi %while3A_185, %select_n3A_23 : i32
          %sub3A_194 = arith.constant 1 : i32
          %sub3A_195 = arith.subi %while3A_185, %sub3A_194 : i32
          %select_n3A_196 = arith.constant true
          %select_n3A_197 = arith.select %select_n3A_196, %sub3A_195, %while3A_185 : i32
          %eq3A_198 = arith.constant -1 : i32
          %eq3A_199 = arith.cmpi eq, %select_n3A_197, %eq3A_198 : i32
          %sub3A_200 = arith.constant 1 : i32
          %sub3A_201 = arith.subi %select_n3A, %sub3A_200 : i32
          %select_n3A_202 = arith.select %eq3A_199, %sub3A_201, %select_n3A_197 : i32
          %add3A_203 = arith.addi %select_n3A_202, %select_n3A_23 : i32
          %add3A_204 = arith.constant 1 : i32
          %add3A_205 = arith.addi %while3A_185, %add3A_204 : i32
          %select_n3A_206 = arith.constant true
          %select_n3A_207 = arith.select %select_n3A_206, %add3A_205, %while3A_185 : i32
          %eq3A_208 = arith.cmpi eq, %select_n3A_207, %select_n3A : i32
          %select_n3A_209 = arith.constant 0 : i32
          %select_n3A_210 = arith.select %eq3A_208, %select_n3A_209, %select_n3A_207 : i32
          %add3A_211 = arith.addi %select_n3A_210, %select_n3A_23 : i32
          %add3A_212 = arith.constant 1 : i32
          %add3A_213 = arith.addi %select_n3A_210, %add3A_212 : i32
          %select_n3A_214 = arith.constant true
          %select_n3A_215 = arith.select %select_n3A_214, %add3A_213, %select_n3A_210 : i32
          %eq3A_216 = arith.cmpi eq, %select_n3A_215, %select_n3A : i32
          %select_n3A_217 = arith.constant 0 : i32
          %select_n3A_218 = arith.select %eq3A_216, %select_n3A_217, %select_n3A_215 : i32
          %add3A_219 = arith.addi %select_n3A_218, %select_n3A_23 : i32
          %ne3A = arith.cmpi ne, %add3A_193, %add3A_211 : i32
          %or3A = arith.constant false
          %or3A_220 = arith.ori %or3A, %ne3A : i1
          %or3A_221 = arith.constant false
          %or3A_222 = arith.ori %or3A_220, %or3A_221 : i1
          %sub3A_223 = arith.constant 2 : i32
          %sub3A_224 = arith.subi %mul3A_187, %sub3A_223 : i32
          %add3A_225 = arith.constant 1 : i32
          %add3A_226 = arith.addi %sub3A_224, %add3A_225 : i32
          %ge3A = arith.cmpi sge, %while3A_180, %add3A_226 : i32
          %not3A = arith.constant true
          %not3A_227 = arith.xori %ge3A, %not3A : i1
          %and3A = arith.andi %or3A_222, %not3A_227 : i1
          %convert_element_type3A_228 = arith.extui %and3A : i1 to i32
          %cond3A_229 = arith.constant 0 : i32
          %cond3A_230 = arith.cmpi ne, %convert_element_type3A_228, %cond3A_229 : i32
          scf.if %cond3A_230 {
            "tpu.trace_start"() <{level = 10 : i32, message = "ep_copy_in"}> : () -> ()
            %rem3A_343 = arith.constant 2 : i32
            %rem3A_344 = arith.remui %while3A_181, %rem3A_343 : i32
            %mul3A_345 = arith.constant 128 : i32
            %mul3A_346 = arith.muli %mul3A_345, %add3A_211 : i32
            %dma_start3A_347 = arith.constant 0 : i32
            %dma_start3A_348 = arith.constant 0 : i32
            %dma_start3A_349 = tpu.memref_slice %run_scoped3A[%rem3A_344, %dma_start3A_347, %dma_start3A_348] : memref<2x128x16xf32, #tpu.memory_space<vmem>> -> memref<1x128x16xf32, #tpu.memory_space<vmem>>
            %dma_start3A_350 = tpu.memref_squeeze %dma_start3A_349 : memref<1x128x16xf32, #tpu.memory_space<vmem>> -> memref<128x16xf32, #tpu.memory_space<vmem>>
            %dma_start3A_351 = arith.constant 0 : i32
            %dma_start3A_352 = tpu.memref_slice %arg2[%mul3A_346, %dma_start3A_351] : memref<3200000x16xf32, #tpu.memory_space<hbm>> -> memref<128x16xf32, #tpu.memory_space<hbm>>
            %dma_start3A_353 = tpu.memref_slice %run_scoped3A_31[%rem3A_344] : memref<2x!tpu.dma_semaphore, #tpu.memory_space<semaphore_mem>> -> memref<1x!tpu.dma_semaphore, #tpu.memory_space<semaphore_mem>>
            %dma_start3A_354 = tpu.memref_squeeze %dma_start3A_353 : memref<1x!tpu.dma_semaphore, #tpu.memory_space<semaphore_mem>> -> memref<!tpu.dma_semaphore, #tpu.memory_space<semaphore_mem>>
            %dma_start3A_355 = arith.constant 0 : i32
            %dma_start3A_356 = arith.constant 0 : i32
            %dma_start3A_357 = tpu.memref_slice %run_scoped3A[%rem3A_344, %dma_start3A_355, %dma_start3A_356] : memref<2x128x16xf32, #tpu.memory_space<vmem>> -> memref<1x128x16xf32, #tpu.memory_space<vmem>>
            %dma_start3A_358 = tpu.memref_squeeze %dma_start3A_357 : memref<1x128x16xf32, #tpu.memory_space<vmem>> -> memref<128x16xf32, #tpu.memory_space<vmem>>
            %dma_start3A_359 = arith.constant 0 : i32
            %dma_start3A_360 = tpu.memref_slice %arg2[%mul3A_346, %dma_start3A_359] : memref<3200000x16xf32, #tpu.memory_space<hbm>> -> memref<128x16xf32, #tpu.memory_space<hbm>>
            tpu.enqueue_dma source(%dma_start3A_360 : memref<128x16xf32, #tpu.memory_space<hbm>>) target(%dma_start3A_358 : memref<128x16xf32, #tpu.memory_space<vmem>>) target_semaphore(%dma_start3A_354 : memref<!tpu.dma_semaphore, #tpu.memory_space<semaphore_mem>>)
            "tpu.trace_stop"() : () -> ()
          } else {
          }
          %and3A_231 = arith.constant true
          %and3A_232 = arith.andi %and3A, %and3A_231 : i1
          %add3A_233 = arith.constant 1 : i32
          %add3A_234 = arith.addi %while3A_181, %add3A_233 : i32
          %select_n3A_235 = arith.select %and3A_232, %add3A_234, %while3A_181 : i32
          %ne3A_236 = arith.cmpi ne, %add3A_193, %add3A_211 : i32
          %or3A_237 = arith.constant false
          %or3A_238 = arith.ori %or3A_237, %ne3A_236 : i1
          %sub3A_239 = arith.constant 2 : i32
          %sub3A_240 = arith.subi %mul3A_187, %sub3A_239 : i32
          %add3A_241 = arith.constant 1 : i32
          %add3A_242 = arith.addi %sub3A_240, %add3A_241 : i32
          %ge3A_243 = arith.cmpi sge, %while3A_180, %add3A_242 : i32
          %not3A_244 = arith.constant true
          %not3A_245 = arith.xori %ge3A_243, %not3A_244 : i1
          %and3A_246 = arith.andi %or3A_238, %not3A_245 : i1
          %convert_element_type3A_247 = arith.extui %and3A_246 : i1 to i32
          %cond3A_248 = arith.constant 0 : i32
          %cond3A_249 = arith.cmpi ne, %convert_element_type3A_247, %cond3A_248 : i32
          scf.if %cond3A_249 {
            "tpu.trace_start"() <{level = 10 : i32, message = "ep_copy_in"}> : () -> ()
            %rem3A_343 = arith.constant 2 : i32
            %rem3A_344 = arith.remui %while3A_183, %rem3A_343 : i32
            %mul3A_345 = arith.constant 128 : i32
            %mul3A_346 = arith.muli %mul3A_345, %add3A_211 : i32
            %dma_start3A_347 = arith.constant 0 : i32
            %dma_start3A_348 = arith.constant 0 : i32
            %dma_start3A_349 = tpu.memref_slice %run_scoped3A_32[%rem3A_344, %dma_start3A_347, %dma_start3A_348] : memref<2x1x128xi32, #tpu.memory_space<vmem>> -> memref<1x1x128xi32, #tpu.memory_space<vmem>>
            %dma_start3A_350 = tpu.memref_squeeze %dma_start3A_349 : memref<1x1x128xi32, #tpu.memory_space<vmem>> -> memref<1x128xi32, #tpu.memory_space<vmem>>
            %dma_start3A_351 = arith.constant 0 : i32
            %dma_start3A_352 = tpu.memref_slice %arg3[%dma_start3A_351, %mul3A_346] : memref<1x3200000xi32, #tpu.memory_space<hbm>> -> memref<1x128xi32, #tpu.memory_space<hbm>>
            %dma_start3A_353 = tpu.memref_slice %run_scoped3A_33[%rem3A_344] : memref<2x!tpu.dma_semaphore, #tpu.memory_space<semaphore_mem>> -> memref<1x!tpu.dma_semaphore, #tpu.memory_space<semaphore_mem>>
            %dma_start3A_354 = tpu.memref_squeeze %dma_start3A_353 : memref<1x!tpu.dma_semaphore, #tpu.memory_space<semaphore_mem>> -> memref<!tpu.dma_semaphore, #tpu.memory_space<semaphore_mem>>
            %dma_start3A_355 = arith.constant 0 : i32
            %dma_start3A_356 = arith.constant 0 : i32
            %dma_start3A_357 = tpu.memref_slice %run_scoped3A_32[%rem3A_344, %dma_start3A_355, %dma_start3A_356] : memref<2x1x128xi32, #tpu.memory_space<vmem>> -> memref<1x1x128xi32, #tpu.memory_space<vmem>>
            %dma_start3A_358 = tpu.memref_squeeze %dma_start3A_357 : memref<1x1x128xi32, #tpu.memory_space<vmem>> -> memref<1x128xi32, #tpu.memory_space<vmem>>
            %dma_start3A_359 = arith.constant 0 : i32
            %dma_start3A_360 = tpu.memref_slice %arg3[%dma_start3A_359, %mul3A_346] : memref<1x3200000xi32, #tpu.memory_space<hbm>> -> memref<1x128xi32, #tpu.memory_space<hbm>>
            tpu.enqueue_dma source(%dma_start3A_360 : memref<1x128xi32, #tpu.memory_space<hbm>>) target(%dma_start3A_358 : memref<1x128xi32, #tpu.memory_space<vmem>>) target_semaphore(%dma_start3A_354 : memref<!tpu.dma_semaphore, #tpu.memory_space<semaphore_mem>>)
            "tpu.trace_stop"() : () -> ()
          } else {
          }
          %and3A_250 = arith.constant true
          %and3A_251 = arith.andi %and3A_246, %and3A_250 : i1
          %add3A_252 = arith.constant 1 : i32
          %add3A_253 = arith.addi %while3A_183, %add3A_252 : i32
          %select_n3A_254 = arith.select %and3A_251, %add3A_253, %while3A_183 : i32
          %ne3A_255 = arith.cmpi ne, %add3A_193, %add3A_203 : i32
          %or3A_256 = arith.constant false
          %or3A_257 = arith.ori %or3A_256, %ne3A_255 : i1
          %or3A_258 = arith.constant false
          %or3A_259 = arith.ori %or3A_257, %or3A_258 : i1
          %or3A_260 = arith.ori %or3A_259, %eq3A_189 : i1
          %convert_element_type3A_261 = arith.extui %or3A_260 : i1 to i32
          %cond3A_262 = arith.constant 0 : i32
          %cond3A_263 = arith.cmpi ne, %convert_element_type3A_261, %cond3A_262 : i32
          scf.if %cond3A_263 {
            "tpu.trace_start"() <{level = 10 : i32, message = "ep_wait_in"}> : () -> ()
            %mul3A_343 = arith.constant 128 : i32
            %mul3A_344 = arith.muli %mul3A_343, %add3A_193 : i32
            %rem3A_345 = arith.constant 2 : i32
            %rem3A_346 = arith.remui %while3A_182, %rem3A_345 : i32
            %dma_wait3A = arith.constant 0 : i32
            %dma_wait3A_347 = arith.constant 0 : i32
            %dma_wait3A_348 = tpu.memref_slice %run_scoped3A[%rem3A_346, %dma_wait3A, %dma_wait3A_347] : memref<2x128x16xf32, #tpu.memory_space<vmem>> -> memref<1x128x16xf32, #tpu.memory_space<vmem>>
            %dma_wait3A_349 = tpu.memref_squeeze %dma_wait3A_348 : memref<1x128x16xf32, #tpu.memory_space<vmem>> -> memref<128x16xf32, #tpu.memory_space<vmem>>
            %dma_wait3A_350 = arith.constant 0 : i32
            %dma_wait3A_351 = tpu.memref_slice %arg2[%mul3A_344, %dma_wait3A_350] : memref<3200000x16xf32, #tpu.memory_space<hbm>> -> memref<128x16xf32, #tpu.memory_space<hbm>>
            %dma_wait3A_352 = tpu.memref_slice %run_scoped3A_31[%rem3A_346] : memref<2x!tpu.dma_semaphore, #tpu.memory_space<semaphore_mem>> -> memref<1x!tpu.dma_semaphore, #tpu.memory_space<semaphore_mem>>
            %dma_wait3A_353 = tpu.memref_squeeze %dma_wait3A_352 : memref<1x!tpu.dma_semaphore, #tpu.memory_space<semaphore_mem>> -> memref<!tpu.dma_semaphore, #tpu.memory_space<semaphore_mem>>
            %dma_wait3A_354 = arith.constant 0 : i32
            %dma_wait3A_355 = arith.constant 0 : i32
            %dma_wait3A_356 = tpu.memref_slice %run_scoped3A[%rem3A_346, %dma_wait3A_354, %dma_wait3A_355] : memref<2x128x16xf32, #tpu.memory_space<vmem>> -> memref<1x128x16xf32, #tpu.memory_space<vmem>>
            %dma_wait3A_357 = tpu.memref_squeeze %dma_wait3A_356 : memref<1x128x16xf32, #tpu.memory_space<vmem>> -> memref<128x16xf32, #tpu.memory_space<vmem>>
            %dma_wait3A_358 = arith.constant 0 : i32
            %dma_wait3A_359 = tpu.memref_slice %arg2[%mul3A_344, %dma_wait3A_358] : memref<3200000x16xf32, #tpu.memory_space<hbm>> -> memref<128x16xf32, #tpu.memory_space<hbm>>
            tpu.wait_dma2 semaphore(%dma_wait3A_353 : memref<!tpu.dma_semaphore, #tpu.memory_space<semaphore_mem>>) src(%dma_wait3A_359 : memref<128x16xf32, #tpu.memory_space<hbm>>) dst(%dma_wait3A_357 : memref<128x16xf32, #tpu.memory_space<vmem>>)
            "tpu.trace_stop"() : () -> ()
          } else {
          }
          %ne3A_264 = arith.cmpi ne, %add3A_193, %add3A_203 : i32
          %or3A_265 = arith.constant false
          %or3A_266 = arith.ori %or3A_265, %ne3A_264 : i1
          %or3A_267 = arith.ori %or3A_266, %eq3A_189 : i1
          %convert_element_type3A_268 = arith.extui %or3A_267 : i1 to i32
          %cond3A_269 = arith.constant 0 : i32
          %cond3A_270 = arith.cmpi ne, %convert_element_type3A_268, %cond3A_269 : i32
          scf.if %cond3A_270 {
            "tpu.trace_start"() <{level = 10 : i32, message = "ep_wait_in"}> : () -> ()
            %mul3A_343 = arith.constant 128 : i32
            %mul3A_344 = arith.muli %mul3A_343, %add3A_193 : i32
            %rem3A_345 = arith.constant 2 : i32
            %rem3A_346 = arith.remui %while3A_184, %rem3A_345 : i32
            %dma_wait3A = arith.constant 0 : i32
            %dma_wait3A_347 = arith.constant 0 : i32
            %dma_wait3A_348 = tpu.memref_slice %run_scoped3A_32[%rem3A_346, %dma_wait3A, %dma_wait3A_347] : memref<2x1x128xi32, #tpu.memory_space<vmem>> -> memref<1x1x128xi32, #tpu.memory_space<vmem>>
            %dma_wait3A_349 = tpu.memref_squeeze %dma_wait3A_348 : memref<1x1x128xi32, #tpu.memory_space<vmem>> -> memref<1x128xi32, #tpu.memory_space<vmem>>
            %dma_wait3A_350 = arith.constant 0 : i32
            %dma_wait3A_351 = tpu.memref_slice %arg3[%dma_wait3A_350, %mul3A_344] : memref<1x3200000xi32, #tpu.memory_space<hbm>> -> memref<1x128xi32, #tpu.memory_space<hbm>>
            %dma_wait3A_352 = tpu.memref_slice %run_scoped3A_33[%rem3A_346] : memref<2x!tpu.dma_semaphore, #tpu.memory_space<semaphore_mem>> -> memref<1x!tpu.dma_semaphore, #tpu.memory_space<semaphore_mem>>
            %dma_wait3A_353 = tpu.memref_squeeze %dma_wait3A_352 : memref<1x!tpu.dma_semaphore, #tpu.memory_space<semaphore_mem>> -> memref<!tpu.dma_semaphore, #tpu.memory_space<semaphore_mem>>
            %dma_wait3A_354 = arith.constant 0 : i32
            %dma_wait3A_355 = arith.constant 0 : i32
            %dma_wait3A_356 = tpu.memref_slice %run_scoped3A_32[%rem3A_346, %dma_wait3A_354, %dma_wait3A_355] : memref<2x1x128xi32, #tpu.memory_space<vmem>> -> memref<1x1x128xi32, #tpu.memory_space<vmem>>
            %dma_wait3A_357 = tpu.memref_squeeze %dma_wait3A_356 : memref<1x1x128xi32, #tpu.memory_space<vmem>> -> memref<1x128xi32, #tpu.memory_space<vmem>>
            %dma_wait3A_358 = arith.constant 0 : i32
            %dma_wait3A_359 = tpu.memref_slice %arg3[%dma_wait3A_358, %mul3A_344] : memref<1x3200000xi32, #tpu.memory_space<hbm>> -> memref<1x128xi32, #tpu.memory_space<hbm>>
            tpu.wait_dma2 semaphore(%dma_wait3A_353 : memref<!tpu.dma_semaphore, #tpu.memory_space<semaphore_mem>>) src(%dma_wait3A_359 : memref<1x128xi32, #tpu.memory_space<hbm>>) dst(%dma_wait3A_357 : memref<1x128xi32, #tpu.memory_space<vmem>>)
            "tpu.trace_stop"() : () -> ()
          } else {
          }
          %rem3A_271 = arith.constant 2 : i32
          %rem3A_272 = arith.remui %while3A_182, %rem3A_271 : i32
          %rem3A_273 = arith.constant 2 : i32
          %rem3A_274 = arith.remui %while3A_184, %rem3A_273 : i32
          %run_scoped3A_275 = arith.constant 0 : i32
          "tpu.trace_start"() <{level = 10 : i32, message = "ep_run_kernel"}> : () -> ()
          "tpu.region"() ({
            %run_scoped3A_343 = tpu.sem_alloc : memref<!tpu.dma_semaphore, #tpu.memory_space<semaphore_mem>>
            %dma_start3A_344 = arith.constant 0 : i32
            %dma_start3A_345 = arith.constant 0 : i32
            %dma_start3A_346 = tpu.memref_slice %run_scoped3A[%rem3A_272, %dma_start3A_344, %dma_start3A_345] : memref<2x128x16xf32, #tpu.memory_space<vmem>> -> memref<1x128x16xf32, #tpu.memory_space<vmem>>
            %dma_start3A_347 = tpu.memref_squeeze %dma_start3A_346 : memref<1x128x16xf32, #tpu.memory_space<vmem>> -> memref<128x16xf32, #tpu.memory_space<vmem>>
            %dma_start3A_348 = arith.constant 0 : i32
            %dma_start3A_349 = arith.constant 0 : i32
            %dma_start3A_350 = tpu.memref_slice %run_scoped3A_32[%rem3A_274, %dma_start3A_348, %dma_start3A_349] : memref<2x1x128xi32, #tpu.memory_space<vmem>> -> memref<1x1x128xi32, #tpu.memory_space<vmem>>
            %dma_start3A_351 = tpu.memref_squeeze %dma_start3A_350 : memref<1x1x128xi32, #tpu.memory_space<vmem>> -> memref<1x128xi32, #tpu.memory_space<vmem>>
            %dma_start3A_352 = arith.constant 0 : i32
            %dma_start3A_353 = tpu.memref_slice %dma_start3A_351[%run_scoped3A_275, %dma_start3A_352] : memref<1x128xi32, #tpu.memory_space<vmem>> -> memref<1x128xi32, #tpu.memory_space<vmem>>
            %dma_start3A_354 = tpu.memref_squeeze %dma_start3A_353 : memref<1x128xi32, #tpu.memory_space<vmem>> -> memref<128xi32, #tpu.memory_space<vmem>>
            %dma_start3A_355 = arith.constant 0 : i32
            %dma_start3A_356 = arith.constant 0 : i32
            %dma_start3A_357 = tpu.memref_slice %arg5[%dma_start3A_355, %dma_start3A_356] : memref<100000x16xf32, #tpu.memory_space<vmem_shared>> -> memref<100000x16xf32, #tpu.memory_space<vmem_shared>>
            tpu.enqueue_indirect_dma source(%dma_start3A_347 : memref<128x16xf32, #tpu.memory_space<vmem>>) target(%dma_start3A_357 : memref<100000x16xf32, #tpu.memory_space<vmem_shared>>) offsets(%dma_start3A_354 : memref<128xi32, #tpu.memory_space<vmem>>) semaphore(%run_scoped3A_343 : memref<!tpu.dma_semaphore, #tpu.memory_space<semaphore_mem>>) {add = true}
            %dma_wait3A = arith.constant 0 : i32
            %dma_wait3A_358 = arith.constant 0 : i32
            %dma_wait3A_359 = tpu.memref_slice %run_scoped3A[%rem3A_272, %dma_wait3A, %dma_wait3A_358] : memref<2x128x16xf32, #tpu.memory_space<vmem>> -> memref<1x128x16xf32, #tpu.memory_space<vmem>>
            %dma_wait3A_360 = tpu.memref_squeeze %dma_wait3A_359 : memref<1x128x16xf32, #tpu.memory_space<vmem>> -> memref<128x16xf32, #tpu.memory_space<vmem>>
            %dma_wait3A_361 = arith.constant 0 : i32
            %dma_wait3A_362 = arith.constant 0 : i32
            %dma_wait3A_363 = tpu.memref_slice %run_scoped3A_32[%rem3A_274, %dma_wait3A_361, %dma_wait3A_362] : memref<2x1x128xi32, #tpu.memory_space<vmem>> -> memref<1x1x128xi32, #tpu.memory_space<vmem>>
            %dma_wait3A_364 = tpu.memref_squeeze %dma_wait3A_363 : memref<1x1x128xi32, #tpu.memory_space<vmem>> -> memref<1x128xi32, #tpu.memory_space<vmem>>
            %dma_wait3A_365 = arith.constant 0 : i32
            %dma_wait3A_366 = tpu.memref_slice %dma_wait3A_364[%run_scoped3A_275, %dma_wait3A_365] : memref<1x128xi32, #tpu.memory_space<vmem>> -> memref<1x128xi32, #tpu.memory_space<vmem>>
            %dma_wait3A_367 = tpu.memref_squeeze %dma_wait3A_366 : memref<1x128xi32, #tpu.memory_space<vmem>> -> memref<128xi32, #tpu.memory_space<vmem>>
            %dma_wait3A_368 = arith.constant 0 : i32
            %dma_wait3A_369 = arith.constant 0 : i32
            %dma_wait3A_370 = tpu.memref_slice %arg5[%dma_wait3A_368, %dma_wait3A_369] : memref<100000x16xf32, #tpu.memory_space<vmem_shared>> -> memref<100000x16xf32, #tpu.memory_space<vmem_shared>>
            tpu.wait_indirect_dma semaphore(%run_scoped3A_343 : memref<!tpu.dma_semaphore, #tpu.memory_space<semaphore_mem>>) src(%dma_wait3A_360 : memref<128x16xf32, #tpu.memory_space<vmem>>) dst(%dma_wait3A_370 : memref<100000x16xf32, #tpu.memory_space<vmem_shared>>)
            tpu.yield
          }) : () -> ()
          "tpu.trace_stop"() : () -> ()
          %ne3A_276 = arith.cmpi ne, %add3A_193, %add3A_211 : i32
          %or3A_277 = arith.constant false
          %or3A_278 = arith.ori %or3A_277, %ne3A_276 : i1
          %or3A_279 = arith.constant false
          %or3A_280 = arith.ori %or3A_278, %or3A_279 : i1
          %or3A_281 = arith.ori %or3A_280, %eq3A_192 : i1
          %convert_element_type3A_282 = arith.extui %or3A_281 : i1 to i32
          %cond3A_283 = arith.constant 0 : i32
          %cond3A_284 = arith.cmpi ne, %convert_element_type3A_282, %cond3A_283 : i32
          scf.if %cond3A_284 {
          } else {
          }
          %and3A_285 = arith.constant false
          %and3A_286 = arith.andi %or3A_281, %and3A_285 : i1
          %ne3A_287 = arith.cmpi ne, %add3A_193, %add3A_211 : i32
          %or3A_288 = arith.constant false
          %or3A_289 = arith.ori %or3A_288, %ne3A_287 : i1
          %or3A_290 = arith.ori %or3A_289, %eq3A_192 : i1
          %convert_element_type3A_291 = arith.extui %or3A_290 : i1 to i32
          %cond3A_292 = arith.constant 0 : i32
          %cond3A_293 = arith.cmpi ne, %convert_element_type3A_291, %cond3A_292 : i32
          scf.if %cond3A_293 {
          } else {
          }
          %and3A_294 = arith.constant false
          %and3A_295 = arith.andi %or3A_290, %and3A_294 : i1
          %ne3A_296 = arith.cmpi ne, %add3A_193, %add3A_203 : i32
          %or3A_297 = arith.constant false
          %or3A_298 = arith.ori %or3A_297, %ne3A_296 : i1
          %or3A_299 = arith.constant false
          %or3A_300 = arith.ori %or3A_298, %or3A_299 : i1
          %not3A_301 = arith.constant true
          %not3A_302 = arith.xori %eq3A_189, %not3A_301 : i1
          %and3A_303 = arith.andi %or3A_300, %not3A_302 : i1
          %convert_element_type3A_304 = arith.extui %and3A_303 : i1 to i32
          %cond3A_305 = arith.constant 0 : i32
          %cond3A_306 = arith.cmpi ne, %convert_element_type3A_304, %cond3A_305 : i32
          scf.if %cond3A_306 {
          } else {
          }
          %and3A_307 = arith.constant false
          %and3A_308 = arith.andi %and3A_303, %and3A_307 : i1
          %ne3A_309 = arith.cmpi ne, %add3A_193, %add3A_203 : i32
          %or3A_310 = arith.constant false
          %or3A_311 = arith.ori %or3A_310, %ne3A_309 : i1
          %not3A_312 = arith.constant true
          %not3A_313 = arith.xori %eq3A_189, %not3A_312 : i1
          %and3A_314 = arith.andi %or3A_311, %not3A_313 : i1
          %convert_element_type3A_315 = arith.extui %and3A_314 : i1 to i32
          %cond3A_316 = arith.constant 0 : i32
          %cond3A_317 = arith.cmpi ne, %convert_element_type3A_315, %cond3A_316 : i32
          scf.if %cond3A_317 {
          } else {
          }
          %and3A_318 = arith.constant false
          %and3A_319 = arith.andi %and3A_314, %and3A_318 : i1
          %ne3A_320 = arith.cmpi ne, %add3A_193, %add3A_211 : i32
          %or3A_321 = arith.constant false
          %or3A_322 = arith.ori %or3A_321, %ne3A_320 : i1
          %or3A_323 = arith.constant false
          %or3A_324 = arith.ori %or3A_322, %or3A_323 : i1
          %or3A_325 = arith.ori %or3A_324, %eq3A_192 : i1
          %add3A_326 = arith.constant 1 : i32
          %add3A_327 = arith.addi %while3A_182, %add3A_326 : i32
          %select_n3A_328 = arith.select %or3A_325, %add3A_327, %while3A_182 : i32
          %ne3A_329 = arith.cmpi ne, %add3A_193, %add3A_211 : i32
          %or3A_330 = arith.constant false
          %or3A_331 = arith.ori %or3A_330, %ne3A_329 : i1
          %or3A_332 = arith.ori %or3A_331, %eq3A_192 : i1
          %add3A_333 = arith.constant 1 : i32
          %add3A_334 = arith.addi %while3A_184, %add3A_333 : i32
          %select_n3A_335 = arith.select %or3A_332, %add3A_334, %while3A_184 : i32
          %add3A_336 = arith.constant 1 : i32
          %add3A_337 = arith.addi %while3A_185, %add3A_336 : i32
          %select_n3A_338 = arith.constant true
          %select_n3A_339 = arith.select %select_n3A_338, %add3A_337, %while3A_185 : i32
          %eq3A_340 = arith.cmpi eq, %select_n3A_339, %select_n3A : i32
          %select_n3A_341 = arith.constant 0 : i32
          %select_n3A_342 = arith.select %eq3A_340, %select_n3A_341, %select_n3A_339 : i32
          scf.yield %select_n3A_235, %select_n3A_328, %select_n3A_254, %select_n3A_335, %select_n3A_342 : i32, i32, i32, i32, i32
        }
        %sub3A_129 = arith.constant 1 : i32
        %sub3A_130 = arith.subi %while3A_128#4, %sub3A_129 : i32
        %select_n3A_131 = arith.constant true
        %select_n3A_132 = arith.select %select_n3A_131, %sub3A_130, %while3A_128#4 : i32
        %eq3A_133 = arith.constant -1 : i32
        %eq3A_134 = arith.cmpi eq, %select_n3A_132, %eq3A_133 : i32
        %sub3A_135 = arith.constant 1 : i32
        %sub3A_136 = arith.subi %select_n3A, %sub3A_135 : i32
        %select_n3A_137 = arith.select %eq3A_134, %sub3A_136, %select_n3A_132 : i32
        %sub3A_138 = arith.constant 1 : i32
        %sub3A_139 = arith.subi %mul3A_25, %sub3A_138 : i32
        %mul3A_140 = arith.constant 1 : i32
        %mul3A_141 = arith.muli %mul3A_140, %select_n3A : i32
        %eq3A_142 = arith.constant 0 : i32
        %eq3A_143 = arith.cmpi eq, %sub3A_139, %eq3A_142 : i32
        %sub3A_144 = arith.constant 1 : i32
        %sub3A_145 = arith.subi %mul3A_141, %sub3A_144 : i32
        %eq3A_146 = arith.cmpi eq, %sub3A_139, %sub3A_145 : i32
        %add3A_147 = arith.addi %select_n3A_137, %select_n3A_23 : i32
        %sub3A_148 = arith.constant 1 : i32
        %sub3A_149 = arith.subi %select_n3A_137, %sub3A_148 : i32
        %select_n3A_150 = arith.constant true
        %select_n3A_151 = arith.select %select_n3A_150, %sub3A_149, %select_n3A_137 : i32
        %eq3A_152 = arith.constant -1 : i32
        %eq3A_153 = arith.cmpi eq, %select_n3A_151, %eq3A_152 : i32
        %sub3A_154 = arith.constant 1 : i32
        %sub3A_155 = arith.subi %select_n3A, %sub3A_154 : i32
        %select_n3A_156 = arith.select %eq3A_153, %sub3A_155, %select_n3A_151 : i32
        %add3A_157 = arith.addi %select_n3A_156, %select_n3A_23 : i32
        %add3A_158 = arith.constant 1 : i32
        %add3A_159 = arith.addi %select_n3A_137, %add3A_158 : i32
        %select_n3A_160 = arith.constant true
        %select_n3A_161 = arith.select %select_n3A_160, %add3A_159, %select_n3A_137 : i32
        %eq3A_162 = arith.cmpi eq, %select_n3A_161, %select_n3A : i32
        %select_n3A_163 = arith.constant 0 : i32
        %select_n3A_164 = arith.select %eq3A_162, %select_n3A_163, %select_n3A_161 : i32
        %add3A_165 = arith.addi %select_n3A_164, %select_n3A_23 : i32
        %add3A_166 = arith.constant 1 : i32
        %add3A_167 = arith.addi %select_n3A_164, %add3A_166 : i32
        %select_n3A_168 = arith.constant true
        %select_n3A_169 = arith.select %select_n3A_168, %add3A_167, %select_n3A_164 : i32
        %eq3A_170 = arith.cmpi eq, %select_n3A_169, %select_n3A : i32
        %select_n3A_171 = arith.constant 0 : i32
        %select_n3A_172 = arith.select %eq3A_170, %select_n3A_171, %select_n3A_169 : i32
        %add3A_173 = arith.addi %select_n3A_172, %select_n3A_23 : i32
        %convert_element_type3A_174 = arith.extui %eq3A_146 : i1 to i32
        %cond3A_175 = arith.constant 0 : i32
        %cond3A_176 = arith.cmpi ne, %convert_element_type3A_174, %cond3A_175 : i32
        scf.if %cond3A_176 {
        } else {
        }
        %convert_element_type3A_177 = arith.extui %eq3A_146 : i1 to i32
        %cond3A_178 = arith.constant 0 : i32
        %cond3A_179 = arith.cmpi ne, %convert_element_type3A_177, %cond3A_178 : i32
        scf.if %cond3A_179 {
        } else {
        }
      } else {
      }
      tpu.yield
    }) : () -> ()
    %barrier3A_26 = arith.constant 0 : index
    tpu.barrier barrier_id(%barrier3A_26)
    %mul3A_27 = arith.constant 6250 : i32
    %mul3A_28 = arith.muli %arg1, %mul3A_27 : i32
    %mul3A_29 = arith.constant 6250 : i32
    %mul3A_30 = arith.muli %arg1, %mul3A_29 : i32
    "tpu.region"() ({
      %run_scoped3A = tpu.sem_alloc : memref<!tpu.dma_semaphore, #tpu.memory_space<semaphore_mem>>
      %dma_start3A = arith.constant 0 : i32
      %dma_start3A_31 = tpu.memref_slice %arg4[%arg0, %mul3A_30, %dma_start3A] : memref<2x100000x16xf32, #tpu.memory_space<hbm>> -> memref<1x6250x16xf32, #tpu.memory_space<hbm>>
      %dma_start3A_32 = tpu.memref_squeeze %dma_start3A_31 : memref<1x6250x16xf32, #tpu.memory_space<hbm>> -> memref<6250x16xf32, #tpu.memory_space<hbm>>
      %dma_start3A_33 = arith.constant 0 : i32
      %dma_start3A_34 = tpu.memref_slice %arg5[%mul3A_28, %dma_start3A_33] : memref<100000x16xf32, #tpu.memory_space<vmem_shared>> -> memref<6250x16xf32, #tpu.memory_space<vmem_shared>>
      tpu.enqueue_dma source(%dma_start3A_34 : memref<6250x16xf32, #tpu.memory_space<vmem_shared>>) target(%dma_start3A_32 : memref<6250x16xf32, #tpu.memory_space<hbm>>) target_semaphore(%run_scoped3A : memref<!tpu.dma_semaphore, #tpu.memory_space<semaphore_mem>>)
      %dma_wait3A = arith.constant 0 : i32
      %dma_wait3A_35 = tpu.memref_slice %arg4[%arg0, %mul3A_30, %dma_wait3A] : memref<2x100000x16xf32, #tpu.memory_space<hbm>> -> memref<1x6250x16xf32, #tpu.memory_space<hbm>>
      %dma_wait3A_36 = tpu.memref_squeeze %dma_wait3A_35 : memref<1x6250x16xf32, #tpu.memory_space<hbm>> -> memref<6250x16xf32, #tpu.memory_space<hbm>>
      %dma_wait3A_37 = arith.constant 0 : i32
      %dma_wait3A_38 = tpu.memref_slice %arg5[%mul3A_28, %dma_wait3A_37] : memref<100000x16xf32, #tpu.memory_space<vmem_shared>> -> memref<6250x16xf32, #tpu.memory_space<vmem_shared>>
      tpu.wait_dma2 semaphore(%run_scoped3A : memref<!tpu.dma_semaphore, #tpu.memory_space<semaphore_mem>>) src(%dma_wait3A_38 : memref<6250x16xf32, #tpu.memory_space<vmem_shared>>) dst(%dma_wait3A_36 : memref<6250x16xf32, #tpu.memory_space<hbm>>)
      tpu.yield
    }) : () -> ()
    return
  }
}

#map = affine_map<(d0, d1) -> (0, 0)>
module attributes {stable_mosaic.version = 14 : i64} {
  func.func @gk(%arg0: i32, %arg1: i32, %arg2: memref<100000x16xf32, #tpu.memory_space<hbm>>, %arg3: memref<100000x16xf32, #tpu.memory_space<hbm>>, %arg4: memref<1x3200000xi32, #tpu.memory_space<hbm>>, %arg5: memref<1x3200000xi32, #tpu.memory_space<hbm>>, %arg6: memref<3200000x16xf32, #tpu.memory_space<hbm>>, %arg7: memref<3200000x16xf32, #tpu.memory_space<hbm>>) attributes {dimension_semantics = [#tpu.dimension_semantics<core_parallel>, #tpu.dimension_semantics<subcore_parallel>], iteration_bounds = array<i64: 2, 16>, scalar_prefetch = 0 : i64, scratch_operands = 0 : i64, tpu.core_type = #tpu.core_type<sc_vector_subcore>, window_params = [{transform_indices = #map}, {transform_indices = #map}, {transform_indices = #map}, {transform_indices = #map}, {transform_indices = #map}, {transform_indices = #map}]} {
    %mul3A = arith.constant 1 : i32
    %mul3A_0 = arith.muli %arg1, %mul3A : i32
    %add3A = arith.constant 0 : i32
    %add3A_1 = arith.addi %add3A, %mul3A_0 : i32
    %mul3A_2 = arith.constant 16 : i32
    %mul3A_3 = arith.muli %arg0, %mul3A_2 : i32
    %add3A_4 = arith.addi %add3A_1, %mul3A_3 : i32
    %lt3A = arith.constant 8 : i32
    %lt3A_5 = arith.cmpi slt, %add3A_4, %lt3A : i32
    %jit3A = arith.constant 782 : i32
    %jit3A_6 = arith.constant 781 : i32
    %select_n3A = arith.select %lt3A_5, %jit3A, %jit3A_6 : i32
    %lt3A_7 = arith.constant 8 : i32
    %lt3A_8 = arith.cmpi slt, %add3A_4, %lt3A_7 : i32
    %mul3A_9 = arith.muli %add3A_4, %select_n3A : i32
    %mul3A_10 = arith.constant 781 : i32
    %mul3A_11 = arith.muli %add3A_4, %mul3A_10 : i32
    %add3A_12 = arith.constant 8 : i32
    %add3A_13 = arith.addi %mul3A_11, %add3A_12 : i32
    %select_n3A_14 = arith.select %lt3A_8, %mul3A_9, %add3A_13 : i32
    %mul3A_15 = arith.constant 1 : i32
    %mul3A_16 = arith.muli %mul3A_15, %select_n3A : i32
    "tpu.region"() ({
      %run_scoped3A = memref.alloca() : memref<2x1x128xi32, #tpu.memory_space<vmem>>
      %run_scoped3A_17 = tpu.sem_alloc : memref<2x!tpu.dma_semaphore, #tpu.memory_space<semaphore_mem>>
      %run_scoped3A_18 = memref.alloca() : memref<2x1x128xi32, #tpu.memory_space<vmem>>
      %run_scoped3A_19 = tpu.sem_alloc : memref<2x!tpu.dma_semaphore, #tpu.memory_space<semaphore_mem>>
      %run_scoped3A_20 = memref.alloca() : memref<2x128x16xf32, #tpu.memory_space<vmem>>
      %run_scoped3A_21 = tpu.sem_alloc : memref<2x!tpu.dma_semaphore, #tpu.memory_space<semaphore_mem>>
      %run_scoped3A_22 = memref.alloca() : memref<2x128x16xf32, #tpu.memory_space<vmem>>
      %run_scoped3A_23 = tpu.sem_alloc : memref<2x!tpu.dma_semaphore, #tpu.memory_space<semaphore_mem>>
      %gt3A = arith.constant 0 : i32
      %gt3A_24 = arith.cmpi sgt, %mul3A_16, %gt3A : i32
      %convert_element_type3A = arith.extui %gt3A_24 : i1 to i32
      %cond3A = arith.constant 0 : i32
      %cond3A_25 = arith.cmpi ne, %convert_element_type3A, %cond3A : i32
      scf.if %cond3A_25 {
        %mul3A_26 = arith.constant 1 : i32
        %mul3A_27 = arith.muli %mul3A_26, %select_n3A : i32
        %sub3A = arith.constant 1 : i32
        %sub3A_28 = arith.subi %mul3A_27, %sub3A : i32
        %eq3A = arith.constant 0 : i32
        %eq3A_29 = arith.cmpi eq, %sub3A_28, %eq3A : i32
        %add3A_30 = arith.constant 0 : i32
        %add3A_31 = arith.addi %add3A_30, %select_n3A_14 : i32
        %select_n3A_32 = arith.constant true
        %select_n3A_33 = arith.constant 0 : i32
        %select_n3A_34 = arith.constant -1 : i32
        %select_n3A_35 = arith.select %select_n3A_32, %select_n3A_34, %select_n3A_33 : i32
        %eq3A_36 = arith.constant -1 : i32
        %eq3A_37 = arith.cmpi eq, %select_n3A_35, %eq3A_36 : i32
        %sub3A_38 = arith.constant 1 : i32
        %sub3A_39 = arith.subi %select_n3A, %sub3A_38 : i32
        %select_n3A_40 = arith.select %eq3A_37, %sub3A_39, %select_n3A_35 : i32
        %add3A_41 = arith.addi %select_n3A_40, %select_n3A_14 : i32
        %select_n3A_42 = arith.constant true
        %select_n3A_43 = arith.constant 0 : i32
        %select_n3A_44 = arith.constant 1 : i32
        %select_n3A_45 = arith.select %select_n3A_42, %select_n3A_44, %select_n3A_43 : i32
        %eq3A_46 = arith.cmpi eq, %select_n3A_45, %select_n3A : i32
        %select_n3A_47 = arith.constant 0 : i32
        %select_n3A_48 = arith.select %eq3A_46, %select_n3A_47, %select_n3A_45 : i32
        %add3A_49 = arith.addi %select_n3A_48, %select_n3A_14 : i32
        %add3A_50 = arith.constant 1 : i32
        %add3A_51 = arith.addi %select_n3A_48, %add3A_50 : i32
        %select_n3A_52 = arith.constant true
        %select_n3A_53 = arith.select %select_n3A_52, %add3A_51, %select_n3A_48 : i32
        %eq3A_54 = arith.cmpi eq, %select_n3A_53, %select_n3A : i32
        %select_n3A_55 = arith.constant 0 : i32
        %select_n3A_56 = arith.select %eq3A_54, %select_n3A_55, %select_n3A_53 : i32
        %add3A_57 = arith.addi %select_n3A_56, %select_n3A_14 : i32
        "tpu.trace_start"() <{level = 10 : i32, message = "ep_initialize_0"}> : () -> ()
        %rem3A = arith.constant 0 : i32
        %rem3A_58 = arith.constant 2 : i32
        %rem3A_59 = arith.remui %rem3A, %rem3A_58 : i32
        %mul3A_60 = arith.constant 128 : i32
        %mul3A_61 = arith.muli %mul3A_60, %add3A_31 : i32
        %dma_start3A = arith.constant 0 : i32
        %dma_start3A_62 = arith.constant 0 : i32
        %dma_start3A_63 = tpu.memref_slice %run_scoped3A[%rem3A_59, %dma_start3A, %dma_start3A_62] : memref<2x1x128xi32, #tpu.memory_space<vmem>> -> memref<1x1x128xi32, #tpu.memory_space<vmem>>
        %dma_start3A_64 = tpu.memref_squeeze %dma_start3A_63 : memref<1x1x128xi32, #tpu.memory_space<vmem>> -> memref<1x128xi32, #tpu.memory_space<vmem>>
        %dma_start3A_65 = arith.constant 0 : i32
        %dma_start3A_66 = tpu.memref_slice %arg4[%dma_start3A_65, %mul3A_61] : memref<1x3200000xi32, #tpu.memory_space<hbm>> -> memref<1x128xi32, #tpu.memory_space<hbm>>
        %dma_start3A_67 = tpu.memref_slice %run_scoped3A_17[%rem3A_59] : memref<2x!tpu.dma_semaphore, #tpu.memory_space<semaphore_mem>> -> memref<1x!tpu.dma_semaphore, #tpu.memory_space<semaphore_mem>>
        %dma_start3A_68 = tpu.memref_squeeze %dma_start3A_67 : memref<1x!tpu.dma_semaphore, #tpu.memory_space<semaphore_mem>> -> memref<!tpu.dma_semaphore, #tpu.memory_space<semaphore_mem>>
        %dma_start3A_69 = arith.constant 0 : i32
        %dma_start3A_70 = arith.constant 0 : i32
        %dma_start3A_71 = tpu.memref_slice %run_scoped3A[%rem3A_59, %dma_start3A_69, %dma_start3A_70] : memref<2x1x128xi32, #tpu.memory_space<vmem>> -> memref<1x1x128xi32, #tpu.memory_space<vmem>>
        %dma_start3A_72 = tpu.memref_squeeze %dma_start3A_71 : memref<1x1x128xi32, #tpu.memory_space<vmem>> -> memref<1x128xi32, #tpu.memory_space<vmem>>
        %dma_start3A_73 = arith.constant 0 : i32
        %dma_start3A_74 = tpu.memref_slice %arg4[%dma_start3A_73, %mul3A_61] : memref<1x3200000xi32, #tpu.memory_space<hbm>> -> memref<1x128xi32, #tpu.memory_space<hbm>>
        tpu.enqueue_dma source(%dma_start3A_74 : memref<1x128xi32, #tpu.memory_space<hbm>>) target(%dma_start3A_72 : memref<1x128xi32, #tpu.memory_space<vmem>>) target_semaphore(%dma_start3A_68 : memref<!tpu.dma_semaphore, #tpu.memory_space<semaphore_mem>>)
        %add3A_75 = arith.constant 0 : i32
        %add3A_76 = arith.constant 1 : i32
        %add3A_77 = arith.addi %add3A_75, %add3A_76 : i32
        %select_n3A_78 = arith.constant true
        %select_n3A_79 = arith.constant 0 : i32
        %select_n3A_80 = arith.select %select_n3A_78, %add3A_77, %select_n3A_79 : i32
        %rem3A_81 = arith.constant 0 : i32
        %rem3A_82 = arith.constant 2 : i32
        %rem3A_83 = arith.remui %rem3A_81, %rem3A_82 : i32
        %mul3A_84 = arith.constant 128 : i32
        %mul3A_85 = arith.muli %mul3A_84, %add3A_31 : i32
        %dma_start3A_86 = arith.constant 0 : i32
        %dma_start3A_87 = arith.constant 0 : i32
        %dma_start3A_88 = tpu.memref_slice %run_scoped3A_18[%rem3A_83, %dma_start3A_86, %dma_start3A_87] : memref<2x1x128xi32, #tpu.memory_space<vmem>> -> memref<1x1x128xi32, #tpu.memory_space<vmem>>
        %dma_start3A_89 = tpu.memref_squeeze %dma_start3A_88 : memref<1x1x128xi32, #tpu.memory_space<vmem>> -> memref<1x128xi32, #tpu.memory_space<vmem>>
        %dma_start3A_90 = arith.constant 0 : i32
        %dma_start3A_91 = tpu.memref_slice %arg5[%dma_start3A_90, %mul3A_85] : memref<1x3200000xi32, #tpu.memory_space<hbm>> -> memref<1x128xi32, #tpu.memory_space<hbm>>
        %dma_start3A_92 = tpu.memref_slice %run_scoped3A_19[%rem3A_83] : memref<2x!tpu.dma_semaphore, #tpu.memory_space<semaphore_mem>> -> memref<1x!tpu.dma_semaphore, #tpu.memory_space<semaphore_mem>>
        %dma_start3A_93 = tpu.memref_squeeze %dma_start3A_92 : memref<1x!tpu.dma_semaphore, #tpu.memory_space<semaphore_mem>> -> memref<!tpu.dma_semaphore, #tpu.memory_space<semaphore_mem>>
        %dma_start3A_94 = arith.constant 0 : i32
        %dma_start3A_95 = arith.constant 0 : i32
        %dma_start3A_96 = tpu.memref_slice %run_scoped3A_18[%rem3A_83, %dma_start3A_94, %dma_start3A_95] : memref<2x1x128xi32, #tpu.memory_space<vmem>> -> memref<1x1x128xi32, #tpu.memory_space<vmem>>
        %dma_start3A_97 = tpu.memref_squeeze %dma_start3A_96 : memref<1x1x128xi32, #tpu.memory_space<vmem>> -> memref<1x128xi32, #tpu.memory_space<vmem>>
        %dma_start3A_98 = arith.constant 0 : i32
        %dma_start3A_99 = tpu.memref_slice %arg5[%dma_start3A_98, %mul3A_85] : memref<1x3200000xi32, #tpu.memory_space<hbm>> -> memref<1x128xi32, #tpu.memory_space<hbm>>
        tpu.enqueue_dma source(%dma_start3A_99 : memref<1x128xi32, #tpu.memory_space<hbm>>) target(%dma_start3A_97 : memref<1x128xi32, #tpu.memory_space<vmem>>) target_semaphore(%dma_start3A_93 : memref<!tpu.dma_semaphore, #tpu.memory_space<semaphore_mem>>)
        %add3A_100 = arith.constant 0 : i32
        %add3A_101 = arith.constant 1 : i32
        %add3A_102 = arith.addi %add3A_100, %add3A_101 : i32
        %select_n3A_103 = arith.constant true
        %select_n3A_104 = arith.constant 0 : i32
        %select_n3A_105 = arith.select %select_n3A_103, %add3A_102, %select_n3A_104 : i32
        %while3A = arith.constant 0 : i32
        %while3A_106 = arith.constant 0 : i32
        %while3A_107 = arith.constant 0 : i32
        %while3A_108 = arith.constant 0 : i32
        %while3A_109 = arith.constant 0 : i32
        %while3A_110 = arith.constant 0 : i32
        %while3A_111 = arith.constant 0 : i32
        %while3A_112 = arith.constant 0 : i32
        "tpu.trace_stop"() : () -> ()
        %while3A_113 = arith.subi %mul3A_16, %while3A : i32
        %while3A_114 = arith.addi %while3A, %while3A_113 : i32
        %while3A_115 = arith.constant 1 : i32
        %while3A_116 = arith.divsi %while3A_113, %while3A_115 : i32
        %while3A_117 = arith.muli %while3A_116, %while3A_115 : i32
        %while3A_118 = arith.addi %while3A, %while3A_117 : i32
        %while3A_119 = arith.constant 1 : i32
        %while3A_120:9 = scf.for %while3A_180 = %while3A to %while3A_118 step %while3A_119 iter_args(%while3A_181 = %select_n3A_80, %while3A_182 = %while3A_106, %while3A_183 = %select_n3A_105, %while3A_184 = %while3A_107, %while3A_185 = %while3A_108, %while3A_186 = %while3A_109, %while3A_187 = %while3A_110, %while3A_188 = %while3A_111, %while3A_189 = %while3A_112) -> (i32, i32, i32, i32, i32, i32, i32, i32, i32)  : i32 {
          %mul3A_190 = arith.constant 1 : i32
          %mul3A_191 = arith.muli %mul3A_190, %select_n3A : i32
          %eq3A_192 = arith.constant 0 : i32
          %eq3A_193 = arith.cmpi eq, %while3A_180, %eq3A_192 : i32
          %sub3A_194 = arith.constant 1 : i32
          %sub3A_195 = arith.subi %mul3A_191, %sub3A_194 : i32
          %eq3A_196 = arith.cmpi eq, %while3A_180, %sub3A_195 : i32
          %add3A_197 = arith.addi %while3A_189, %select_n3A_14 : i32
          %sub3A_198 = arith.constant 1 : i32
          %sub3A_199 = arith.subi %while3A_189, %sub3A_198 : i32
          %select_n3A_200 = arith.constant true
          %select_n3A_201 = arith.select %select_n3A_200, %sub3A_199, %while3A_189 : i32
          %eq3A_202 = arith.constant -1 : i32
          %eq3A_203 = arith.cmpi eq, %select_n3A_201, %eq3A_202 : i32
          %sub3A_204 = arith.constant 1 : i32
          %sub3A_205 = arith.subi %select_n3A, %sub3A_204 : i32
          %select_n3A_206 = arith.select %eq3A_203, %sub3A_205, %select_n3A_201 : i32
          %add3A_207 = arith.addi %select_n3A_206, %select_n3A_14 : i32
          %add3A_208 = arith.constant 1 : i32
          %add3A_209 = arith.addi %while3A_189, %add3A_208 : i32
          %select_n3A_210 = arith.constant true
          %select_n3A_211 = arith.select %select_n3A_210, %add3A_209, %while3A_189 : i32
          %eq3A_212 = arith.cmpi eq, %select_n3A_211, %select_n3A : i32
          %select_n3A_213 = arith.constant 0 : i32
          %select_n3A_214 = arith.select %eq3A_212, %select_n3A_213, %select_n3A_211 : i32
          %add3A_215 = arith.addi %select_n3A_214, %select_n3A_14 : i32
          %add3A_216 = arith.constant 1 : i32
          %add3A_217 = arith.addi %select_n3A_214, %add3A_216 : i32
          %select_n3A_218 = arith.constant true
          %select_n3A_219 = arith.select %select_n3A_218, %add3A_217, %select_n3A_214 : i32
          %eq3A_220 = arith.cmpi eq, %select_n3A_219, %select_n3A : i32
          %select_n3A_221 = arith.constant 0 : i32
          %select_n3A_222 = arith.select %eq3A_220, %select_n3A_221, %select_n3A_219 : i32
          %add3A_223 = arith.addi %select_n3A_222, %select_n3A_14 : i32
          %ne3A = arith.cmpi ne, %add3A_197, %add3A_215 : i32
          %or3A = arith.constant false
          %or3A_224 = arith.ori %or3A, %ne3A : i1
          %sub3A_225 = arith.constant 2 : i32
          %sub3A_226 = arith.subi %mul3A_191, %sub3A_225 : i32
          %add3A_227 = arith.constant 1 : i32
          %add3A_228 = arith.addi %sub3A_226, %add3A_227 : i32
          %ge3A = arith.cmpi sge, %while3A_180, %add3A_228 : i32
          %not3A = arith.constant true
          %not3A_229 = arith.xori %ge3A, %not3A : i1
          %and3A = arith.andi %or3A_224, %not3A_229 : i1
          %convert_element_type3A_230 = arith.extui %and3A : i1 to i32
          %cond3A_231 = arith.constant 0 : i32
          %cond3A_232 = arith.cmpi ne, %convert_element_type3A_230, %cond3A_231 : i32
          scf.if %cond3A_232 {
            "tpu.trace_start"() <{level = 10 : i32, message = "ep_copy_in"}> : () -> ()
            %rem3A_446 = arith.constant 2 : i32
            %rem3A_447 = arith.remui %while3A_181, %rem3A_446 : i32
            %mul3A_448 = arith.constant 128 : i32
            %mul3A_449 = arith.muli %mul3A_448, %add3A_215 : i32
            %dma_start3A_450 = arith.constant 0 : i32
            %dma_start3A_451 = arith.constant 0 : i32
            %dma_start3A_452 = tpu.memref_slice %run_scoped3A[%rem3A_447, %dma_start3A_450, %dma_start3A_451] : memref<2x1x128xi32, #tpu.memory_space<vmem>> -> memref<1x1x128xi32, #tpu.memory_space<vmem>>
            %dma_start3A_453 = tpu.memref_squeeze %dma_start3A_452 : memref<1x1x128xi32, #tpu.memory_space<vmem>> -> memref<1x128xi32, #tpu.memory_space<vmem>>
            %dma_start3A_454 = arith.constant 0 : i32
            %dma_start3A_455 = tpu.memref_slice %arg4[%dma_start3A_454, %mul3A_449] : memref<1x3200000xi32, #tpu.memory_space<hbm>> -> memref<1x128xi32, #tpu.memory_space<hbm>>
            %dma_start3A_456 = tpu.memref_slice %run_scoped3A_17[%rem3A_447] : memref<2x!tpu.dma_semaphore, #tpu.memory_space<semaphore_mem>> -> memref<1x!tpu.dma_semaphore, #tpu.memory_space<semaphore_mem>>
            %dma_start3A_457 = tpu.memref_squeeze %dma_start3A_456 : memref<1x!tpu.dma_semaphore, #tpu.memory_space<semaphore_mem>> -> memref<!tpu.dma_semaphore, #tpu.memory_space<semaphore_mem>>
            %dma_start3A_458 = arith.constant 0 : i32
            %dma_start3A_459 = arith.constant 0 : i32
            %dma_start3A_460 = tpu.memref_slice %run_scoped3A[%rem3A_447, %dma_start3A_458, %dma_start3A_459] : memref<2x1x128xi32, #tpu.memory_space<vmem>> -> memref<1x1x128xi32, #tpu.memory_space<vmem>>
            %dma_start3A_461 = tpu.memref_squeeze %dma_start3A_460 : memref<1x1x128xi32, #tpu.memory_space<vmem>> -> memref<1x128xi32, #tpu.memory_space<vmem>>
            %dma_start3A_462 = arith.constant 0 : i32
            %dma_start3A_463 = tpu.memref_slice %arg4[%dma_start3A_462, %mul3A_449] : memref<1x3200000xi32, #tpu.memory_space<hbm>> -> memref<1x128xi32, #tpu.memory_space<hbm>>
            tpu.enqueue_dma source(%dma_start3A_463 : memref<1x128xi32, #tpu.memory_space<hbm>>) target(%dma_start3A_461 : memref<1x128xi32, #tpu.memory_space<vmem>>) target_semaphore(%dma_start3A_457 : memref<!tpu.dma_semaphore, #tpu.memory_space<semaphore_mem>>)
            "tpu.trace_stop"() : () -> ()
          } else {
          }
          %and3A_233 = arith.constant true
          %and3A_234 = arith.andi %and3A, %and3A_233 : i1
          %add3A_235 = arith.constant 1 : i32
          %add3A_236 = arith.addi %while3A_181, %add3A_235 : i32
          %select_n3A_237 = arith.select %and3A_234, %add3A_236, %while3A_181 : i32
          %ne3A_238 = arith.cmpi ne, %add3A_197, %add3A_215 : i32
          %or3A_239 = arith.constant false
          %or3A_240 = arith.ori %or3A_239, %ne3A_238 : i1
          %sub3A_241 = arith.constant 2 : i32
          %sub3A_242 = arith.subi %mul3A_191, %sub3A_241 : i32
          %add3A_243 = arith.constant 1 : i32
          %add3A_244 = arith.addi %sub3A_242, %add3A_243 : i32
          %ge3A_245 = arith.cmpi sge, %while3A_180, %add3A_244 : i32
          %not3A_246 = arith.constant true
          %not3A_247 = arith.xori %ge3A_245, %not3A_246 : i1
          %and3A_248 = arith.andi %or3A_240, %not3A_247 : i1
          %convert_element_type3A_249 = arith.extui %and3A_248 : i1 to i32
          %cond3A_250 = arith.constant 0 : i32
          %cond3A_251 = arith.cmpi ne, %convert_element_type3A_249, %cond3A_250 : i32
          scf.if %cond3A_251 {
            "tpu.trace_start"() <{level = 10 : i32, message = "ep_copy_in"}> : () -> ()
            %rem3A_446 = arith.constant 2 : i32
            %rem3A_447 = arith.remui %while3A_183, %rem3A_446 : i32
            %mul3A_448 = arith.constant 128 : i32
            %mul3A_449 = arith.muli %mul3A_448, %add3A_215 : i32
            %dma_start3A_450 = arith.constant 0 : i32
            %dma_start3A_451 = arith.constant 0 : i32
            %dma_start3A_452 = tpu.memref_slice %run_scoped3A_18[%rem3A_447, %dma_start3A_450, %dma_start3A_451] : memref<2x1x128xi32, #tpu.memory_space<vmem>> -> memref<1x1x128xi32, #tpu.memory_space<vmem>>
            %dma_start3A_453 = tpu.memref_squeeze %dma_start3A_452 : memref<1x1x128xi32, #tpu.memory_space<vmem>> -> memref<1x128xi32, #tpu.memory_space<vmem>>
            %dma_start3A_454 = arith.constant 0 : i32
            %dma_start3A_455 = tpu.memref_slice %arg5[%dma_start3A_454, %mul3A_449] : memref<1x3200000xi32, #tpu.memory_space<hbm>> -> memref<1x128xi32, #tpu.memory_space<hbm>>
            %dma_start3A_456 = tpu.memref_slice %run_scoped3A_19[%rem3A_447] : memref<2x!tpu.dma_semaphore, #tpu.memory_space<semaphore_mem>> -> memref<1x!tpu.dma_semaphore, #tpu.memory_space<semaphore_mem>>
            %dma_start3A_457 = tpu.memref_squeeze %dma_start3A_456 : memref<1x!tpu.dma_semaphore, #tpu.memory_space<semaphore_mem>> -> memref<!tpu.dma_semaphore, #tpu.memory_space<semaphore_mem>>
            %dma_start3A_458 = arith.constant 0 : i32
            %dma_start3A_459 = arith.constant 0 : i32
            %dma_start3A_460 = tpu.memref_slice %run_scoped3A_18[%rem3A_447, %dma_start3A_458, %dma_start3A_459] : memref<2x1x128xi32, #tpu.memory_space<vmem>> -> memref<1x1x128xi32, #tpu.memory_space<vmem>>
            %dma_start3A_461 = tpu.memref_squeeze %dma_start3A_460 : memref<1x1x128xi32, #tpu.memory_space<vmem>> -> memref<1x128xi32, #tpu.memory_space<vmem>>
            %dma_start3A_462 = arith.constant 0 : i32
            %dma_start3A_463 = tpu.memref_slice %arg5[%dma_start3A_462, %mul3A_449] : memref<1x3200000xi32, #tpu.memory_space<hbm>> -> memref<1x128xi32, #tpu.memory_space<hbm>>
            tpu.enqueue_dma source(%dma_start3A_463 : memref<1x128xi32, #tpu.memory_space<hbm>>) target(%dma_start3A_461 : memref<1x128xi32, #tpu.memory_space<vmem>>) target_semaphore(%dma_start3A_457 : memref<!tpu.dma_semaphore, #tpu.memory_space<semaphore_mem>>)
            "tpu.trace_stop"() : () -> ()
          } else {
          }
          %and3A_252 = arith.constant true
          %and3A_253 = arith.andi %and3A_248, %and3A_252 : i1
          %add3A_254 = arith.constant 1 : i32
          %add3A_255 = arith.addi %while3A_183, %add3A_254 : i32
          %select_n3A_256 = arith.select %and3A_253, %add3A_255, %while3A_183 : i32
          %ne3A_257 = arith.cmpi ne, %add3A_197, %add3A_215 : i32
          %or3A_258 = arith.constant false
          %or3A_259 = arith.ori %or3A_258, %ne3A_257 : i1
          %or3A_260 = arith.constant false
          %or3A_261 = arith.ori %or3A_259, %or3A_260 : i1
          %sub3A_262 = arith.constant 2 : i32
          %sub3A_263 = arith.subi %mul3A_191, %sub3A_262 : i32
          %add3A_264 = arith.constant 1 : i32
          %add3A_265 = arith.addi %sub3A_263, %add3A_264 : i32
          %ge3A_266 = arith.cmpi sge, %while3A_180, %add3A_265 : i32
          %not3A_267 = arith.constant true
          %not3A_268 = arith.xori %ge3A_266, %not3A_267 : i1
          %and3A_269 = arith.andi %or3A_261, %not3A_268 : i1
          %ne3A_270 = arith.cmpi ne, %add3A_197, %add3A_215 : i32
          %or3A_271 = arith.constant false
          %or3A_272 = arith.ori %or3A_271, %ne3A_270 : i1
          %or3A_273 = arith.constant false
          %or3A_274 = arith.ori %or3A_272, %or3A_273 : i1
          %sub3A_275 = arith.constant 2 : i32
          %sub3A_276 = arith.subi %mul3A_191, %sub3A_275 : i32
          %add3A_277 = arith.constant 1 : i32
          %add3A_278 = arith.addi %sub3A_276, %add3A_277 : i32
          %ge3A_279 = arith.cmpi sge, %while3A_180, %add3A_278 : i32
          %not3A_280 = arith.constant true
          %not3A_281 = arith.xori %ge3A_279, %not3A_280 : i1
          %and3A_282 = arith.andi %or3A_274, %not3A_281 : i1
          %ne3A_283 = arith.cmpi ne, %add3A_197, %add3A_207 : i32
          %or3A_284 = arith.constant false
          %or3A_285 = arith.ori %or3A_284, %ne3A_283 : i1
          %or3A_286 = arith.ori %or3A_285, %eq3A_193 : i1
          %convert_element_type3A_287 = arith.extui %or3A_286 : i1 to i32
          %cond3A_288 = arith.constant 0 : i32
          %cond3A_289 = arith.cmpi ne, %convert_element_type3A_287, %cond3A_288 : i32
          scf.if %cond3A_289 {
            "tpu.trace_start"() <{level = 10 : i32, message = "ep_wait_in"}> : () -> ()
            %mul3A_446 = arith.constant 128 : i32
            %mul3A_447 = arith.muli %mul3A_446, %add3A_197 : i32
            %rem3A_448 = arith.constant 2 : i32
            %rem3A_449 = arith.remui %while3A_182, %rem3A_448 : i32
            %dma_wait3A = arith.constant 0 : i32
            %dma_wait3A_450 = arith.constant 0 : i32
            %dma_wait3A_451 = tpu.memref_slice %run_scoped3A[%rem3A_449, %dma_wait3A, %dma_wait3A_450] : memref<2x1x128xi32, #tpu.memory_space<vmem>> -> memref<1x1x128xi32, #tpu.memory_space<vmem>>
            %dma_wait3A_452 = tpu.memref_squeeze %dma_wait3A_451 : memref<1x1x128xi32, #tpu.memory_space<vmem>> -> memref<1x128xi32, #tpu.memory_space<vmem>>
            %dma_wait3A_453 = arith.constant 0 : i32
            %dma_wait3A_454 = tpu.memref_slice %arg4[%dma_wait3A_453, %mul3A_447] : memref<1x3200000xi32, #tpu.memory_space<hbm>> -> memref<1x128xi32, #tpu.memory_space<hbm>>
            %dma_wait3A_455 = tpu.memref_slice %run_scoped3A_17[%rem3A_449] : memref<2x!tpu.dma_semaphore, #tpu.memory_space<semaphore_mem>> -> memref<1x!tpu.dma_semaphore, #tpu.memory_space<semaphore_mem>>
            %dma_wait3A_456 = tpu.memref_squeeze %dma_wait3A_455 : memref<1x!tpu.dma_semaphore, #tpu.memory_space<semaphore_mem>> -> memref<!tpu.dma_semaphore, #tpu.memory_space<semaphore_mem>>
            %dma_wait3A_457 = arith.constant 0 : i32
            %dma_wait3A_458 = arith.constant 0 : i32
            %dma_wait3A_459 = tpu.memref_slice %run_scoped3A[%rem3A_449, %dma_wait3A_457, %dma_wait3A_458] : memref<2x1x128xi32, #tpu.memory_space<vmem>> -> memref<1x1x128xi32, #tpu.memory_space<vmem>>
            %dma_wait3A_460 = tpu.memref_squeeze %dma_wait3A_459 : memref<1x1x128xi32, #tpu.memory_space<vmem>> -> memref<1x128xi32, #tpu.memory_space<vmem>>
            %dma_wait3A_461 = arith.constant 0 : i32
            %dma_wait3A_462 = tpu.memref_slice %arg4[%dma_wait3A_461, %mul3A_447] : memref<1x3200000xi32, #tpu.memory_space<hbm>> -> memref<1x128xi32, #tpu.memory_space<hbm>>
            tpu.wait_dma2 semaphore(%dma_wait3A_456 : memref<!tpu.dma_semaphore, #tpu.memory_space<semaphore_mem>>) src(%dma_wait3A_462 : memref<1x128xi32, #tpu.memory_space<hbm>>) dst(%dma_wait3A_460 : memref<1x128xi32, #tpu.memory_space<vmem>>)
            "tpu.trace_stop"() : () -> ()
          } else {
          }
          %ne3A_290 = arith.cmpi ne, %add3A_197, %add3A_207 : i32
          %or3A_291 = arith.constant false
          %or3A_292 = arith.ori %or3A_291, %ne3A_290 : i1
          %or3A_293 = arith.ori %or3A_292, %eq3A_193 : i1
          %convert_element_type3A_294 = arith.extui %or3A_293 : i1 to i32
          %cond3A_295 = arith.constant 0 : i32
          %cond3A_296 = arith.cmpi ne, %convert_element_type3A_294, %cond3A_295 : i32
          scf.if %cond3A_296 {
            "tpu.trace_start"() <{level = 10 : i32, message = "ep_wait_in"}> : () -> ()
            %mul3A_446 = arith.constant 128 : i32
            %mul3A_447 = arith.muli %mul3A_446, %add3A_197 : i32
            %rem3A_448 = arith.constant 2 : i32
            %rem3A_449 = arith.remui %while3A_184, %rem3A_448 : i32
            %dma_wait3A = arith.constant 0 : i32
            %dma_wait3A_450 = arith.constant 0 : i32
            %dma_wait3A_451 = tpu.memref_slice %run_scoped3A_18[%rem3A_449, %dma_wait3A, %dma_wait3A_450] : memref<2x1x128xi32, #tpu.memory_space<vmem>> -> memref<1x1x128xi32, #tpu.memory_space<vmem>>
            %dma_wait3A_452 = tpu.memref_squeeze %dma_wait3A_451 : memref<1x1x128xi32, #tpu.memory_space<vmem>> -> memref<1x128xi32, #tpu.memory_space<vmem>>
            %dma_wait3A_453 = arith.constant 0 : i32
            %dma_wait3A_454 = tpu.memref_slice %arg5[%dma_wait3A_453, %mul3A_447] : memref<1x3200000xi32, #tpu.memory_space<hbm>> -> memref<1x128xi32, #tpu.memory_space<hbm>>
            %dma_wait3A_455 = tpu.memref_slice %run_scoped3A_19[%rem3A_449] : memref<2x!tpu.dma_semaphore, #tpu.memory_space<semaphore_mem>> -> memref<1x!tpu.dma_semaphore, #tpu.memory_space<semaphore_mem>>
            %dma_wait3A_456 = tpu.memref_squeeze %dma_wait3A_455 : memref<1x!tpu.dma_semaphore, #tpu.memory_space<semaphore_mem>> -> memref<!tpu.dma_semaphore, #tpu.memory_space<semaphore_mem>>
            %dma_wait3A_457 = arith.constant 0 : i32
            %dma_wait3A_458 = arith.constant 0 : i32
            %dma_wait3A_459 = tpu.memref_slice %run_scoped3A_18[%rem3A_449, %dma_wait3A_457, %dma_wait3A_458] : memref<2x1x128xi32, #tpu.memory_space<vmem>> -> memref<1x1x128xi32, #tpu.memory_space<vmem>>
            %dma_wait3A_460 = tpu.memref_squeeze %dma_wait3A_459 : memref<1x1x128xi32, #tpu.memory_space<vmem>> -> memref<1x128xi32, #tpu.memory_space<vmem>>
            %dma_wait3A_461 = arith.constant 0 : i32
            %dma_wait3A_462 = tpu.memref_slice %arg5[%dma_wait3A_461, %mul3A_447] : memref<1x3200000xi32, #tpu.memory_space<hbm>> -> memref<1x128xi32, #tpu.memory_space<hbm>>
            tpu.wait_dma2 semaphore(%dma_wait3A_456 : memref<!tpu.dma_semaphore, #tpu.memory_space<semaphore_mem>>) src(%dma_wait3A_462 : memref<1x128xi32, #tpu.memory_space<hbm>>) dst(%dma_wait3A_460 : memref<1x128xi32, #tpu.memory_space<vmem>>)
            "tpu.trace_stop"() : () -> ()
          } else {
          }
          %ne3A_297 = arith.cmpi ne, %add3A_197, %add3A_207 : i32
          %or3A_298 = arith.constant false
          %or3A_299 = arith.ori %or3A_298, %ne3A_297 : i1
          %or3A_300 = arith.constant false
          %or3A_301 = arith.ori %or3A_299, %or3A_300 : i1
          %or3A_302 = arith.ori %or3A_301, %eq3A_193 : i1
          %convert_element_type3A_303 = arith.extui %or3A_302 : i1 to i32
          %cond3A_304 = arith.constant 0 : i32
          %cond3A_305 = arith.cmpi ne, %convert_element_type3A_303, %cond3A_304 : i32
          scf.if %cond3A_305 {
          } else {
          }
          %ne3A_306 = arith.cmpi ne, %add3A_197, %add3A_207 : i32
          %or3A_307 = arith.constant false
          %or3A_308 = arith.ori %or3A_307, %ne3A_306 : i1
          %or3A_309 = arith.constant false
          %or3A_310 = arith.ori %or3A_308, %or3A_309 : i1
          %or3A_311 = arith.ori %or3A_310, %eq3A_193 : i1
          %convert_element_type3A_312 = arith.extui %or3A_311 : i1 to i32
          %cond3A_313 = arith.constant 0 : i32
          %cond3A_314 = arith.cmpi ne, %convert_element_type3A_312, %cond3A_313 : i32
          scf.if %cond3A_314 {
          } else {
          }
          %rem3A_315 = arith.constant 2 : i32
          %rem3A_316 = arith.remui %while3A_182, %rem3A_315 : i32
          %rem3A_317 = arith.constant 2 : i32
          %rem3A_318 = arith.remui %while3A_184, %rem3A_317 : i32
          %rem3A_319 = arith.constant 2 : i32
          %rem3A_320 = arith.remui %while3A_185, %rem3A_319 : i32
          %rem3A_321 = arith.constant 2 : i32
          %rem3A_322 = arith.remui %while3A_187, %rem3A_321 : i32
          %run_scoped3A_323 = arith.constant 0 : i32
          "tpu.trace_start"() <{level = 10 : i32, message = "ep_run_kernel"}> : () -> ()
          "tpu.region"() ({
            %run_scoped3A_446 = tpu.sem_alloc : memref<!tpu.dma_semaphore, #tpu.memory_space<semaphore_mem>>
            %dma_start3A_447 = arith.constant 0 : i32
            %dma_start3A_448 = arith.constant 0 : i32
            %dma_start3A_449 = tpu.memref_slice %run_scoped3A_20[%rem3A_320, %dma_start3A_447, %dma_start3A_448] : memref<2x128x16xf32, #tpu.memory_space<vmem>> -> memref<1x128x16xf32, #tpu.memory_space<vmem>>
            %dma_start3A_450 = tpu.memref_squeeze %dma_start3A_449 : memref<1x128x16xf32, #tpu.memory_space<vmem>> -> memref<128x16xf32, #tpu.memory_space<vmem>>
            %dma_start3A_451 = arith.constant 0 : i32
            %dma_start3A_452 = arith.constant 0 : i32
            %dma_start3A_453 = tpu.memref_slice %run_scoped3A[%rem3A_316, %dma_start3A_451, %dma_start3A_452] : memref<2x1x128xi32, #tpu.memory_space<vmem>> -> memref<1x1x128xi32, #tpu.memory_space<vmem>>
            %dma_start3A_454 = tpu.memref_squeeze %dma_start3A_453 : memref<1x1x128xi32, #tpu.memory_space<vmem>> -> memref<1x128xi32, #tpu.memory_space<vmem>>
            %dma_start3A_455 = arith.constant 0 : i32
            %dma_start3A_456 = tpu.memref_slice %dma_start3A_454[%run_scoped3A_323, %dma_start3A_455] : memref<1x128xi32, #tpu.memory_space<vmem>> -> memref<1x128xi32, #tpu.memory_space<vmem>>
            %dma_start3A_457 = tpu.memref_squeeze %dma_start3A_456 : memref<1x128xi32, #tpu.memory_space<vmem>> -> memref<128xi32, #tpu.memory_space<vmem>>
            %dma_start3A_458 = arith.constant 0 : i32
            %dma_start3A_459 = arith.constant 0 : i32
            %dma_start3A_460 = tpu.memref_slice %arg2[%dma_start3A_458, %dma_start3A_459] : memref<100000x16xf32, #tpu.memory_space<hbm>> -> memref<100000x16xf32, #tpu.memory_space<hbm>>
            tpu.enqueue_indirect_dma source(%dma_start3A_460 : memref<100000x16xf32, #tpu.memory_space<hbm>>) target(%dma_start3A_450 : memref<128x16xf32, #tpu.memory_space<vmem>>) offsets(%dma_start3A_457 : memref<128xi32, #tpu.memory_space<vmem>>) semaphore(%run_scoped3A_446 : memref<!tpu.dma_semaphore, #tpu.memory_space<semaphore_mem>>)
            %dma_wait3A = arith.constant 0 : i32
            %dma_wait3A_461 = arith.constant 0 : i32
            %dma_wait3A_462 = tpu.memref_slice %run_scoped3A_20[%rem3A_320, %dma_wait3A, %dma_wait3A_461] : memref<2x128x16xf32, #tpu.memory_space<vmem>> -> memref<1x128x16xf32, #tpu.memory_space<vmem>>
            %dma_wait3A_463 = tpu.memref_squeeze %dma_wait3A_462 : memref<1x128x16xf32, #tpu.memory_space<vmem>> -> memref<128x16xf32, #tpu.memory_space<vmem>>
            %dma_wait3A_464 = arith.constant 0 : i32
            %dma_wait3A_465 = arith.constant 0 : i32
            %dma_wait3A_466 = tpu.memref_slice %run_scoped3A[%rem3A_316, %dma_wait3A_464, %dma_wait3A_465] : memref<2x1x128xi32, #tpu.memory_space<vmem>> -> memref<1x1x128xi32, #tpu.memory_space<vmem>>
            %dma_wait3A_467 = tpu.memref_squeeze %dma_wait3A_466 : memref<1x1x128xi32, #tpu.memory_space<vmem>> -> memref<1x128xi32, #tpu.memory_space<vmem>>
            %dma_wait3A_468 = arith.constant 0 : i32
            %dma_wait3A_469 = tpu.memref_slice %dma_wait3A_467[%run_scoped3A_323, %dma_wait3A_468] : memref<1x128xi32, #tpu.memory_space<vmem>> -> memref<1x128xi32, #tpu.memory_space<vmem>>
            %dma_wait3A_470 = tpu.memref_squeeze %dma_wait3A_469 : memref<1x128xi32, #tpu.memory_space<vmem>> -> memref<128xi32, #tpu.memory_space<vmem>>
            %dma_wait3A_471 = arith.constant 0 : i32
            %dma_wait3A_472 = arith.constant 0 : i32
            %dma_wait3A_473 = tpu.memref_slice %arg2[%dma_wait3A_471, %dma_wait3A_472] : memref<100000x16xf32, #tpu.memory_space<hbm>> -> memref<100000x16xf32, #tpu.memory_space<hbm>>
            tpu.wait_indirect_dma semaphore(%run_scoped3A_446 : memref<!tpu.dma_semaphore, #tpu.memory_space<semaphore_mem>>) src(%dma_wait3A_473 : memref<100000x16xf32, #tpu.memory_space<hbm>>) dst(%dma_wait3A_463 : memref<128x16xf32, #tpu.memory_space<vmem>>)
            tpu.yield
          }) : () -> ()
          %run_scoped3A_324 = arith.constant 0 : i32
          "tpu.region"() ({
            %run_scoped3A_446 = tpu.sem_alloc : memref<!tpu.dma_semaphore, #tpu.memory_space<semaphore_mem>>
            %dma_start3A_447 = arith.constant 0 : i32
            %dma_start3A_448 = arith.constant 0 : i32
            %dma_start3A_449 = tpu.memref_slice %run_scoped3A_22[%rem3A_322, %dma_start3A_447, %dma_start3A_448] : memref<2x128x16xf32, #tpu.memory_space<vmem>> -> memref<1x128x16xf32, #tpu.memory_space<vmem>>
            %dma_start3A_450 = tpu.memref_squeeze %dma_start3A_449 : memref<1x128x16xf32, #tpu.memory_space<vmem>> -> memref<128x16xf32, #tpu.memory_space<vmem>>
            %dma_start3A_451 = arith.constant 0 : i32
            %dma_start3A_452 = arith.constant 0 : i32
            %dma_start3A_453 = tpu.memref_slice %run_scoped3A_18[%rem3A_318, %dma_start3A_451, %dma_start3A_452] : memref<2x1x128xi32, #tpu.memory_space<vmem>> -> memref<1x1x128xi32, #tpu.memory_space<vmem>>
            %dma_start3A_454 = tpu.memref_squeeze %dma_start3A_453 : memref<1x1x128xi32, #tpu.memory_space<vmem>> -> memref<1x128xi32, #tpu.memory_space<vmem>>
            %dma_start3A_455 = arith.constant 0 : i32
            %dma_start3A_456 = tpu.memref_slice %dma_start3A_454[%run_scoped3A_324, %dma_start3A_455] : memref<1x128xi32, #tpu.memory_space<vmem>> -> memref<1x128xi32, #tpu.memory_space<vmem>>
            %dma_start3A_457 = tpu.memref_squeeze %dma_start3A_456 : memref<1x128xi32, #tpu.memory_space<vmem>> -> memref<128xi32, #tpu.memory_space<vmem>>
            %dma_start3A_458 = arith.constant 0 : i32
            %dma_start3A_459 = arith.constant 0 : i32
            %dma_start3A_460 = tpu.memref_slice %arg3[%dma_start3A_458, %dma_start3A_459] : memref<100000x16xf32, #tpu.memory_space<hbm>> -> memref<100000x16xf32, #tpu.memory_space<hbm>>
            tpu.enqueue_indirect_dma source(%dma_start3A_460 : memref<100000x16xf32, #tpu.memory_space<hbm>>) target(%dma_start3A_450 : memref<128x16xf32, #tpu.memory_space<vmem>>) offsets(%dma_start3A_457 : memref<128xi32, #tpu.memory_space<vmem>>) semaphore(%run_scoped3A_446 : memref<!tpu.dma_semaphore, #tpu.memory_space<semaphore_mem>>)
            %dma_wait3A = arith.constant 0 : i32
            %dma_wait3A_461 = arith.constant 0 : i32
            %dma_wait3A_462 = tpu.memref_slice %run_scoped3A_22[%rem3A_322, %dma_wait3A, %dma_wait3A_461] : memref<2x128x16xf32, #tpu.memory_space<vmem>> -> memref<1x128x16xf32, #tpu.memory_space<vmem>>
            %dma_wait3A_463 = tpu.memref_squeeze %dma_wait3A_462 : memref<1x128x16xf32, #tpu.memory_space<vmem>> -> memref<128x16xf32, #tpu.memory_space<vmem>>
            %dma_wait3A_464 = arith.constant 0 : i32
            %dma_wait3A_465 = arith.constant 0 : i32
            %dma_wait3A_466 = tpu.memref_slice %run_scoped3A_18[%rem3A_318, %dma_wait3A_464, %dma_wait3A_465] : memref<2x1x128xi32, #tpu.memory_space<vmem>> -> memref<1x1x128xi32, #tpu.memory_space<vmem>>
            %dma_wait3A_467 = tpu.memref_squeeze %dma_wait3A_466 : memref<1x1x128xi32, #tpu.memory_space<vmem>> -> memref<1x128xi32, #tpu.memory_space<vmem>>
            %dma_wait3A_468 = arith.constant 0 : i32
            %dma_wait3A_469 = tpu.memref_slice %dma_wait3A_467[%run_scoped3A_324, %dma_wait3A_468] : memref<1x128xi32, #tpu.memory_space<vmem>> -> memref<1x128xi32, #tpu.memory_space<vmem>>
            %dma_wait3A_470 = tpu.memref_squeeze %dma_wait3A_469 : memref<1x128xi32, #tpu.memory_space<vmem>> -> memref<128xi32, #tpu.memory_space<vmem>>
            %dma_wait3A_471 = arith.constant 0 : i32
            %dma_wait3A_472 = arith.constant 0 : i32
            %dma_wait3A_473 = tpu.memref_slice %arg3[%dma_wait3A_471, %dma_wait3A_472] : memref<100000x16xf32, #tpu.memory_space<hbm>> -> memref<100000x16xf32, #tpu.memory_space<hbm>>
            tpu.wait_indirect_dma semaphore(%run_scoped3A_446 : memref<!tpu.dma_semaphore, #tpu.memory_space<semaphore_mem>>) src(%dma_wait3A_473 : memref<100000x16xf32, #tpu.memory_space<hbm>>) dst(%dma_wait3A_463 : memref<128x16xf32, #tpu.memory_space<vmem>>)
            tpu.yield
          }) : () -> ()
          "tpu.trace_stop"() : () -> ()
          %ne3A_325 = arith.cmpi ne, %add3A_197, %add3A_215 : i32
          %or3A_326 = arith.constant false
          %or3A_327 = arith.ori %or3A_326, %ne3A_325 : i1
          %or3A_328 = arith.ori %or3A_327, %eq3A_196 : i1
          %convert_element_type3A_329 = arith.extui %or3A_328 : i1 to i32
          %cond3A_330 = arith.constant 0 : i32
          %cond3A_331 = arith.cmpi ne, %convert_element_type3A_329, %cond3A_330 : i32
          scf.if %cond3A_331 {
          } else {
          }
          %and3A_332 = arith.constant false
          %and3A_333 = arith.andi %or3A_328, %and3A_332 : i1
          %ne3A_334 = arith.cmpi ne, %add3A_197, %add3A_215 : i32
          %or3A_335 = arith.constant false
          %or3A_336 = arith.ori %or3A_335, %ne3A_334 : i1
          %or3A_337 = arith.ori %or3A_336, %eq3A_196 : i1
          %convert_element_type3A_338 = arith.extui %or3A_337 : i1 to i32
          %cond3A_339 = arith.constant 0 : i32
          %cond3A_340 = arith.cmpi ne, %convert_element_type3A_338, %cond3A_339 : i32
          scf.if %cond3A_340 {
          } else {
          }
          %and3A_341 = arith.constant false
          %and3A_342 = arith.andi %or3A_337, %and3A_341 : i1
          %ne3A_343 = arith.cmpi ne, %add3A_197, %add3A_215 : i32
          %or3A_344 = arith.constant false
          %or3A_345 = arith.ori %or3A_344, %ne3A_343 : i1
          %or3A_346 = arith.constant false
          %or3A_347 = arith.ori %or3A_345, %or3A_346 : i1
          %or3A_348 = arith.ori %or3A_347, %eq3A_196 : i1
          %convert_element_type3A_349 = arith.extui %or3A_348 : i1 to i32
          %cond3A_350 = arith.constant 0 : i32
          %cond3A_351 = arith.cmpi ne, %convert_element_type3A_349, %cond3A_350 : i32
          scf.if %cond3A_351 {
            "tpu.trace_start"() <{level = 10 : i32, message = "ep_copy_out"}> : () -> ()
            %rem3A_446 = arith.constant 2 : i32
            %rem3A_447 = arith.remui %while3A_185, %rem3A_446 : i32
            %mul3A_448 = arith.constant 128 : i32
            %mul3A_449 = arith.muli %mul3A_448, %add3A_197 : i32
            %dma_start3A_450 = arith.constant 0 : i32
            %dma_start3A_451 = arith.constant 0 : i32
            %dma_start3A_452 = tpu.memref_slice %run_scoped3A_20[%rem3A_447, %dma_start3A_450, %dma_start3A_451] : memref<2x128x16xf32, #tpu.memory_space<vmem>> -> memref<1x128x16xf32, #tpu.memory_space<vmem>>
            %dma_start3A_453 = tpu.memref_squeeze %dma_start3A_452 : memref<1x128x16xf32, #tpu.memory_space<vmem>> -> memref<128x16xf32, #tpu.memory_space<vmem>>
            %dma_start3A_454 = arith.constant 0 : i32
            %dma_start3A_455 = tpu.memref_slice %arg6[%mul3A_449, %dma_start3A_454] : memref<3200000x16xf32, #tpu.memory_space<hbm>> -> memref<128x16xf32, #tpu.memory_space<hbm>>
            %dma_start3A_456 = tpu.memref_slice %run_scoped3A_21[%rem3A_447] : memref<2x!tpu.dma_semaphore, #tpu.memory_space<semaphore_mem>> -> memref<1x!tpu.dma_semaphore, #tpu.memory_space<semaphore_mem>>
            %dma_start3A_457 = tpu.memref_squeeze %dma_start3A_456 : memref<1x!tpu.dma_semaphore, #tpu.memory_space<semaphore_mem>> -> memref<!tpu.dma_semaphore, #tpu.memory_space<semaphore_mem>>
            %dma_start3A_458 = arith.constant 0 : i32
            %dma_start3A_459 = tpu.memref_slice %arg6[%mul3A_449, %dma_start3A_458] : memref<3200000x16xf32, #tpu.memory_space<hbm>> -> memref<128x16xf32, #tpu.memory_space<hbm>>
            %dma_start3A_460 = arith.constant 0 : i32
            %dma_start3A_461 = arith.constant 0 : i32
            %dma_start3A_462 = tpu.memref_slice %run_scoped3A_20[%rem3A_447, %dma_start3A_460, %dma_start3A_461] : memref<2x128x16xf32, #tpu.memory_space<vmem>> -> memref<1x128x16xf32, #tpu.memory_space<vmem>>
            %dma_start3A_463 = tpu.memref_squeeze %dma_start3A_462 : memref<1x128x16xf32, #tpu.memory_space<vmem>> -> memref<128x16xf32, #tpu.memory_space<vmem>>
            tpu.enqueue_dma source(%dma_start3A_463 : memref<128x16xf32, #tpu.memory_space<vmem>>) target(%dma_start3A_459 : memref<128x16xf32, #tpu.memory_space<hbm>>) target_semaphore(%dma_start3A_457 : memref<!tpu.dma_semaphore, #tpu.memory_space<semaphore_mem>>)
            "tpu.trace_stop"() : () -> ()
          } else {
          }
          %and3A_352 = arith.constant true
          %and3A_353 = arith.andi %or3A_348, %and3A_352 : i1
          %add3A_354 = arith.constant 1 : i32
          %add3A_355 = arith.addi %while3A_185, %add3A_354 : i32
          %select_n3A_356 = arith.select %and3A_353, %add3A_355, %while3A_185 : i32
          %ne3A_357 = arith.cmpi ne, %add3A_197, %add3A_215 : i32
          %or3A_358 = arith.constant false
          %or3A_359 = arith.ori %or3A_358, %ne3A_357 : i1
          %or3A_360 = arith.constant false
          %or3A_361 = arith.ori %or3A_359, %or3A_360 : i1
          %or3A_362 = arith.ori %or3A_361, %eq3A_196 : i1
          %convert_element_type3A_363 = arith.extui %or3A_362 : i1 to i32
          %cond3A_364 = arith.constant 0 : i32
          %cond3A_365 = arith.cmpi ne, %convert_element_type3A_363, %cond3A_364 : i32
          scf.if %cond3A_365 {
            "tpu.trace_start"() <{level = 10 : i32, message = "ep_copy_out"}> : () -> ()
            %rem3A_446 = arith.constant 2 : i32
            %rem3A_447 = arith.remui %while3A_187, %rem3A_446 : i32
            %mul3A_448 = arith.constant 128 : i32
            %mul3A_449 = arith.muli %mul3A_448, %add3A_197 : i32
            %dma_start3A_450 = arith.constant 0 : i32
            %dma_start3A_451 = arith.constant 0 : i32
            %dma_start3A_452 = tpu.memref_slice %run_scoped3A_22[%rem3A_447, %dma_start3A_450, %dma_start3A_451] : memref<2x128x16xf32, #tpu.memory_space<vmem>> -> memref<1x128x16xf32, #tpu.memory_space<vmem>>
            %dma_start3A_453 = tpu.memref_squeeze %dma_start3A_452 : memref<1x128x16xf32, #tpu.memory_space<vmem>> -> memref<128x16xf32, #tpu.memory_space<vmem>>
            %dma_start3A_454 = arith.constant 0 : i32
            %dma_start3A_455 = tpu.memref_slice %arg7[%mul3A_449, %dma_start3A_454] : memref<3200000x16xf32, #tpu.memory_space<hbm>> -> memref<128x16xf32, #tpu.memory_space<hbm>>
            %dma_start3A_456 = tpu.memref_slice %run_scoped3A_23[%rem3A_447] : memref<2x!tpu.dma_semaphore, #tpu.memory_space<semaphore_mem>> -> memref<1x!tpu.dma_semaphore, #tpu.memory_space<semaphore_mem>>
            %dma_start3A_457 = tpu.memref_squeeze %dma_start3A_456 : memref<1x!tpu.dma_semaphore, #tpu.memory_space<semaphore_mem>> -> memref<!tpu.dma_semaphore, #tpu.memory_space<semaphore_mem>>
            %dma_start3A_458 = arith.constant 0 : i32
            %dma_start3A_459 = tpu.memref_slice %arg7[%mul3A_449, %dma_start3A_458] : memref<3200000x16xf32, #tpu.memory_space<hbm>> -> memref<128x16xf32, #tpu.memory_space<hbm>>
            %dma_start3A_460 = arith.constant 0 : i32
            %dma_start3A_461 = arith.constant 0 : i32
            %dma_start3A_462 = tpu.memref_slice %run_scoped3A_22[%rem3A_447, %dma_start3A_460, %dma_start3A_461] : memref<2x128x16xf32, #tpu.memory_space<vmem>> -> memref<1x128x16xf32, #tpu.memory_space<vmem>>
            %dma_start3A_463 = tpu.memref_squeeze %dma_start3A_462 : memref<1x128x16xf32, #tpu.memory_space<vmem>> -> memref<128x16xf32, #tpu.memory_space<vmem>>
            tpu.enqueue_dma source(%dma_start3A_463 : memref<128x16xf32, #tpu.memory_space<vmem>>) target(%dma_start3A_459 : memref<128x16xf32, #tpu.memory_space<hbm>>) target_semaphore(%dma_start3A_457 : memref<!tpu.dma_semaphore, #tpu.memory_space<semaphore_mem>>)
            "tpu.trace_stop"() : () -> ()
          } else {
          }
          %and3A_366 = arith.constant true
          %and3A_367 = arith.andi %or3A_362, %and3A_366 : i1
          %add3A_368 = arith.constant 1 : i32
          %add3A_369 = arith.addi %while3A_187, %add3A_368 : i32
          %select_n3A_370 = arith.select %and3A_367, %add3A_369, %while3A_187 : i32
          %ne3A_371 = arith.cmpi ne, %add3A_197, %add3A_207 : i32
          %or3A_372 = arith.constant false
          %or3A_373 = arith.ori %or3A_372, %ne3A_371 : i1
          %not3A_374 = arith.constant true
          %not3A_375 = arith.xori %eq3A_193, %not3A_374 : i1
          %and3A_376 = arith.andi %or3A_373, %not3A_375 : i1
          %convert_element_type3A_377 = arith.extui %and3A_376 : i1 to i32
          %cond3A_378 = arith.constant 0 : i32
          %cond3A_379 = arith.cmpi ne, %convert_element_type3A_377, %cond3A_378 : i32
          scf.if %cond3A_379 {
          } else {
          }
          %and3A_380 = arith.constant false
          %and3A_381 = arith.andi %and3A_376, %and3A_380 : i1
          %ne3A_382 = arith.cmpi ne, %add3A_197, %add3A_207 : i32
          %or3A_383 = arith.constant false
          %or3A_384 = arith.ori %or3A_383, %ne3A_382 : i1
          %not3A_385 = arith.constant true
          %not3A_386 = arith.xori %eq3A_193, %not3A_385 : i1
          %and3A_387 = arith.andi %or3A_384, %not3A_386 : i1
          %convert_element_type3A_388 = arith.extui %and3A_387 : i1 to i32
          %cond3A_389 = arith.constant 0 : i32
          %cond3A_390 = arith.cmpi ne, %convert_element_type3A_388, %cond3A_389 : i32
          scf.if %cond3A_390 {
          } else {
          }
          %and3A_391 = arith.constant false
          %and3A_392 = arith.andi %and3A_387, %and3A_391 : i1
          %ne3A_393 = arith.cmpi ne, %add3A_197, %add3A_207 : i32
          %or3A_394 = arith.constant false
          %or3A_395 = arith.ori %or3A_394, %ne3A_393 : i1
          %or3A_396 = arith.constant false
          %or3A_397 = arith.ori %or3A_395, %or3A_396 : i1
          %not3A_398 = arith.constant true
          %not3A_399 = arith.xori %eq3A_193, %not3A_398 : i1
          %and3A_400 = arith.andi %or3A_397, %not3A_399 : i1
          %convert_element_type3A_401 = arith.extui %and3A_400 : i1 to i32
          %cond3A_402 = arith.constant 0 : i32
          %cond3A_403 = arith.cmpi ne, %convert_element_type3A_401, %cond3A_402 : i32
          scf.if %cond3A_403 {
            "tpu.trace_start"() <{level = 10 : i32, message = "ep_wait_out"}> : () -> ()
            %rem3A_446 = arith.constant 2 : i32
            %rem3A_447 = arith.remui %while3A_186, %rem3A_446 : i32
            %mul3A_448 = arith.constant 128 : i32
            %mul3A_449 = arith.muli %mul3A_448, %add3A_207 : i32
            %dma_wait3A = arith.constant 0 : i32
            %dma_wait3A_450 = arith.constant 0 : i32
            %dma_wait3A_451 = tpu.memref_slice %run_scoped3A_20[%rem3A_447, %dma_wait3A, %dma_wait3A_450] : memref<2x128x16xf32, #tpu.memory_space<vmem>> -> memref<1x128x16xf32, #tpu.memory_space<vmem>>
            %dma_wait3A_452 = tpu.memref_squeeze %dma_wait3A_451 : memref<1x128x16xf32, #tpu.memory_space<vmem>> -> memref<128x16xf32, #tpu.memory_space<vmem>>
            %dma_wait3A_453 = arith.constant 0 : i32
            %dma_wait3A_454 = tpu.memref_slice %arg6[%mul3A_449, %dma_wait3A_453] : memref<3200000x16xf32, #tpu.memory_space<hbm>> -> memref<128x16xf32, #tpu.memory_space<hbm>>
            %dma_wait3A_455 = tpu.memref_slice %run_scoped3A_21[%rem3A_447] : memref<2x!tpu.dma_semaphore, #tpu.memory_space<semaphore_mem>> -> memref<1x!tpu.dma_semaphore, #tpu.memory_space<semaphore_mem>>
            %dma_wait3A_456 = tpu.memref_squeeze %dma_wait3A_455 : memref<1x!tpu.dma_semaphore, #tpu.memory_space<semaphore_mem>> -> memref<!tpu.dma_semaphore, #tpu.memory_space<semaphore_mem>>
            %dma_wait3A_457 = arith.constant 0 : i32
            %dma_wait3A_458 = tpu.memref_slice %arg6[%mul3A_449, %dma_wait3A_457] : memref<3200000x16xf32, #tpu.memory_space<hbm>> -> memref<128x16xf32, #tpu.memory_space<hbm>>
            %dma_wait3A_459 = arith.constant 0 : i32
            %dma_wait3A_460 = arith.constant 0 : i32
            %dma_wait3A_461 = tpu.memref_slice %run_scoped3A_20[%rem3A_447, %dma_wait3A_459, %dma_wait3A_460] : memref<2x128x16xf32, #tpu.memory_space<vmem>> -> memref<1x128x16xf32, #tpu.memory_space<vmem>>
            %dma_wait3A_462 = tpu.memref_squeeze %dma_wait3A_461 : memref<1x128x16xf32, #tpu.memory_space<vmem>> -> memref<128x16xf32, #tpu.memory_space<vmem>>
            tpu.wait_dma2 semaphore(%dma_wait3A_456 : memref<!tpu.dma_semaphore, #tpu.memory_space<semaphore_mem>>) src(%dma_wait3A_462 : memref<128x16xf32, #tpu.memory_space<vmem>>) dst(%dma_wait3A_458 : memref<128x16xf32, #tpu.memory_space<hbm>>)
            "tpu.trace_stop"() : () -> ()
          } else {
          }
          %and3A_404 = arith.constant true
          %and3A_405 = arith.andi %and3A_400, %and3A_404 : i1
          %add3A_406 = arith.constant 1 : i32
          %add3A_407 = arith.addi %while3A_186, %add3A_406 : i32
          %select_n3A_408 = arith.select %and3A_405, %add3A_407, %while3A_186 : i32
          %ne3A_409 = arith.cmpi ne, %add3A_197, %add3A_207 : i32
          %or3A_410 = arith.constant false
          %or3A_411 = arith.ori %or3A_410, %ne3A_409 : i1
          %or3A_412 = arith.constant false
          %or3A_413 = arith.ori %or3A_411, %or3A_412 : i1
          %not3A_414 = arith.constant true
          %not3A_415 = arith.xori %eq3A_193, %not3A_414 : i1
          %and3A_416 = arith.andi %or3A_413, %not3A_415 : i1
          %convert_element_type3A_417 = arith.extui %and3A_416 : i1 to i32
          %cond3A_418 = arith.constant 0 : i32
          %cond3A_419 = arith.cmpi ne, %convert_element_type3A_417, %cond3A_418 : i32
          scf.if %cond3A_419 {
            "tpu.trace_start"() <{level = 10 : i32, message = "ep_wait_out"}> : () -> ()
            %rem3A_446 = arith.constant 2 : i32
            %rem3A_447 = arith.remui %while3A_188, %rem3A_446 : i32
            %mul3A_448 = arith.constant 128 : i32
            %mul3A_449 = arith.muli %mul3A_448, %add3A_207 : i32
            %dma_wait3A = arith.constant 0 : i32
            %dma_wait3A_450 = arith.constant 0 : i32
            %dma_wait3A_451 = tpu.memref_slice %run_scoped3A_22[%rem3A_447, %dma_wait3A, %dma_wait3A_450] : memref<2x128x16xf32, #tpu.memory_space<vmem>> -> memref<1x128x16xf32, #tpu.memory_space<vmem>>
            %dma_wait3A_452 = tpu.memref_squeeze %dma_wait3A_451 : memref<1x128x16xf32, #tpu.memory_space<vmem>> -> memref<128x16xf32, #tpu.memory_space<vmem>>
            %dma_wait3A_453 = arith.constant 0 : i32
            %dma_wait3A_454 = tpu.memref_slice %arg7[%mul3A_449, %dma_wait3A_453] : memref<3200000x16xf32, #tpu.memory_space<hbm>> -> memref<128x16xf32, #tpu.memory_space<hbm>>
            %dma_wait3A_455 = tpu.memref_slice %run_scoped3A_23[%rem3A_447] : memref<2x!tpu.dma_semaphore, #tpu.memory_space<semaphore_mem>> -> memref<1x!tpu.dma_semaphore, #tpu.memory_space<semaphore_mem>>
            %dma_wait3A_456 = tpu.memref_squeeze %dma_wait3A_455 : memref<1x!tpu.dma_semaphore, #tpu.memory_space<semaphore_mem>> -> memref<!tpu.dma_semaphore, #tpu.memory_space<semaphore_mem>>
            %dma_wait3A_457 = arith.constant 0 : i32
            %dma_wait3A_458 = tpu.memref_slice %arg7[%mul3A_449, %dma_wait3A_457] : memref<3200000x16xf32, #tpu.memory_space<hbm>> -> memref<128x16xf32, #tpu.memory_space<hbm>>
            %dma_wait3A_459 = arith.constant 0 : i32
            %dma_wait3A_460 = arith.constant 0 : i32
            %dma_wait3A_461 = tpu.memref_slice %run_scoped3A_22[%rem3A_447, %dma_wait3A_459, %dma_wait3A_460] : memref<2x128x16xf32, #tpu.memory_space<vmem>> -> memref<1x128x16xf32, #tpu.memory_space<vmem>>
            %dma_wait3A_462 = tpu.memref_squeeze %dma_wait3A_461 : memref<1x128x16xf32, #tpu.memory_space<vmem>> -> memref<128x16xf32, #tpu.memory_space<vmem>>
            tpu.wait_dma2 semaphore(%dma_wait3A_456 : memref<!tpu.dma_semaphore, #tpu.memory_space<semaphore_mem>>) src(%dma_wait3A_462 : memref<128x16xf32, #tpu.memory_space<vmem>>) dst(%dma_wait3A_458 : memref<128x16xf32, #tpu.memory_space<hbm>>)
            "tpu.trace_stop"() : () -> ()
          } else {
          }
          %and3A_420 = arith.constant true
          %and3A_421 = arith.andi %and3A_416, %and3A_420 : i1
          %add3A_422 = arith.constant 1 : i32
          %add3A_423 = arith.addi %while3A_188, %add3A_422 : i32
          %select_n3A_424 = arith.select %and3A_421, %add3A_423, %while3A_188 : i32
          %ne3A_425 = arith.cmpi ne, %add3A_197, %add3A_215 : i32
          %or3A_426 = arith.constant false
          %or3A_427 = arith.ori %or3A_426, %ne3A_425 : i1
          %or3A_428 = arith.ori %or3A_427, %eq3A_196 : i1
          %add3A_429 = arith.constant 1 : i32
          %add3A_430 = arith.addi %while3A_182, %add3A_429 : i32
          %select_n3A_431 = arith.select %or3A_428, %add3A_430, %while3A_182 : i32
          %ne3A_432 = arith.cmpi ne, %add3A_197, %add3A_215 : i32
          %or3A_433 = arith.constant false
          %or3A_434 = arith.ori %or3A_433, %ne3A_432 : i1
          %or3A_435 = arith.ori %or3A_434, %eq3A_196 : i1
          %add3A_436 = arith.constant 1 : i32
          %add3A_437 = arith.addi %while3A_184, %add3A_436 : i32
          %select_n3A_438 = arith.select %or3A_435, %add3A_437, %while3A_184 : i32
          %add3A_439 = arith.constant 1 : i32
          %add3A_440 = arith.addi %while3A_189, %add3A_439 : i32
          %select_n3A_441 = arith.constant true
          %select_n3A_442 = arith.select %select_n3A_441, %add3A_440, %while3A_189 : i32
          %eq3A_443 = arith.cmpi eq, %select_n3A_442, %select_n3A : i32
          %select_n3A_444 = arith.constant 0 : i32
          %select_n3A_445 = arith.select %eq3A_443, %select_n3A_444, %select_n3A_442 : i32
          scf.yield %select_n3A_237, %select_n3A_431, %select_n3A_256, %select_n3A_438, %select_n3A_356, %select_n3A_408, %select_n3A_370, %select_n3A_424, %select_n3A_445 : i32, i32, i32, i32, i32, i32, i32, i32, i32
        }
        %while3A_121 = arith.constant 1 : i32
        %while3A_122:9 = scf.for %while3A_180 = %while3A_118 to %while3A_114 step %while3A_121 iter_args(%while3A_181 = %while3A_120#0, %while3A_182 = %while3A_120#1, %while3A_183 = %while3A_120#2, %while3A_184 = %while3A_120#3, %while3A_185 = %while3A_120#4, %while3A_186 = %while3A_120#5, %while3A_187 = %while3A_120#6, %while3A_188 = %while3A_120#7, %while3A_189 = %while3A_120#8) -> (i32, i32, i32, i32, i32, i32, i32, i32, i32)  : i32 {
          %mul3A_190 = arith.constant 1 : i32
          %mul3A_191 = arith.muli %mul3A_190, %select_n3A : i32
          %eq3A_192 = arith.constant 0 : i32
          %eq3A_193 = arith.cmpi eq, %while3A_180, %eq3A_192 : i32
          %sub3A_194 = arith.constant 1 : i32
          %sub3A_195 = arith.subi %mul3A_191, %sub3A_194 : i32
          %eq3A_196 = arith.cmpi eq, %while3A_180, %sub3A_195 : i32
          %add3A_197 = arith.addi %while3A_189, %select_n3A_14 : i32
          %sub3A_198 = arith.constant 1 : i32
          %sub3A_199 = arith.subi %while3A_189, %sub3A_198 : i32
          %select_n3A_200 = arith.constant true
          %select_n3A_201 = arith.select %select_n3A_200, %sub3A_199, %while3A_189 : i32
          %eq3A_202 = arith.constant -1 : i32
          %eq3A_203 = arith.cmpi eq, %select_n3A_201, %eq3A_202 : i32
          %sub3A_204 = arith.constant 1 : i32
          %sub3A_205 = arith.subi %select_n3A, %sub3A_204 : i32
          %select_n3A_206 = arith.select %eq3A_203, %sub3A_205, %select_n3A_201 : i32
          %add3A_207 = arith.addi %select_n3A_206, %select_n3A_14 : i32
          %add3A_208 = arith.constant 1 : i32
          %add3A_209 = arith.addi %while3A_189, %add3A_208 : i32
          %select_n3A_210 = arith.constant true
          %select_n3A_211 = arith.select %select_n3A_210, %add3A_209, %while3A_189 : i32
          %eq3A_212 = arith.cmpi eq, %select_n3A_211, %select_n3A : i32
          %select_n3A_213 = arith.constant 0 : i32
          %select_n3A_214 = arith.select %eq3A_212, %select_n3A_213, %select_n3A_211 : i32
          %add3A_215 = arith.addi %select_n3A_214, %select_n3A_14 : i32
          %add3A_216 = arith.constant 1 : i32
          %add3A_217 = arith.addi %select_n3A_214, %add3A_216 : i32
          %select_n3A_218 = arith.constant true
          %select_n3A_219 = arith.select %select_n3A_218, %add3A_217, %select_n3A_214 : i32
          %eq3A_220 = arith.cmpi eq, %select_n3A_219, %select_n3A : i32
          %select_n3A_221 = arith.constant 0 : i32
          %select_n3A_222 = arith.select %eq3A_220, %select_n3A_221, %select_n3A_219 : i32
          %add3A_223 = arith.addi %select_n3A_222, %select_n3A_14 : i32
          %ne3A = arith.cmpi ne, %add3A_197, %add3A_215 : i32
          %or3A = arith.constant false
          %or3A_224 = arith.ori %or3A, %ne3A : i1
          %sub3A_225 = arith.constant 2 : i32
          %sub3A_226 = arith.subi %mul3A_191, %sub3A_225 : i32
          %add3A_227 = arith.constant 1 : i32
          %add3A_228 = arith.addi %sub3A_226, %add3A_227 : i32
          %ge3A = arith.cmpi sge, %while3A_180, %add3A_228 : i32
          %not3A = arith.constant true
          %not3A_229 = arith.xori %ge3A, %not3A : i1
          %and3A = arith.andi %or3A_224, %not3A_229 : i1
          %convert_element_type3A_230 = arith.extui %and3A : i1 to i32
          %cond3A_231 = arith.constant 0 : i32
          %cond3A_232 = arith.cmpi ne, %convert_element_type3A_230, %cond3A_231 : i32
          scf.if %cond3A_232 {
            "tpu.trace_start"() <{level = 10 : i32, message = "ep_copy_in"}> : () -> ()
            %rem3A_446 = arith.constant 2 : i32
            %rem3A_447 = arith.remui %while3A_181, %rem3A_446 : i32
            %mul3A_448 = arith.constant 128 : i32
            %mul3A_449 = arith.muli %mul3A_448, %add3A_215 : i32
            %dma_start3A_450 = arith.constant 0 : i32
            %dma_start3A_451 = arith.constant 0 : i32
            %dma_start3A_452 = tpu.memref_slice %run_scoped3A[%rem3A_447, %dma_start3A_450, %dma_start3A_451] : memref<2x1x128xi32, #tpu.memory_space<vmem>> -> memref<1x1x128xi32, #tpu.memory_space<vmem>>
            %dma_start3A_453 = tpu.memref_squeeze %dma_start3A_452 : memref<1x1x128xi32, #tpu.memory_space<vmem>> -> memref<1x128xi32, #tpu.memory_space<vmem>>
            %dma_start3A_454 = arith.constant 0 : i32
            %dma_start3A_455 = tpu.memref_slice %arg4[%dma_start3A_454, %mul3A_449] : memref<1x3200000xi32, #tpu.memory_space<hbm>> -> memref<1x128xi32, #tpu.memory_space<hbm>>
            %dma_start3A_456 = tpu.memref_slice %run_scoped3A_17[%rem3A_447] : memref<2x!tpu.dma_semaphore, #tpu.memory_space<semaphore_mem>> -> memref<1x!tpu.dma_semaphore, #tpu.memory_space<semaphore_mem>>
            %dma_start3A_457 = tpu.memref_squeeze %dma_start3A_456 : memref<1x!tpu.dma_semaphore, #tpu.memory_space<semaphore_mem>> -> memref<!tpu.dma_semaphore, #tpu.memory_space<semaphore_mem>>
            %dma_start3A_458 = arith.constant 0 : i32
            %dma_start3A_459 = arith.constant 0 : i32
            %dma_start3A_460 = tpu.memref_slice %run_scoped3A[%rem3A_447, %dma_start3A_458, %dma_start3A_459] : memref<2x1x128xi32, #tpu.memory_space<vmem>> -> memref<1x1x128xi32, #tpu.memory_space<vmem>>
            %dma_start3A_461 = tpu.memref_squeeze %dma_start3A_460 : memref<1x1x128xi32, #tpu.memory_space<vmem>> -> memref<1x128xi32, #tpu.memory_space<vmem>>
            %dma_start3A_462 = arith.constant 0 : i32
            %dma_start3A_463 = tpu.memref_slice %arg4[%dma_start3A_462, %mul3A_449] : memref<1x3200000xi32, #tpu.memory_space<hbm>> -> memref<1x128xi32, #tpu.memory_space<hbm>>
            tpu.enqueue_dma source(%dma_start3A_463 : memref<1x128xi32, #tpu.memory_space<hbm>>) target(%dma_start3A_461 : memref<1x128xi32, #tpu.memory_space<vmem>>) target_semaphore(%dma_start3A_457 : memref<!tpu.dma_semaphore, #tpu.memory_space<semaphore_mem>>)
            "tpu.trace_stop"() : () -> ()
          } else {
          }
          %and3A_233 = arith.constant true
          %and3A_234 = arith.andi %and3A, %and3A_233 : i1
          %add3A_235 = arith.constant 1 : i32
          %add3A_236 = arith.addi %while3A_181, %add3A_235 : i32
          %select_n3A_237 = arith.select %and3A_234, %add3A_236, %while3A_181 : i32
          %ne3A_238 = arith.cmpi ne, %add3A_197, %add3A_215 : i32
          %or3A_239 = arith.constant false
          %or3A_240 = arith.ori %or3A_239, %ne3A_238 : i1
          %sub3A_241 = arith.constant 2 : i32
          %sub3A_242 = arith.subi %mul3A_191, %sub3A_241 : i32
          %add3A_243 = arith.constant 1 : i32
          %add3A_244 = arith.addi %sub3A_242, %add3A_243 : i32
          %ge3A_245 = arith.cmpi sge, %while3A_180, %add3A_244 : i32
          %not3A_246 = arith.constant true
          %not3A_247 = arith.xori %ge3A_245, %not3A_246 : i1
          %and3A_248 = arith.andi %or3A_240, %not3A_247 : i1
          %convert_element_type3A_249 = arith.extui %and3A_248 : i1 to i32
          %cond3A_250 = arith.constant 0 : i32
          %cond3A_251 = arith.cmpi ne, %convert_element_type3A_249, %cond3A_250 : i32
          scf.if %cond3A_251 {
            "tpu.trace_start"() <{level = 10 : i32, message = "ep_copy_in"}> : () -> ()
            %rem3A_446 = arith.constant 2 : i32
            %rem3A_447 = arith.remui %while3A_183, %rem3A_446 : i32
            %mul3A_448 = arith.constant 128 : i32
            %mul3A_449 = arith.muli %mul3A_448, %add3A_215 : i32
            %dma_start3A_450 = arith.constant 0 : i32
            %dma_start3A_451 = arith.constant 0 : i32
            %dma_start3A_452 = tpu.memref_slice %run_scoped3A_18[%rem3A_447, %dma_start3A_450, %dma_start3A_451] : memref<2x1x128xi32, #tpu.memory_space<vmem>> -> memref<1x1x128xi32, #tpu.memory_space<vmem>>
            %dma_start3A_453 = tpu.memref_squeeze %dma_start3A_452 : memref<1x1x128xi32, #tpu.memory_space<vmem>> -> memref<1x128xi32, #tpu.memory_space<vmem>>
            %dma_start3A_454 = arith.constant 0 : i32
            %dma_start3A_455 = tpu.memref_slice %arg5[%dma_start3A_454, %mul3A_449] : memref<1x3200000xi32, #tpu.memory_space<hbm>> -> memref<1x128xi32, #tpu.memory_space<hbm>>
            %dma_start3A_456 = tpu.memref_slice %run_scoped3A_19[%rem3A_447] : memref<2x!tpu.dma_semaphore, #tpu.memory_space<semaphore_mem>> -> memref<1x!tpu.dma_semaphore, #tpu.memory_space<semaphore_mem>>
            %dma_start3A_457 = tpu.memref_squeeze %dma_start3A_456 : memref<1x!tpu.dma_semaphore, #tpu.memory_space<semaphore_mem>> -> memref<!tpu.dma_semaphore, #tpu.memory_space<semaphore_mem>>
            %dma_start3A_458 = arith.constant 0 : i32
            %dma_start3A_459 = arith.constant 0 : i32
            %dma_start3A_460 = tpu.memref_slice %run_scoped3A_18[%rem3A_447, %dma_start3A_458, %dma_start3A_459] : memref<2x1x128xi32, #tpu.memory_space<vmem>> -> memref<1x1x128xi32, #tpu.memory_space<vmem>>
            %dma_start3A_461 = tpu.memref_squeeze %dma_start3A_460 : memref<1x1x128xi32, #tpu.memory_space<vmem>> -> memref<1x128xi32, #tpu.memory_space<vmem>>
            %dma_start3A_462 = arith.constant 0 : i32
            %dma_start3A_463 = tpu.memref_slice %arg5[%dma_start3A_462, %mul3A_449] : memref<1x3200000xi32, #tpu.memory_space<hbm>> -> memref<1x128xi32, #tpu.memory_space<hbm>>
            tpu.enqueue_dma source(%dma_start3A_463 : memref<1x128xi32, #tpu.memory_space<hbm>>) target(%dma_start3A_461 : memref<1x128xi32, #tpu.memory_space<vmem>>) target_semaphore(%dma_start3A_457 : memref<!tpu.dma_semaphore, #tpu.memory_space<semaphore_mem>>)
            "tpu.trace_stop"() : () -> ()
          } else {
          }
          %and3A_252 = arith.constant true
          %and3A_253 = arith.andi %and3A_248, %and3A_252 : i1
          %add3A_254 = arith.constant 1 : i32
          %add3A_255 = arith.addi %while3A_183, %add3A_254 : i32
          %select_n3A_256 = arith.select %and3A_253, %add3A_255, %while3A_183 : i32
          %ne3A_257 = arith.cmpi ne, %add3A_197, %add3A_215 : i32
          %or3A_258 = arith.constant false
          %or3A_259 = arith.ori %or3A_258, %ne3A_257 : i1
          %or3A_260 = arith.constant false
          %or3A_261 = arith.ori %or3A_259, %or3A_260 : i1
          %sub3A_262 = arith.constant 2 : i32
          %sub3A_263 = arith.subi %mul3A_191, %sub3A_262 : i32
          %add3A_264 = arith.constant 1 : i32
          %add3A_265 = arith.addi %sub3A_263, %add3A_264 : i32
          %ge3A_266 = arith.cmpi sge, %while3A_180, %add3A_265 : i32
          %not3A_267 = arith.constant true
          %not3A_268 = arith.xori %ge3A_266, %not3A_267 : i1
          %and3A_269 = arith.andi %or3A_261, %not3A_268 : i1
          %ne3A_270 = arith.cmpi ne, %add3A_197, %add3A_215 : i32
          %or3A_271 = arith.constant false
          %or3A_272 = arith.ori %or3A_271, %ne3A_270 : i1
          %or3A_273 = arith.constant false
          %or3A_274 = arith.ori %or3A_272, %or3A_273 : i1
          %sub3A_275 = arith.constant 2 : i32
          %sub3A_276 = arith.subi %mul3A_191, %sub3A_275 : i32
          %add3A_277 = arith.constant 1 : i32
          %add3A_278 = arith.addi %sub3A_276, %add3A_277 : i32
          %ge3A_279 = arith.cmpi sge, %while3A_180, %add3A_278 : i32
          %not3A_280 = arith.constant true
          %not3A_281 = arith.xori %ge3A_279, %not3A_280 : i1
          %and3A_282 = arith.andi %or3A_274, %not3A_281 : i1
          %ne3A_283 = arith.cmpi ne, %add3A_197, %add3A_207 : i32
          %or3A_284 = arith.constant false
          %or3A_285 = arith.ori %or3A_284, %ne3A_283 : i1
          %or3A_286 = arith.ori %or3A_285, %eq3A_193 : i1
          %convert_element_type3A_287 = arith.extui %or3A_286 : i1 to i32
          %cond3A_288 = arith.constant 0 : i32
          %cond3A_289 = arith.cmpi ne, %convert_element_type3A_287, %cond3A_288 : i32
          scf.if %cond3A_289 {
            "tpu.trace_start"() <{level = 10 : i32, message = "ep_wait_in"}> : () -> ()
            %mul3A_446 = arith.constant 128 : i32
            %mul3A_447 = arith.muli %mul3A_446, %add3A_197 : i32
            %rem3A_448 = arith.constant 2 : i32
            %rem3A_449 = arith.remui %while3A_182, %rem3A_448 : i32
            %dma_wait3A = arith.constant 0 : i32
            %dma_wait3A_450 = arith.constant 0 : i32
            %dma_wait3A_451 = tpu.memref_slice %run_scoped3A[%rem3A_449, %dma_wait3A, %dma_wait3A_450] : memref<2x1x128xi32, #tpu.memory_space<vmem>> -> memref<1x1x128xi32, #tpu.memory_space<vmem>>
            %dma_wait3A_452 = tpu.memref_squeeze %dma_wait3A_451 : memref<1x1x128xi32, #tpu.memory_space<vmem>> -> memref<1x128xi32, #tpu.memory_space<vmem>>
            %dma_wait3A_453 = arith.constant 0 : i32
            %dma_wait3A_454 = tpu.memref_slice %arg4[%dma_wait3A_453, %mul3A_447] : memref<1x3200000xi32, #tpu.memory_space<hbm>> -> memref<1x128xi32, #tpu.memory_space<hbm>>
            %dma_wait3A_455 = tpu.memref_slice %run_scoped3A_17[%rem3A_449] : memref<2x!tpu.dma_semaphore, #tpu.memory_space<semaphore_mem>> -> memref<1x!tpu.dma_semaphore, #tpu.memory_space<semaphore_mem>>
            %dma_wait3A_456 = tpu.memref_squeeze %dma_wait3A_455 : memref<1x!tpu.dma_semaphore, #tpu.memory_space<semaphore_mem>> -> memref<!tpu.dma_semaphore, #tpu.memory_space<semaphore_mem>>
            %dma_wait3A_457 = arith.constant 0 : i32
            %dma_wait3A_458 = arith.constant 0 : i32
            %dma_wait3A_459 = tpu.memref_slice %run_scoped3A[%rem3A_449, %dma_wait3A_457, %dma_wait3A_458] : memref<2x1x128xi32, #tpu.memory_space<vmem>> -> memref<1x1x128xi32, #tpu.memory_space<vmem>>
            %dma_wait3A_460 = tpu.memref_squeeze %dma_wait3A_459 : memref<1x1x128xi32, #tpu.memory_space<vmem>> -> memref<1x128xi32, #tpu.memory_space<vmem>>
            %dma_wait3A_461 = arith.constant 0 : i32
            %dma_wait3A_462 = tpu.memref_slice %arg4[%dma_wait3A_461, %mul3A_447] : memref<1x3200000xi32, #tpu.memory_space<hbm>> -> memref<1x128xi32, #tpu.memory_space<hbm>>
            tpu.wait_dma2 semaphore(%dma_wait3A_456 : memref<!tpu.dma_semaphore, #tpu.memory_space<semaphore_mem>>) src(%dma_wait3A_462 : memref<1x128xi32, #tpu.memory_space<hbm>>) dst(%dma_wait3A_460 : memref<1x128xi32, #tpu.memory_space<vmem>>)
            "tpu.trace_stop"() : () -> ()
          } else {
          }
          %ne3A_290 = arith.cmpi ne, %add3A_197, %add3A_207 : i32
          %or3A_291 = arith.constant false
          %or3A_292 = arith.ori %or3A_291, %ne3A_290 : i1
          %or3A_293 = arith.ori %or3A_292, %eq3A_193 : i1
          %convert_element_type3A_294 = arith.extui %or3A_293 : i1 to i32
          %cond3A_295 = arith.constant 0 : i32
          %cond3A_296 = arith.cmpi ne, %convert_element_type3A_294, %cond3A_295 : i32
          scf.if %cond3A_296 {
            "tpu.trace_start"() <{level = 10 : i32, message = "ep_wait_in"}> : () -> ()
            %mul3A_446 = arith.constant 128 : i32
            %mul3A_447 = arith.muli %mul3A_446, %add3A_197 : i32
            %rem3A_448 = arith.constant 2 : i32
            %rem3A_449 = arith.remui %while3A_184, %rem3A_448 : i32
            %dma_wait3A = arith.constant 0 : i32
            %dma_wait3A_450 = arith.constant 0 : i32
            %dma_wait3A_451 = tpu.memref_slice %run_scoped3A_18[%rem3A_449, %dma_wait3A, %dma_wait3A_450] : memref<2x1x128xi32, #tpu.memory_space<vmem>> -> memref<1x1x128xi32, #tpu.memory_space<vmem>>
            %dma_wait3A_452 = tpu.memref_squeeze %dma_wait3A_451 : memref<1x1x128xi32, #tpu.memory_space<vmem>> -> memref<1x128xi32, #tpu.memory_space<vmem>>
            %dma_wait3A_453 = arith.constant 0 : i32
            %dma_wait3A_454 = tpu.memref_slice %arg5[%dma_wait3A_453, %mul3A_447] : memref<1x3200000xi32, #tpu.memory_space<hbm>> -> memref<1x128xi32, #tpu.memory_space<hbm>>
            %dma_wait3A_455 = tpu.memref_slice %run_scoped3A_19[%rem3A_449] : memref<2x!tpu.dma_semaphore, #tpu.memory_space<semaphore_mem>> -> memref<1x!tpu.dma_semaphore, #tpu.memory_space<semaphore_mem>>
            %dma_wait3A_456 = tpu.memref_squeeze %dma_wait3A_455 : memref<1x!tpu.dma_semaphore, #tpu.memory_space<semaphore_mem>> -> memref<!tpu.dma_semaphore, #tpu.memory_space<semaphore_mem>>
            %dma_wait3A_457 = arith.constant 0 : i32
            %dma_wait3A_458 = arith.constant 0 : i32
            %dma_wait3A_459 = tpu.memref_slice %run_scoped3A_18[%rem3A_449, %dma_wait3A_457, %dma_wait3A_458] : memref<2x1x128xi32, #tpu.memory_space<vmem>> -> memref<1x1x128xi32, #tpu.memory_space<vmem>>
            %dma_wait3A_460 = tpu.memref_squeeze %dma_wait3A_459 : memref<1x1x128xi32, #tpu.memory_space<vmem>> -> memref<1x128xi32, #tpu.memory_space<vmem>>
            %dma_wait3A_461 = arith.constant 0 : i32
            %dma_wait3A_462 = tpu.memref_slice %arg5[%dma_wait3A_461, %mul3A_447] : memref<1x3200000xi32, #tpu.memory_space<hbm>> -> memref<1x128xi32, #tpu.memory_space<hbm>>
            tpu.wait_dma2 semaphore(%dma_wait3A_456 : memref<!tpu.dma_semaphore, #tpu.memory_space<semaphore_mem>>) src(%dma_wait3A_462 : memref<1x128xi32, #tpu.memory_space<hbm>>) dst(%dma_wait3A_460 : memref<1x128xi32, #tpu.memory_space<vmem>>)
            "tpu.trace_stop"() : () -> ()
          } else {
          }
          %ne3A_297 = arith.cmpi ne, %add3A_197, %add3A_207 : i32
          %or3A_298 = arith.constant false
          %or3A_299 = arith.ori %or3A_298, %ne3A_297 : i1
          %or3A_300 = arith.constant false
          %or3A_301 = arith.ori %or3A_299, %or3A_300 : i1
          %or3A_302 = arith.ori %or3A_301, %eq3A_193 : i1
          %convert_element_type3A_303 = arith.extui %or3A_302 : i1 to i32
          %cond3A_304 = arith.constant 0 : i32
          %cond3A_305 = arith.cmpi ne, %convert_element_type3A_303, %cond3A_304 : i32
          scf.if %cond3A_305 {
          } else {
          }
          %ne3A_306 = arith.cmpi ne, %add3A_197, %add3A_207 : i32
          %or3A_307 = arith.constant false
          %or3A_308 = arith.ori %or3A_307, %ne3A_306 : i1
          %or3A_309 = arith.constant false
          %or3A_310 = arith.ori %or3A_308, %or3A_309 : i1
          %or3A_311 = arith.ori %or3A_310, %eq3A_193 : i1
          %convert_element_type3A_312 = arith.extui %or3A_311 : i1 to i32
          %cond3A_313 = arith.constant 0 : i32
          %cond3A_314 = arith.cmpi ne, %convert_element_type3A_312, %cond3A_313 : i32
          scf.if %cond3A_314 {
          } else {
          }
          %rem3A_315 = arith.constant 2 : i32
          %rem3A_316 = arith.remui %while3A_182, %rem3A_315 : i32
          %rem3A_317 = arith.constant 2 : i32
          %rem3A_318 = arith.remui %while3A_184, %rem3A_317 : i32
          %rem3A_319 = arith.constant 2 : i32
          %rem3A_320 = arith.remui %while3A_185, %rem3A_319 : i32
          %rem3A_321 = arith.constant 2 : i32
          %rem3A_322 = arith.remui %while3A_187, %rem3A_321 : i32
          %run_scoped3A_323 = arith.constant 0 : i32
          "tpu.trace_start"() <{level = 10 : i32, message = "ep_run_kernel"}> : () -> ()
          "tpu.region"() ({
            %run_scoped3A_446 = tpu.sem_alloc : memref<!tpu.dma_semaphore, #tpu.memory_space<semaphore_mem>>
            %dma_start3A_447 = arith.constant 0 : i32
            %dma_start3A_448 = arith.constant 0 : i32
            %dma_start3A_449 = tpu.memref_slice %run_scoped3A_20[%rem3A_320, %dma_start3A_447, %dma_start3A_448] : memref<2x128x16xf32, #tpu.memory_space<vmem>> -> memref<1x128x16xf32, #tpu.memory_space<vmem>>
            %dma_start3A_450 = tpu.memref_squeeze %dma_start3A_449 : memref<1x128x16xf32, #tpu.memory_space<vmem>> -> memref<128x16xf32, #tpu.memory_space<vmem>>
            %dma_start3A_451 = arith.constant 0 : i32
            %dma_start3A_452 = arith.constant 0 : i32
            %dma_start3A_453 = tpu.memref_slice %run_scoped3A[%rem3A_316, %dma_start3A_451, %dma_start3A_452] : memref<2x1x128xi32, #tpu.memory_space<vmem>> -> memref<1x1x128xi32, #tpu.memory_space<vmem>>
            %dma_start3A_454 = tpu.memref_squeeze %dma_start3A_453 : memref<1x1x128xi32, #tpu.memory_space<vmem>> -> memref<1x128xi32, #tpu.memory_space<vmem>>
            %dma_start3A_455 = arith.constant 0 : i32
            %dma_start3A_456 = tpu.memref_slice %dma_start3A_454[%run_scoped3A_323, %dma_start3A_455] : memref<1x128xi32, #tpu.memory_space<vmem>> -> memref<1x128xi32, #tpu.memory_space<vmem>>
            %dma_start3A_457 = tpu.memref_squeeze %dma_start3A_456 : memref<1x128xi32, #tpu.memory_space<vmem>> -> memref<128xi32, #tpu.memory_space<vmem>>
            %dma_start3A_458 = arith.constant 0 : i32
            %dma_start3A_459 = arith.constant 0 : i32
            %dma_start3A_460 = tpu.memref_slice %arg2[%dma_start3A_458, %dma_start3A_459] : memref<100000x16xf32, #tpu.memory_space<hbm>> -> memref<100000x16xf32, #tpu.memory_space<hbm>>
            tpu.enqueue_indirect_dma source(%dma_start3A_460 : memref<100000x16xf32, #tpu.memory_space<hbm>>) target(%dma_start3A_450 : memref<128x16xf32, #tpu.memory_space<vmem>>) offsets(%dma_start3A_457 : memref<128xi32, #tpu.memory_space<vmem>>) semaphore(%run_scoped3A_446 : memref<!tpu.dma_semaphore, #tpu.memory_space<semaphore_mem>>)
            %dma_wait3A = arith.constant 0 : i32
            %dma_wait3A_461 = arith.constant 0 : i32
            %dma_wait3A_462 = tpu.memref_slice %run_scoped3A_20[%rem3A_320, %dma_wait3A, %dma_wait3A_461] : memref<2x128x16xf32, #tpu.memory_space<vmem>> -> memref<1x128x16xf32, #tpu.memory_space<vmem>>
            %dma_wait3A_463 = tpu.memref_squeeze %dma_wait3A_462 : memref<1x128x16xf32, #tpu.memory_space<vmem>> -> memref<128x16xf32, #tpu.memory_space<vmem>>
            %dma_wait3A_464 = arith.constant 0 : i32
            %dma_wait3A_465 = arith.constant 0 : i32
            %dma_wait3A_466 = tpu.memref_slice %run_scoped3A[%rem3A_316, %dma_wait3A_464, %dma_wait3A_465] : memref<2x1x128xi32, #tpu.memory_space<vmem>> -> memref<1x1x128xi32, #tpu.memory_space<vmem>>
            %dma_wait3A_467 = tpu.memref_squeeze %dma_wait3A_466 : memref<1x1x128xi32, #tpu.memory_space<vmem>> -> memref<1x128xi32, #tpu.memory_space<vmem>>
            %dma_wait3A_468 = arith.constant 0 : i32
            %dma_wait3A_469 = tpu.memref_slice %dma_wait3A_467[%run_scoped3A_323, %dma_wait3A_468] : memref<1x128xi32, #tpu.memory_space<vmem>> -> memref<1x128xi32, #tpu.memory_space<vmem>>
            %dma_wait3A_470 = tpu.memref_squeeze %dma_wait3A_469 : memref<1x128xi32, #tpu.memory_space<vmem>> -> memref<128xi32, #tpu.memory_space<vmem>>
            %dma_wait3A_471 = arith.constant 0 : i32
            %dma_wait3A_472 = arith.constant 0 : i32
            %dma_wait3A_473 = tpu.memref_slice %arg2[%dma_wait3A_471, %dma_wait3A_472] : memref<100000x16xf32, #tpu.memory_space<hbm>> -> memref<100000x16xf32, #tpu.memory_space<hbm>>
            tpu.wait_indirect_dma semaphore(%run_scoped3A_446 : memref<!tpu.dma_semaphore, #tpu.memory_space<semaphore_mem>>) src(%dma_wait3A_473 : memref<100000x16xf32, #tpu.memory_space<hbm>>) dst(%dma_wait3A_463 : memref<128x16xf32, #tpu.memory_space<vmem>>)
            tpu.yield
          }) : () -> ()
          %run_scoped3A_324 = arith.constant 0 : i32
          "tpu.region"() ({
            %run_scoped3A_446 = tpu.sem_alloc : memref<!tpu.dma_semaphore, #tpu.memory_space<semaphore_mem>>
            %dma_start3A_447 = arith.constant 0 : i32
            %dma_start3A_448 = arith.constant 0 : i32
            %dma_start3A_449 = tpu.memref_slice %run_scoped3A_22[%rem3A_322, %dma_start3A_447, %dma_start3A_448] : memref<2x128x16xf32, #tpu.memory_space<vmem>> -> memref<1x128x16xf32, #tpu.memory_space<vmem>>
            %dma_start3A_450 = tpu.memref_squeeze %dma_start3A_449 : memref<1x128x16xf32, #tpu.memory_space<vmem>> -> memref<128x16xf32, #tpu.memory_space<vmem>>
            %dma_start3A_451 = arith.constant 0 : i32
            %dma_start3A_452 = arith.constant 0 : i32
            %dma_start3A_453 = tpu.memref_slice %run_scoped3A_18[%rem3A_318, %dma_start3A_451, %dma_start3A_452] : memref<2x1x128xi32, #tpu.memory_space<vmem>> -> memref<1x1x128xi32, #tpu.memory_space<vmem>>
            %dma_start3A_454 = tpu.memref_squeeze %dma_start3A_453 : memref<1x1x128xi32, #tpu.memory_space<vmem>> -> memref<1x128xi32, #tpu.memory_space<vmem>>
            %dma_start3A_455 = arith.constant 0 : i32
            %dma_start3A_456 = tpu.memref_slice %dma_start3A_454[%run_scoped3A_324, %dma_start3A_455] : memref<1x128xi32, #tpu.memory_space<vmem>> -> memref<1x128xi32, #tpu.memory_space<vmem>>
            %dma_start3A_457 = tpu.memref_squeeze %dma_start3A_456 : memref<1x128xi32, #tpu.memory_space<vmem>> -> memref<128xi32, #tpu.memory_space<vmem>>
            %dma_start3A_458 = arith.constant 0 : i32
            %dma_start3A_459 = arith.constant 0 : i32
            %dma_start3A_460 = tpu.memref_slice %arg3[%dma_start3A_458, %dma_start3A_459] : memref<100000x16xf32, #tpu.memory_space<hbm>> -> memref<100000x16xf32, #tpu.memory_space<hbm>>
            tpu.enqueue_indirect_dma source(%dma_start3A_460 : memref<100000x16xf32, #tpu.memory_space<hbm>>) target(%dma_start3A_450 : memref<128x16xf32, #tpu.memory_space<vmem>>) offsets(%dma_start3A_457 : memref<128xi32, #tpu.memory_space<vmem>>) semaphore(%run_scoped3A_446 : memref<!tpu.dma_semaphore, #tpu.memory_space<semaphore_mem>>)
            %dma_wait3A = arith.constant 0 : i32
            %dma_wait3A_461 = arith.constant 0 : i32
            %dma_wait3A_462 = tpu.memref_slice %run_scoped3A_22[%rem3A_322, %dma_wait3A, %dma_wait3A_461] : memref<2x128x16xf32, #tpu.memory_space<vmem>> -> memref<1x128x16xf32, #tpu.memory_space<vmem>>
            %dma_wait3A_463 = tpu.memref_squeeze %dma_wait3A_462 : memref<1x128x16xf32, #tpu.memory_space<vmem>> -> memref<128x16xf32, #tpu.memory_space<vmem>>
            %dma_wait3A_464 = arith.constant 0 : i32
            %dma_wait3A_465 = arith.constant 0 : i32
            %dma_wait3A_466 = tpu.memref_slice %run_scoped3A_18[%rem3A_318, %dma_wait3A_464, %dma_wait3A_465] : memref<2x1x128xi32, #tpu.memory_space<vmem>> -> memref<1x1x128xi32, #tpu.memory_space<vmem>>
            %dma_wait3A_467 = tpu.memref_squeeze %dma_wait3A_466 : memref<1x1x128xi32, #tpu.memory_space<vmem>> -> memref<1x128xi32, #tpu.memory_space<vmem>>
            %dma_wait3A_468 = arith.constant 0 : i32
            %dma_wait3A_469 = tpu.memref_slice %dma_wait3A_467[%run_scoped3A_324, %dma_wait3A_468] : memref<1x128xi32, #tpu.memory_space<vmem>> -> memref<1x128xi32, #tpu.memory_space<vmem>>
            %dma_wait3A_470 = tpu.memref_squeeze %dma_wait3A_469 : memref<1x128xi32, #tpu.memory_space<vmem>> -> memref<128xi32, #tpu.memory_space<vmem>>
            %dma_wait3A_471 = arith.constant 0 : i32
            %dma_wait3A_472 = arith.constant 0 : i32
            %dma_wait3A_473 = tpu.memref_slice %arg3[%dma_wait3A_471, %dma_wait3A_472] : memref<100000x16xf32, #tpu.memory_space<hbm>> -> memref<100000x16xf32, #tpu.memory_space<hbm>>
            tpu.wait_indirect_dma semaphore(%run_scoped3A_446 : memref<!tpu.dma_semaphore, #tpu.memory_space<semaphore_mem>>) src(%dma_wait3A_473 : memref<100000x16xf32, #tpu.memory_space<hbm>>) dst(%dma_wait3A_463 : memref<128x16xf32, #tpu.memory_space<vmem>>)
            tpu.yield
          }) : () -> ()
          "tpu.trace_stop"() : () -> ()
          %ne3A_325 = arith.cmpi ne, %add3A_197, %add3A_215 : i32
          %or3A_326 = arith.constant false
          %or3A_327 = arith.ori %or3A_326, %ne3A_325 : i1
          %or3A_328 = arith.ori %or3A_327, %eq3A_196 : i1
          %convert_element_type3A_329 = arith.extui %or3A_328 : i1 to i32
          %cond3A_330 = arith.constant 0 : i32
          %cond3A_331 = arith.cmpi ne, %convert_element_type3A_329, %cond3A_330 : i32
          scf.if %cond3A_331 {
          } else {
          }
          %and3A_332 = arith.constant false
          %and3A_333 = arith.andi %or3A_328, %and3A_332 : i1
          %ne3A_334 = arith.cmpi ne, %add3A_197, %add3A_215 : i32
          %or3A_335 = arith.constant false
          %or3A_336 = arith.ori %or3A_335, %ne3A_334 : i1
          %or3A_337 = arith.ori %or3A_336, %eq3A_196 : i1
          %convert_element_type3A_338 = arith.extui %or3A_337 : i1 to i32
          %cond3A_339 = arith.constant 0 : i32
          %cond3A_340 = arith.cmpi ne, %convert_element_type3A_338, %cond3A_339 : i32
          scf.if %cond3A_340 {
          } else {
          }
          %and3A_341 = arith.constant false
          %and3A_342 = arith.andi %or3A_337, %and3A_341 : i1
          %ne3A_343 = arith.cmpi ne, %add3A_197, %add3A_215 : i32
          %or3A_344 = arith.constant false
          %or3A_345 = arith.ori %or3A_344, %ne3A_343 : i1
          %or3A_346 = arith.constant false
          %or3A_347 = arith.ori %or3A_345, %or3A_346 : i1
          %or3A_348 = arith.ori %or3A_347, %eq3A_196 : i1
          %convert_element_type3A_349 = arith.extui %or3A_348 : i1 to i32
          %cond3A_350 = arith.constant 0 : i32
          %cond3A_351 = arith.cmpi ne, %convert_element_type3A_349, %cond3A_350 : i32
          scf.if %cond3A_351 {
            "tpu.trace_start"() <{level = 10 : i32, message = "ep_copy_out"}> : () -> ()
            %rem3A_446 = arith.constant 2 : i32
            %rem3A_447 = arith.remui %while3A_185, %rem3A_446 : i32
            %mul3A_448 = arith.constant 128 : i32
            %mul3A_449 = arith.muli %mul3A_448, %add3A_197 : i32
            %dma_start3A_450 = arith.constant 0 : i32
            %dma_start3A_451 = arith.constant 0 : i32
            %dma_start3A_452 = tpu.memref_slice %run_scoped3A_20[%rem3A_447, %dma_start3A_450, %dma_start3A_451] : memref<2x128x16xf32, #tpu.memory_space<vmem>> -> memref<1x128x16xf32, #tpu.memory_space<vmem>>
            %dma_start3A_453 = tpu.memref_squeeze %dma_start3A_452 : memref<1x128x16xf32, #tpu.memory_space<vmem>> -> memref<128x16xf32, #tpu.memory_space<vmem>>
            %dma_start3A_454 = arith.constant 0 : i32
            %dma_start3A_455 = tpu.memref_slice %arg6[%mul3A_449, %dma_start3A_454] : memref<3200000x16xf32, #tpu.memory_space<hbm>> -> memref<128x16xf32, #tpu.memory_space<hbm>>
            %dma_start3A_456 = tpu.memref_slice %run_scoped3A_21[%rem3A_447] : memref<2x!tpu.dma_semaphore, #tpu.memory_space<semaphore_mem>> -> memref<1x!tpu.dma_semaphore, #tpu.memory_space<semaphore_mem>>
            %dma_start3A_457 = tpu.memref_squeeze %dma_start3A_456 : memref<1x!tpu.dma_semaphore, #tpu.memory_space<semaphore_mem>> -> memref<!tpu.dma_semaphore, #tpu.memory_space<semaphore_mem>>
            %dma_start3A_458 = arith.constant 0 : i32
            %dma_start3A_459 = tpu.memref_slice %arg6[%mul3A_449, %dma_start3A_458] : memref<3200000x16xf32, #tpu.memory_space<hbm>> -> memref<128x16xf32, #tpu.memory_space<hbm>>
            %dma_start3A_460 = arith.constant 0 : i32
            %dma_start3A_461 = arith.constant 0 : i32
            %dma_start3A_462 = tpu.memref_slice %run_scoped3A_20[%rem3A_447, %dma_start3A_460, %dma_start3A_461] : memref<2x128x16xf32, #tpu.memory_space<vmem>> -> memref<1x128x16xf32, #tpu.memory_space<vmem>>
            %dma_start3A_463 = tpu.memref_squeeze %dma_start3A_462 : memref<1x128x16xf32, #tpu.memory_space<vmem>> -> memref<128x16xf32, #tpu.memory_space<vmem>>
            tpu.enqueue_dma source(%dma_start3A_463 : memref<128x16xf32, #tpu.memory_space<vmem>>) target(%dma_start3A_459 : memref<128x16xf32, #tpu.memory_space<hbm>>) target_semaphore(%dma_start3A_457 : memref<!tpu.dma_semaphore, #tpu.memory_space<semaphore_mem>>)
            "tpu.trace_stop"() : () -> ()
          } else {
          }
          %and3A_352 = arith.constant true
          %and3A_353 = arith.andi %or3A_348, %and3A_352 : i1
          %add3A_354 = arith.constant 1 : i32
          %add3A_355 = arith.addi %while3A_185, %add3A_354 : i32
          %select_n3A_356 = arith.select %and3A_353, %add3A_355, %while3A_185 : i32
          %ne3A_357 = arith.cmpi ne, %add3A_197, %add3A_215 : i32
          %or3A_358 = arith.constant false
          %or3A_359 = arith.ori %or3A_358, %ne3A_357 : i1
          %or3A_360 = arith.constant false
          %or3A_361 = arith.ori %or3A_359, %or3A_360 : i1
          %or3A_362 = arith.ori %or3A_361, %eq3A_196 : i1
          %convert_element_type3A_363 = arith.extui %or3A_362 : i1 to i32
          %cond3A_364 = arith.constant 0 : i32
          %cond3A_365 = arith.cmpi ne, %convert_element_type3A_363, %cond3A_364 : i32
          scf.if %cond3A_365 {
            "tpu.trace_start"() <{level = 10 : i32, message = "ep_copy_out"}> : () -> ()
            %rem3A_446 = arith.constant 2 : i32
            %rem3A_447 = arith.remui %while3A_187, %rem3A_446 : i32
            %mul3A_448 = arith.constant 128 : i32
            %mul3A_449 = arith.muli %mul3A_448, %add3A_197 : i32
            %dma_start3A_450 = arith.constant 0 : i32
            %dma_start3A_451 = arith.constant 0 : i32
            %dma_start3A_452 = tpu.memref_slice %run_scoped3A_22[%rem3A_447, %dma_start3A_450, %dma_start3A_451] : memref<2x128x16xf32, #tpu.memory_space<vmem>> -> memref<1x128x16xf32, #tpu.memory_space<vmem>>
            %dma_start3A_453 = tpu.memref_squeeze %dma_start3A_452 : memref<1x128x16xf32, #tpu.memory_space<vmem>> -> memref<128x16xf32, #tpu.memory_space<vmem>>
            %dma_start3A_454 = arith.constant 0 : i32
            %dma_start3A_455 = tpu.memref_slice %arg7[%mul3A_449, %dma_start3A_454] : memref<3200000x16xf32, #tpu.memory_space<hbm>> -> memref<128x16xf32, #tpu.memory_space<hbm>>
            %dma_start3A_456 = tpu.memref_slice %run_scoped3A_23[%rem3A_447] : memref<2x!tpu.dma_semaphore, #tpu.memory_space<semaphore_mem>> -> memref<1x!tpu.dma_semaphore, #tpu.memory_space<semaphore_mem>>
            %dma_start3A_457 = tpu.memref_squeeze %dma_start3A_456 : memref<1x!tpu.dma_semaphore, #tpu.memory_space<semaphore_mem>> -> memref<!tpu.dma_semaphore, #tpu.memory_space<semaphore_mem>>
            %dma_start3A_458 = arith.constant 0 : i32
            %dma_start3A_459 = tpu.memref_slice %arg7[%mul3A_449, %dma_start3A_458] : memref<3200000x16xf32, #tpu.memory_space<hbm>> -> memref<128x16xf32, #tpu.memory_space<hbm>>
            %dma_start3A_460 = arith.constant 0 : i32
            %dma_start3A_461 = arith.constant 0 : i32
            %dma_start3A_462 = tpu.memref_slice %run_scoped3A_22[%rem3A_447, %dma_start3A_460, %dma_start3A_461] : memref<2x128x16xf32, #tpu.memory_space<vmem>> -> memref<1x128x16xf32, #tpu.memory_space<vmem>>
            %dma_start3A_463 = tpu.memref_squeeze %dma_start3A_462 : memref<1x128x16xf32, #tpu.memory_space<vmem>> -> memref<128x16xf32, #tpu.memory_space<vmem>>
            tpu.enqueue_dma source(%dma_start3A_463 : memref<128x16xf32, #tpu.memory_space<vmem>>) target(%dma_start3A_459 : memref<128x16xf32, #tpu.memory_space<hbm>>) target_semaphore(%dma_start3A_457 : memref<!tpu.dma_semaphore, #tpu.memory_space<semaphore_mem>>)
            "tpu.trace_stop"() : () -> ()
          } else {
          }
          %and3A_366 = arith.constant true
          %and3A_367 = arith.andi %or3A_362, %and3A_366 : i1
          %add3A_368 = arith.constant 1 : i32
          %add3A_369 = arith.addi %while3A_187, %add3A_368 : i32
          %select_n3A_370 = arith.select %and3A_367, %add3A_369, %while3A_187 : i32
          %ne3A_371 = arith.cmpi ne, %add3A_197, %add3A_207 : i32
          %or3A_372 = arith.constant false
          %or3A_373 = arith.ori %or3A_372, %ne3A_371 : i1
          %not3A_374 = arith.constant true
          %not3A_375 = arith.xori %eq3A_193, %not3A_374 : i1
          %and3A_376 = arith.andi %or3A_373, %not3A_375 : i1
          %convert_element_type3A_377 = arith.extui %and3A_376 : i1 to i32
          %cond3A_378 = arith.constant 0 : i32
          %cond3A_379 = arith.cmpi ne, %convert_element_type3A_377, %cond3A_378 : i32
          scf.if %cond3A_379 {
          } else {
          }
          %and3A_380 = arith.constant false
          %and3A_381 = arith.andi %and3A_376, %and3A_380 : i1
          %ne3A_382 = arith.cmpi ne, %add3A_197, %add3A_207 : i32
          %or3A_383 = arith.constant false
          %or3A_384 = arith.ori %or3A_383, %ne3A_382 : i1
          %not3A_385 = arith.constant true
          %not3A_386 = arith.xori %eq3A_193, %not3A_385 : i1
          %and3A_387 = arith.andi %or3A_384, %not3A_386 : i1
          %convert_element_type3A_388 = arith.extui %and3A_387 : i1 to i32
          %cond3A_389 = arith.constant 0 : i32
          %cond3A_390 = arith.cmpi ne, %convert_element_type3A_388, %cond3A_389 : i32
          scf.if %cond3A_390 {
          } else {
          }
          %and3A_391 = arith.constant false
          %and3A_392 = arith.andi %and3A_387, %and3A_391 : i1
          %ne3A_393 = arith.cmpi ne, %add3A_197, %add3A_207 : i32
          %or3A_394 = arith.constant false
          %or3A_395 = arith.ori %or3A_394, %ne3A_393 : i1
          %or3A_396 = arith.constant false
          %or3A_397 = arith.ori %or3A_395, %or3A_396 : i1
          %not3A_398 = arith.constant true
          %not3A_399 = arith.xori %eq3A_193, %not3A_398 : i1
          %and3A_400 = arith.andi %or3A_397, %not3A_399 : i1
          %convert_element_type3A_401 = arith.extui %and3A_400 : i1 to i32
          %cond3A_402 = arith.constant 0 : i32
          %cond3A_403 = arith.cmpi ne, %convert_element_type3A_401, %cond3A_402 : i32
          scf.if %cond3A_403 {
            "tpu.trace_start"() <{level = 10 : i32, message = "ep_wait_out"}> : () -> ()
            %rem3A_446 = arith.constant 2 : i32
            %rem3A_447 = arith.remui %while3A_186, %rem3A_446 : i32
            %mul3A_448 = arith.constant 128 : i32
            %mul3A_449 = arith.muli %mul3A_448, %add3A_207 : i32
            %dma_wait3A = arith.constant 0 : i32
            %dma_wait3A_450 = arith.constant 0 : i32
            %dma_wait3A_451 = tpu.memref_slice %run_scoped3A_20[%rem3A_447, %dma_wait3A, %dma_wait3A_450] : memref<2x128x16xf32, #tpu.memory_space<vmem>> -> memref<1x128x16xf32, #tpu.memory_space<vmem>>
            %dma_wait3A_452 = tpu.memref_squeeze %dma_wait3A_451 : memref<1x128x16xf32, #tpu.memory_space<vmem>> -> memref<128x16xf32, #tpu.memory_space<vmem>>
            %dma_wait3A_453 = arith.constant 0 : i32
            %dma_wait3A_454 = tpu.memref_slice %arg6[%mul3A_449, %dma_wait3A_453] : memref<3200000x16xf32, #tpu.memory_space<hbm>> -> memref<128x16xf32, #tpu.memory_space<hbm>>
            %dma_wait3A_455 = tpu.memref_slice %run_scoped3A_21[%rem3A_447] : memref<2x!tpu.dma_semaphore, #tpu.memory_space<semaphore_mem>> -> memref<1x!tpu.dma_semaphore, #tpu.memory_space<semaphore_mem>>
            %dma_wait3A_456 = tpu.memref_squeeze %dma_wait3A_455 : memref<1x!tpu.dma_semaphore, #tpu.memory_space<semaphore_mem>> -> memref<!tpu.dma_semaphore, #tpu.memory_space<semaphore_mem>>
            %dma_wait3A_457 = arith.constant 0 : i32
            %dma_wait3A_458 = tpu.memref_slice %arg6[%mul3A_449, %dma_wait3A_457] : memref<3200000x16xf32, #tpu.memory_space<hbm>> -> memref<128x16xf32, #tpu.memory_space<hbm>>
            %dma_wait3A_459 = arith.constant 0 : i32
            %dma_wait3A_460 = arith.constant 0 : i32
            %dma_wait3A_461 = tpu.memref_slice %run_scoped3A_20[%rem3A_447, %dma_wait3A_459, %dma_wait3A_460] : memref<2x128x16xf32, #tpu.memory_space<vmem>> -> memref<1x128x16xf32, #tpu.memory_space<vmem>>
            %dma_wait3A_462 = tpu.memref_squeeze %dma_wait3A_461 : memref<1x128x16xf32, #tpu.memory_space<vmem>> -> memref<128x16xf32, #tpu.memory_space<vmem>>
            tpu.wait_dma2 semaphore(%dma_wait3A_456 : memref<!tpu.dma_semaphore, #tpu.memory_space<semaphore_mem>>) src(%dma_wait3A_462 : memref<128x16xf32, #tpu.memory_space<vmem>>) dst(%dma_wait3A_458 : memref<128x16xf32, #tpu.memory_space<hbm>>)
            "tpu.trace_stop"() : () -> ()
          } else {
          }
          %and3A_404 = arith.constant true
          %and3A_405 = arith.andi %and3A_400, %and3A_404 : i1
          %add3A_406 = arith.constant 1 : i32
          %add3A_407 = arith.addi %while3A_186, %add3A_406 : i32
          %select_n3A_408 = arith.select %and3A_405, %add3A_407, %while3A_186 : i32
          %ne3A_409 = arith.cmpi ne, %add3A_197, %add3A_207 : i32
          %or3A_410 = arith.constant false
          %or3A_411 = arith.ori %or3A_410, %ne3A_409 : i1
          %or3A_412 = arith.constant false
          %or3A_413 = arith.ori %or3A_411, %or3A_412 : i1
          %not3A_414 = arith.constant true
          %not3A_415 = arith.xori %eq3A_193, %not3A_414 : i1
          %and3A_416 = arith.andi %or3A_413, %not3A_415 : i1
          %convert_element_type3A_417 = arith.extui %and3A_416 : i1 to i32
          %cond3A_418 = arith.constant 0 : i32
          %cond3A_419 = arith.cmpi ne, %convert_element_type3A_417, %cond3A_418 : i32
          scf.if %cond3A_419 {
            "tpu.trace_start"() <{level = 10 : i32, message = "ep_wait_out"}> : () -> ()
            %rem3A_446 = arith.constant 2 : i32
            %rem3A_447 = arith.remui %while3A_188, %rem3A_446 : i32
            %mul3A_448 = arith.constant 128 : i32
            %mul3A_449 = arith.muli %mul3A_448, %add3A_207 : i32
            %dma_wait3A = arith.constant 0 : i32
            %dma_wait3A_450 = arith.constant 0 : i32
            %dma_wait3A_451 = tpu.memref_slice %run_scoped3A_22[%rem3A_447, %dma_wait3A, %dma_wait3A_450] : memref<2x128x16xf32, #tpu.memory_space<vmem>> -> memref<1x128x16xf32, #tpu.memory_space<vmem>>
            %dma_wait3A_452 = tpu.memref_squeeze %dma_wait3A_451 : memref<1x128x16xf32, #tpu.memory_space<vmem>> -> memref<128x16xf32, #tpu.memory_space<vmem>>
            %dma_wait3A_453 = arith.constant 0 : i32
            %dma_wait3A_454 = tpu.memref_slice %arg7[%mul3A_449, %dma_wait3A_453] : memref<3200000x16xf32, #tpu.memory_space<hbm>> -> memref<128x16xf32, #tpu.memory_space<hbm>>
            %dma_wait3A_455 = tpu.memref_slice %run_scoped3A_23[%rem3A_447] : memref<2x!tpu.dma_semaphore, #tpu.memory_space<semaphore_mem>> -> memref<1x!tpu.dma_semaphore, #tpu.memory_space<semaphore_mem>>
            %dma_wait3A_456 = tpu.memref_squeeze %dma_wait3A_455 : memref<1x!tpu.dma_semaphore, #tpu.memory_space<semaphore_mem>> -> memref<!tpu.dma_semaphore, #tpu.memory_space<semaphore_mem>>
            %dma_wait3A_457 = arith.constant 0 : i32
            %dma_wait3A_458 = tpu.memref_slice %arg7[%mul3A_449, %dma_wait3A_457] : memref<3200000x16xf32, #tpu.memory_space<hbm>> -> memref<128x16xf32, #tpu.memory_space<hbm>>
            %dma_wait3A_459 = arith.constant 0 : i32
            %dma_wait3A_460 = arith.constant 0 : i32
            %dma_wait3A_461 = tpu.memref_slice %run_scoped3A_22[%rem3A_447, %dma_wait3A_459, %dma_wait3A_460] : memref<2x128x16xf32, #tpu.memory_space<vmem>> -> memref<1x128x16xf32, #tpu.memory_space<vmem>>
            %dma_wait3A_462 = tpu.memref_squeeze %dma_wait3A_461 : memref<1x128x16xf32, #tpu.memory_space<vmem>> -> memref<128x16xf32, #tpu.memory_space<vmem>>
            tpu.wait_dma2 semaphore(%dma_wait3A_456 : memref<!tpu.dma_semaphore, #tpu.memory_space<semaphore_mem>>) src(%dma_wait3A_462 : memref<128x16xf32, #tpu.memory_space<vmem>>) dst(%dma_wait3A_458 : memref<128x16xf32, #tpu.memory_space<hbm>>)
            "tpu.trace_stop"() : () -> ()
          } else {
          }
          %and3A_420 = arith.constant true
          %and3A_421 = arith.andi %and3A_416, %and3A_420 : i1
          %add3A_422 = arith.constant 1 : i32
          %add3A_423 = arith.addi %while3A_188, %add3A_422 : i32
          %select_n3A_424 = arith.select %and3A_421, %add3A_423, %while3A_188 : i32
          %ne3A_425 = arith.cmpi ne, %add3A_197, %add3A_215 : i32
          %or3A_426 = arith.constant false
          %or3A_427 = arith.ori %or3A_426, %ne3A_425 : i1
          %or3A_428 = arith.ori %or3A_427, %eq3A_196 : i1
          %add3A_429 = arith.constant 1 : i32
          %add3A_430 = arith.addi %while3A_182, %add3A_429 : i32
          %select_n3A_431 = arith.select %or3A_428, %add3A_430, %while3A_182 : i32
          %ne3A_432 = arith.cmpi ne, %add3A_197, %add3A_215 : i32
          %or3A_433 = arith.constant false
          %or3A_434 = arith.ori %or3A_433, %ne3A_432 : i1
          %or3A_435 = arith.ori %or3A_434, %eq3A_196 : i1
          %add3A_436 = arith.constant 1 : i32
          %add3A_437 = arith.addi %while3A_184, %add3A_436 : i32
          %select_n3A_438 = arith.select %or3A_435, %add3A_437, %while3A_184 : i32
          %add3A_439 = arith.constant 1 : i32
          %add3A_440 = arith.addi %while3A_189, %add3A_439 : i32
          %select_n3A_441 = arith.constant true
          %select_n3A_442 = arith.select %select_n3A_441, %add3A_440, %while3A_189 : i32
          %eq3A_443 = arith.cmpi eq, %select_n3A_442, %select_n3A : i32
          %select_n3A_444 = arith.constant 0 : i32
          %select_n3A_445 = arith.select %eq3A_443, %select_n3A_444, %select_n3A_442 : i32
          scf.yield %select_n3A_237, %select_n3A_431, %select_n3A_256, %select_n3A_438, %select_n3A_356, %select_n3A_408, %select_n3A_370, %select_n3A_424, %select_n3A_445 : i32, i32, i32, i32, i32, i32, i32, i32, i32
        }
        %sub3A_123 = arith.constant 1 : i32
        %sub3A_124 = arith.subi %while3A_122#8, %sub3A_123 : i32
        %select_n3A_125 = arith.constant true
        %select_n3A_126 = arith.select %select_n3A_125, %sub3A_124, %while3A_122#8 : i32
        %eq3A_127 = arith.constant -1 : i32
        %eq3A_128 = arith.cmpi eq, %select_n3A_126, %eq3A_127 : i32
        %sub3A_129 = arith.constant 1 : i32
        %sub3A_130 = arith.subi %select_n3A, %sub3A_129 : i32
        %select_n3A_131 = arith.select %eq3A_128, %sub3A_130, %select_n3A_126 : i32
        %sub3A_132 = arith.constant 1 : i32
        %sub3A_133 = arith.subi %mul3A_16, %sub3A_132 : i32
        %mul3A_134 = arith.constant 1 : i32
        %mul3A_135 = arith.muli %mul3A_134, %select_n3A : i32
        %eq3A_136 = arith.constant 0 : i32
        %eq3A_137 = arith.cmpi eq, %sub3A_133, %eq3A_136 : i32
        %sub3A_138 = arith.constant 1 : i32
        %sub3A_139 = arith.subi %mul3A_135, %sub3A_138 : i32
        %eq3A_140 = arith.cmpi eq, %sub3A_133, %sub3A_139 : i32
        %add3A_141 = arith.addi %select_n3A_131, %select_n3A_14 : i32
        %sub3A_142 = arith.constant 1 : i32
        %sub3A_143 = arith.subi %select_n3A_131, %sub3A_142 : i32
        %select_n3A_144 = arith.constant true
        %select_n3A_145 = arith.select %select_n3A_144, %sub3A_143, %select_n3A_131 : i32
        %eq3A_146 = arith.constant -1 : i32
        %eq3A_147 = arith.cmpi eq, %select_n3A_145, %eq3A_146 : i32
        %sub3A_148 = arith.constant 1 : i32
        %sub3A_149 = arith.subi %select_n3A, %sub3A_148 : i32
        %select_n3A_150 = arith.select %eq3A_147, %sub3A_149, %select_n3A_145 : i32
        %add3A_151 = arith.addi %select_n3A_150, %select_n3A_14 : i32
        %add3A_152 = arith.constant 1 : i32
        %add3A_153 = arith.addi %select_n3A_131, %add3A_152 : i32
        %select_n3A_154 = arith.constant true
        %select_n3A_155 = arith.select %select_n3A_154, %add3A_153, %select_n3A_131 : i32
        %eq3A_156 = arith.cmpi eq, %select_n3A_155, %select_n3A : i32
        %select_n3A_157 = arith.constant 0 : i32
        %select_n3A_158 = arith.select %eq3A_156, %select_n3A_157, %select_n3A_155 : i32
        %add3A_159 = arith.addi %select_n3A_158, %select_n3A_14 : i32
        %add3A_160 = arith.constant 1 : i32
        %add3A_161 = arith.addi %select_n3A_158, %add3A_160 : i32
        %select_n3A_162 = arith.constant true
        %select_n3A_163 = arith.select %select_n3A_162, %add3A_161, %select_n3A_158 : i32
        %eq3A_164 = arith.cmpi eq, %select_n3A_163, %select_n3A : i32
        %select_n3A_165 = arith.constant 0 : i32
        %select_n3A_166 = arith.select %eq3A_164, %select_n3A_165, %select_n3A_163 : i32
        %add3A_167 = arith.addi %select_n3A_166, %select_n3A_14 : i32
        %convert_element_type3A_168 = arith.extui %eq3A_140 : i1 to i32
        %cond3A_169 = arith.constant 0 : i32
        %cond3A_170 = arith.cmpi ne, %convert_element_type3A_168, %cond3A_169 : i32
        scf.if %cond3A_170 {
        } else {
        }
        %convert_element_type3A_171 = arith.extui %eq3A_140 : i1 to i32
        %cond3A_172 = arith.constant 0 : i32
        %cond3A_173 = arith.cmpi ne, %convert_element_type3A_171, %cond3A_172 : i32
        scf.if %cond3A_173 {
        } else {
        }
        %convert_element_type3A_174 = arith.extui %eq3A_140 : i1 to i32
        %cond3A_175 = arith.constant 0 : i32
        %cond3A_176 = arith.cmpi ne, %convert_element_type3A_174, %cond3A_175 : i32
        scf.if %cond3A_176 {
          "tpu.trace_start"() <{level = 10 : i32, message = "ep_finalize"}> : () -> ()
          %rem3A_180 = arith.constant 2 : i32
          %rem3A_181 = arith.remui %while3A_122#5, %rem3A_180 : i32
          %mul3A_182 = arith.constant 128 : i32
          %mul3A_183 = arith.muli %mul3A_182, %add3A_141 : i32
          %dma_wait3A = arith.constant 0 : i32
          %dma_wait3A_184 = arith.constant 0 : i32
          %dma_wait3A_185 = tpu.memref_slice %run_scoped3A_20[%rem3A_181, %dma_wait3A, %dma_wait3A_184] : memref<2x128x16xf32, #tpu.memory_space<vmem>> -> memref<1x128x16xf32, #tpu.memory_space<vmem>>
          %dma_wait3A_186 = tpu.memref_squeeze %dma_wait3A_185 : memref<1x128x16xf32, #tpu.memory_space<vmem>> -> memref<128x16xf32, #tpu.memory_space<vmem>>
          %dma_wait3A_187 = arith.constant 0 : i32
          %dma_wait3A_188 = tpu.memref_slice %arg6[%mul3A_183, %dma_wait3A_187] : memref<3200000x16xf32, #tpu.memory_space<hbm>> -> memref<128x16xf32, #tpu.memory_space<hbm>>
          %dma_wait3A_189 = tpu.memref_slice %run_scoped3A_21[%rem3A_181] : memref<2x!tpu.dma_semaphore, #tpu.memory_space<semaphore_mem>> -> memref<1x!tpu.dma_semaphore, #tpu.memory_space<semaphore_mem>>
          %dma_wait3A_190 = tpu.memref_squeeze %dma_wait3A_189 : memref<1x!tpu.dma_semaphore, #tpu.memory_space<semaphore_mem>> -> memref<!tpu.dma_semaphore, #tpu.memory_space<semaphore_mem>>
          %dma_wait3A_191 = arith.constant 0 : i32
          %dma_wait3A_192 = tpu.memref_slice %arg6[%mul3A_183, %dma_wait3A_191] : memref<3200000x16xf32, #tpu.memory_space<hbm>> -> memref<128x16xf32, #tpu.memory_space<hbm>>
          %dma_wait3A_193 = arith.constant 0 : i32
          %dma_wait3A_194 = arith.constant 0 : i32
          %dma_wait3A_195 = tpu.memref_slice %run_scoped3A_20[%rem3A_181, %dma_wait3A_193, %dma_wait3A_194] : memref<2x128x16xf32, #tpu.memory_space<vmem>> -> memref<1x128x16xf32, #tpu.memory_space<vmem>>
          %dma_wait3A_196 = tpu.memref_squeeze %dma_wait3A_195 : memref<1x128x16xf32, #tpu.memory_space<vmem>> -> memref<128x16xf32, #tpu.memory_space<vmem>>
          tpu.wait_dma2 semaphore(%dma_wait3A_190 : memref<!tpu.dma_semaphore, #tpu.memory_space<semaphore_mem>>) src(%dma_wait3A_196 : memref<128x16xf32, #tpu.memory_space<vmem>>) dst(%dma_wait3A_192 : memref<128x16xf32, #tpu.memory_space<hbm>>)
          "tpu.trace_stop"() : () -> ()
        } else {
        }
        %convert_element_type3A_177 = arith.extui %eq3A_140 : i1 to i32
        %cond3A_178 = arith.constant 0 : i32
        %cond3A_179 = arith.cmpi ne, %convert_element_type3A_177, %cond3A_178 : i32
        scf.if %cond3A_179 {
          "tpu.trace_start"() <{level = 10 : i32, message = "ep_finalize"}> : () -> ()
          %rem3A_180 = arith.constant 2 : i32
          %rem3A_181 = arith.remui %while3A_122#7, %rem3A_180 : i32
          %mul3A_182 = arith.constant 128 : i32
          %mul3A_183 = arith.muli %mul3A_182, %add3A_141 : i32
          %dma_wait3A = arith.constant 0 : i32
          %dma_wait3A_184 = arith.constant 0 : i32
          %dma_wait3A_185 = tpu.memref_slice %run_scoped3A_22[%rem3A_181, %dma_wait3A, %dma_wait3A_184] : memref<2x128x16xf32, #tpu.memory_space<vmem>> -> memref<1x128x16xf32, #tpu.memory_space<vmem>>
          %dma_wait3A_186 = tpu.memref_squeeze %dma_wait3A_185 : memref<1x128x16xf32, #tpu.memory_space<vmem>> -> memref<128x16xf32, #tpu.memory_space<vmem>>
          %dma_wait3A_187 = arith.constant 0 : i32
          %dma_wait3A_188 = tpu.memref_slice %arg7[%mul3A_183, %dma_wait3A_187] : memref<3200000x16xf32, #tpu.memory_space<hbm>> -> memref<128x16xf32, #tpu.memory_space<hbm>>
          %dma_wait3A_189 = tpu.memref_slice %run_scoped3A_23[%rem3A_181] : memref<2x!tpu.dma_semaphore, #tpu.memory_space<semaphore_mem>> -> memref<1x!tpu.dma_semaphore, #tpu.memory_space<semaphore_mem>>
          %dma_wait3A_190 = tpu.memref_squeeze %dma_wait3A_189 : memref<1x!tpu.dma_semaphore, #tpu.memory_space<semaphore_mem>> -> memref<!tpu.dma_semaphore, #tpu.memory_space<semaphore_mem>>
          %dma_wait3A_191 = arith.constant 0 : i32
          %dma_wait3A_192 = tpu.memref_slice %arg7[%mul3A_183, %dma_wait3A_191] : memref<3200000x16xf32, #tpu.memory_space<hbm>> -> memref<128x16xf32, #tpu.memory_space<hbm>>
          %dma_wait3A_193 = arith.constant 0 : i32
          %dma_wait3A_194 = arith.constant 0 : i32
          %dma_wait3A_195 = tpu.memref_slice %run_scoped3A_22[%rem3A_181, %dma_wait3A_193, %dma_wait3A_194] : memref<2x128x16xf32, #tpu.memory_space<vmem>> -> memref<1x128x16xf32, #tpu.memory_space<vmem>>
          %dma_wait3A_196 = tpu.memref_squeeze %dma_wait3A_195 : memref<1x128x16xf32, #tpu.memory_space<vmem>> -> memref<128x16xf32, #tpu.memory_space<vmem>>
          tpu.wait_dma2 semaphore(%dma_wait3A_190 : memref<!tpu.dma_semaphore, #tpu.memory_space<semaphore_mem>>) src(%dma_wait3A_196 : memref<128x16xf32, #tpu.memory_space<vmem>>) dst(%dma_wait3A_192 : memref<128x16xf32, #tpu.memory_space<hbm>>)
          "tpu.trace_stop"() : () -> ()
        } else {
        }
      } else {
      }
      tpu.yield
    }) : () -> ()
    return
  }
}

module attributes {stable_mosaic.version = 14 : i64} {
  func.func @_edge_mlp_body(%arg0: i32, %arg1: memref<6400x16xf32, #tpu.memory_space<vmem>>, %arg2: memref<6400x16xf32, #tpu.memory_space<vmem>>, %arg3: memref<64x40xf32, #tpu.memory_space<vmem>>, %arg4: memref<64x1xf32, #tpu.memory_space<vmem>>, %arg5: memref<17x64xf32, #tpu.memory_space<vmem>>, %arg6: memref<17x1xf32, #tpu.memory_space<vmem>>, %arg7: memref<6400x16xf32, #tpu.memory_space<vmem>>) attributes {dimension_semantics = [#tpu.dimension_semantics<arbitrary>], iteration_bounds = array<i64: 500>, scalar_prefetch = 0 : i64, scratch_operands = 0 : i64, tpu.core_type = #tpu.core_type<tc>, window_params = [{transform_indices = @transform_0, window_bounds = array<i64: 6400, 16>}, {transform_indices = @transform_1, window_bounds = array<i64: 6400, 16>}, {pipeline_mode = #tpu.pipeline_mode<synchronous>, transform_indices = @transform_2, window_bounds = array<i64: 64, 40>}, {pipeline_mode = #tpu.pipeline_mode<synchronous>, transform_indices = @transform_3, window_bounds = array<i64: 64, 1>}, {pipeline_mode = #tpu.pipeline_mode<synchronous>, transform_indices = @transform_4, window_bounds = array<i64: 17, 64>}, {pipeline_mode = #tpu.pipeline_mode<synchronous>, transform_indices = @transform_5, window_bounds = array<i64: 17, 1>}, {transform_indices = @transform_6, window_bounds = array<i64: 6400, 16>}]} {
    %get3A = arith.constant 0 : index
    %get3A_0 = arith.constant 0 : index
    %get3A_1 = vector.load %arg1[%get3A, %get3A_0] : memref<6400x16xf32, #tpu.memory_space<vmem>>, vector<6400x16xf32>
    %transpose3A = tpu.transpose %get3A_1, [1, 0] : vector<6400x16xf32> -> vector<16x6400xf32>
    %get3A_2 = arith.constant 0 : index
    %get3A_3 = arith.constant 0 : index
    %get3A_4 = vector.load %arg2[%get3A_2, %get3A_3] : memref<6400x16xf32, #tpu.memory_space<vmem>>, vector<6400x16xf32>
    %transpose3A_5 = tpu.transpose %get3A_4, [1, 0] : vector<6400x16xf32> -> vector<16x6400xf32>
    %slice3A = vector.extract_strided_slice %transpose3A {offsets = [0, 0], sizes = [3, 6400], strides = [1, 1]} : vector<16x6400xf32> to vector<3x6400xf32>
    %slice3A_6 = vector.extract_strided_slice %transpose3A_5 {offsets = [0, 0], sizes = [3, 6400], strides = [1, 1]} : vector<16x6400xf32> to vector<3x6400xf32>
    %sub3A = arith.subf %slice3A, %slice3A_6 : vector<3x6400xf32>
    %mul3A = arith.mulf %sub3A, %sub3A : vector<3x6400xf32>
    %reduce_sum3A = arith.constant dense<0.000000e+00> : vector<6400xf32>
    %reduce_sum3A_7 = vector.multi_reduction <add>, %mul3A, %reduce_sum3A [0] : vector<3x6400xf32> to vector<6400xf32>
    %broadcast_in_dim3A = vector.shape_cast %reduce_sum3A_7 : vector<6400xf32> to vector<1x6400xf32>
    %slice3A_8 = vector.extract_strided_slice %transpose3A {offsets = [3, 0], sizes = [1, 6400], strides = [1, 1]} : vector<16x6400xf32> to vector<1x6400xf32>
    %slice3A_9 = vector.extract_strided_slice %transpose3A {offsets = [4, 0], sizes = [1, 6400], strides = [1, 1]} : vector<16x6400xf32> to vector<1x6400xf32>
    %slice3A_10 = vector.extract_strided_slice %transpose3A {offsets = [5, 0], sizes = [1, 6400], strides = [1, 1]} : vector<16x6400xf32> to vector<1x6400xf32>
    %slice3A_11 = vector.extract_strided_slice %transpose3A_5 {offsets = [3, 0], sizes = [1, 6400], strides = [1, 1]} : vector<16x6400xf32> to vector<1x6400xf32>
    %slice3A_12 = vector.extract_strided_slice %transpose3A_5 {offsets = [4, 0], sizes = [1, 6400], strides = [1, 1]} : vector<16x6400xf32> to vector<1x6400xf32>
    %slice3A_13 = vector.extract_strided_slice %transpose3A_5 {offsets = [5, 0], sizes = [1, 6400], strides = [1, 1]} : vector<16x6400xf32> to vector<1x6400xf32>
    %mul3A_14 = arith.mulf %slice3A_9, %slice3A_13 : vector<1x6400xf32>
    %mul3A_15 = arith.mulf %slice3A_10, %slice3A_12 : vector<1x6400xf32>
    %sub3A_16 = arith.subf %mul3A_14, %mul3A_15 : vector<1x6400xf32>
    %mul3A_17 = arith.mulf %slice3A_10, %slice3A_11 : vector<1x6400xf32>
    %mul3A_18 = arith.mulf %slice3A_8, %slice3A_13 : vector<1x6400xf32>
    %sub3A_19 = arith.subf %mul3A_17, %mul3A_18 : vector<1x6400xf32>
    %mul3A_20 = arith.mulf %slice3A_8, %slice3A_12 : vector<1x6400xf32>
    %mul3A_21 = arith.mulf %slice3A_9, %slice3A_11 : vector<1x6400xf32>
    %sub3A_22 = arith.subf %mul3A_20, %mul3A_21 : vector<1x6400xf32>
    %mul3A_23 = arith.mulf %sub3A_16, %sub3A_16 : vector<1x6400xf32>
    %mul3A_24 = arith.mulf %sub3A_19, %sub3A_19 : vector<1x6400xf32>
    %add3A = arith.addf %mul3A_23, %mul3A_24 : vector<1x6400xf32>
    %mul3A_25 = arith.mulf %sub3A_22, %sub3A_22 : vector<1x6400xf32>
    %add3A_26 = arith.addf %add3A, %mul3A_25 : vector<1x6400xf32>
    %sqrt3A = math.sqrt %add3A_26 : vector<1x6400xf32>
    %concatenate3A = tpu.concatenate %transpose3A, %transpose3A_5, %sub3A, %broadcast_in_dim3A, %sub3A_16, %sub3A_19, %sub3A_22, %sqrt3A in 0 : vector<16x6400xf32>, vector<16x6400xf32>, vector<3x6400xf32>, vector<1x6400xf32>, vector<1x6400xf32>, vector<1x6400xf32>, vector<1x6400xf32>, vector<1x6400xf32> -> vector<40x6400xf32>
    %get3A_27 = arith.constant 0 : index
    %get3A_28 = arith.constant 0 : index
    %get3A_29 = vector.load %arg3[%get3A_27, %get3A_28] : memref<64x40xf32, #tpu.memory_space<vmem>>, vector<64x40xf32>
    %dot_general3A = arith.constant dense<0.000000e+00> : vector<64x6400xf32>
    %dot_general3A_30 = tpu.matmul %get3A_29, %concatenate3A, %dot_general3A {dimension_numbers = #tpu.dot_dimension_numbers<[1], [0], [0], [1], [0, 0, 1, 1], [], []>, transpose_lhs_hint = false} : vector<64x40xf32>, vector<40x6400xf32>, vector<64x6400xf32> -> vector<64x6400xf32>
    %get3A_31 = arith.constant 0 : index
    %get3A_32 = arith.constant 0 : index
    %get3A_33 = vector.load %arg4[%get3A_31, %get3A_32] : memref<64x1xf32, #tpu.memory_space<vmem>>, vector<64x1xf32>
    %add3A_34 = vector.broadcast %get3A_33 : vector<64x1xf32> to vector<64x6400xf32>
    %add3A_35 = arith.addf %dot_general3A_30, %add3A_34 : vector<64x6400xf32>
    %tanh3A = math.tanh %add3A_35 : vector<64x6400xf32>
    %get3A_36 = arith.constant 0 : index
    %get3A_37 = arith.constant 0 : index
    %get3A_38 = vector.load %arg5[%get3A_36, %get3A_37] : memref<17x64xf32, #tpu.memory_space<vmem>>, vector<17x64xf32>
    %dot_general3A_39 = arith.constant dense<0.000000e+00> : vector<17x6400xf32>
    %dot_general3A_40 = tpu.matmul %get3A_38, %tanh3A, %dot_general3A_39 {dimension_numbers = #tpu.dot_dimension_numbers<[1], [0], [0], [1], [0, 0, 1, 1], [], []>, transpose_lhs_hint = false} : vector<17x64xf32>, vector<64x6400xf32>, vector<17x6400xf32> -> vector<17x6400xf32>
    %get3A_41 = arith.constant 0 : index
    %get3A_42 = arith.constant 0 : index
    %get3A_43 = vector.load %arg6[%get3A_41, %get3A_42] : memref<17x1xf32, #tpu.memory_space<vmem>>, vector<17x1xf32>
    %add3A_44 = vector.broadcast %get3A_43 : vector<17x1xf32> to vector<17x6400xf32>
    %add3A_45 = arith.addf %dot_general3A_40, %add3A_44 : vector<17x6400xf32>
    %slice3A_46 = vector.extract_strided_slice %add3A_45 {offsets = [0, 0], sizes = [16, 6400], strides = [1, 1]} : vector<17x6400xf32> to vector<16x6400xf32>
    %slice3A_47 = vector.extract_strided_slice %add3A_45 {offsets = [16, 0], sizes = [1, 6400], strides = [1, 1]} : vector<17x6400xf32> to vector<1x6400xf32>
    %logistic3A = arith.negf %slice3A_47 : vector<1x6400xf32>
    %logistic3A_48 = math.exp %logistic3A : vector<1x6400xf32>
    %logistic3A_49 = arith.constant 1.000000e+00 : f32
    %logistic3A_50 = vector.broadcast %logistic3A_49 : f32 to vector<1x6400xf32>
    %logistic3A_51 = arith.addf %logistic3A_50, %logistic3A_48 : vector<1x6400xf32>
    %logistic3A_52 = arith.divf %logistic3A_50, %logistic3A_51 : vector<1x6400xf32>
    %mul3A_53 = vector.broadcast %logistic3A_52 : vector<1x6400xf32> to vector<16x6400xf32>
    %mul3A_54 = arith.mulf %slice3A_46, %mul3A_53 : vector<16x6400xf32>
    %transpose3A_55 = tpu.transpose %mul3A_54, [1, 0] : vector<16x6400xf32> -> vector<6400x16xf32>
    %swap3A = arith.constant 0 : index
    %swap3A_56 = arith.constant 0 : index
    %swap3A_57 = vector.load %arg7[%swap3A, %swap3A_56] : memref<6400x16xf32, #tpu.memory_space<vmem>>, vector<6400x16xf32>
    tpu.vector_store %arg7[%swap3A, %swap3A_56], %transpose3A_55 {strides = array<i32>} : memref<6400x16xf32, #tpu.memory_space<vmem>>, vector<6400x16xf32>,
    return
  }
  func.func @transform_0(%arg0: i32) -> (i32, i32) {
    %c0_i32 = arith.constant 0 : i32
    %c0_i32_0 = arith.constant 0 : i32
    return %arg0, %c0_i32 : i32, i32
  }
  func.func @transform_1(%arg0: i32) -> (i32, i32) {
    %c0_i32 = arith.constant 0 : i32
    %c0_i32_0 = arith.constant 0 : i32
    return %arg0, %c0_i32 : i32, i32
  }
  func.func @transform_2(%arg0: i32) -> (i32, i32) {
    %c0_i32 = arith.constant 0 : i32
    %c0_i32_0 = arith.constant 0 : i32
    %c0_i32_1 = arith.constant 0 : i32
    return %c0_i32, %c0_i32_0 : i32, i32
  }
  func.func @transform_3(%arg0: i32) -> (i32, i32) {
    %c0_i32 = arith.constant 0 : i32
    %c0_i32_0 = arith.constant 0 : i32
    %c0_i32_1 = arith.constant 0 : i32
    return %c0_i32, %c0_i32_0 : i32, i32
  }
  func.func @transform_4(%arg0: i32) -> (i32, i32) {
    %c0_i32 = arith.constant 0 : i32
    %c0_i32_0 = arith.constant 0 : i32
    %c0_i32_1 = arith.constant 0 : i32
    return %c0_i32, %c0_i32_0 : i32, i32
  }
  func.func @transform_5(%arg0: i32) -> (i32, i32) {
    %c0_i32 = arith.constant 0 : i32
    %c0_i32_0 = arith.constant 0 : i32
    %c0_i32_1 = arith.constant 0 : i32
    return %c0_i32, %c0_i32_0 : i32, i32
  }
  func.func @transform_6(%arg0: i32) -> (i32, i32) {
    %c0_i32 = arith.constant 0 : i32
    %c0_i32_0 = arith.constant 0 : i32
    return %arg0, %c0_i32 : i32, i32
  }
}

module attributes {stable_mosaic.version = 14 : i64} {
  func.func @_node_mlp_body(%arg0: i32, %arg1: memref<4000x13xf32, #tpu.memory_space<vmem>>, %arg2: memref<4000x16xf32, #tpu.memory_space<vmem>>, %arg3: memref<4000x16xf32, #tpu.memory_space<vmem>>, %arg4: memref<29x32xf32, #tpu.memory_space<vmem>>, %arg5: memref<1x32xf32, #tpu.memory_space<vmem>>, %arg6: memref<32x13xf32, #tpu.memory_space<vmem>>, %arg7: memref<1x13xf32, #tpu.memory_space<vmem>>, %arg8: memref<4000x13xf32, #tpu.memory_space<vmem>>) attributes {dimension_semantics = [#tpu.dimension_semantics<arbitrary>], iteration_bounds = array<i64: 25>, scalar_prefetch = 0 : i64, scratch_operands = 0 : i64, tpu.core_type = #tpu.core_type<tc>, window_params = [{transform_indices = @transform_0, window_bounds = array<i64: 4000, 13>}, {transform_indices = @transform_1, window_bounds = array<i64: 4000, 16>}, {transform_indices = @transform_2, window_bounds = array<i64: 4000, 16>}, {pipeline_mode = #tpu.pipeline_mode<synchronous>, transform_indices = @transform_3, window_bounds = array<i64: 29, 32>}, {pipeline_mode = #tpu.pipeline_mode<synchronous>, transform_indices = @transform_4, window_bounds = array<i64: 1, 32>}, {pipeline_mode = #tpu.pipeline_mode<synchronous>, transform_indices = @transform_5, window_bounds = array<i64: 32, 13>}, {pipeline_mode = #tpu.pipeline_mode<synchronous>, transform_indices = @transform_6, window_bounds = array<i64: 1, 13>}, {transform_indices = @transform_7, window_bounds = array<i64: 4000, 13>}]} {
    %get3A = arith.constant 0 : index
    %get3A_0 = arith.constant 0 : index
    %get3A_1 = vector.load %arg2[%get3A, %get3A_0] : memref<4000x16xf32, #tpu.memory_space<vmem>>, vector<4000x16xf32>
    %get3A_2 = arith.constant 0 : index
    %get3A_3 = arith.constant 0 : index
    %get3A_4 = vector.load %arg3[%get3A_2, %get3A_3] : memref<4000x16xf32, #tpu.memory_space<vmem>>, vector<4000x16xf32>
    %add3A = arith.addf %get3A_1, %get3A_4 : vector<4000x16xf32>
    %get3A_5 = arith.constant 0 : index
    %get3A_6 = arith.constant 0 : index
    %get3A_7 = vector.load %arg1[%get3A_5, %get3A_6] : memref<4000x13xf32, #tpu.memory_space<vmem>>, vector<4000x13xf32>
    %concatenate3A = tpu.concatenate %get3A_7, %add3A in 1 : vector<4000x13xf32>, vector<4000x16xf32> -> vector<4000x29xf32>
    %get3A_8 = arith.constant 0 : index
    %get3A_9 = arith.constant 0 : index
    %get3A_10 = vector.load %arg4[%get3A_8, %get3A_9] : memref<29x32xf32, #tpu.memory_space<vmem>>, vector<29x32xf32>
    %dot_general3A = arith.constant dense<0.000000e+00> : vector<4000x32xf32>
    %dot_general3A_11 = tpu.matmul %concatenate3A, %get3A_10, %dot_general3A {dimension_numbers = #tpu.dot_dimension_numbers<[1], [0], [0], [1], [0, 0, 1, 1], [], []>, transpose_lhs_hint = false} : vector<4000x29xf32>, vector<29x32xf32>, vector<4000x32xf32> -> vector<4000x32xf32>
    %get3A_12 = arith.constant 0 : index
    %get3A_13 = arith.constant 0 : index
    %get3A_14 = vector.load %arg5[%get3A_12, %get3A_13] : memref<1x32xf32, #tpu.memory_space<vmem>>, vector<1x32xf32>
    %add3A_15 = vector.broadcast %get3A_14 : vector<1x32xf32> to vector<4000x32xf32>
    %add3A_16 = arith.addf %dot_general3A_11, %add3A_15 : vector<4000x32xf32>
    %tanh3A = math.tanh %add3A_16 : vector<4000x32xf32>
    %get3A_17 = arith.constant 0 : index
    %get3A_18 = arith.constant 0 : index
    %get3A_19 = vector.load %arg6[%get3A_17, %get3A_18] : memref<32x13xf32, #tpu.memory_space<vmem>>, vector<32x13xf32>
    %dot_general3A_20 = arith.constant dense<0.000000e+00> : vector<4000x13xf32>
    %dot_general3A_21 = tpu.matmul %tanh3A, %get3A_19, %dot_general3A_20 {dimension_numbers = #tpu.dot_dimension_numbers<[1], [0], [0], [1], [0, 0, 1, 1], [], []>, transpose_lhs_hint = false} : vector<4000x32xf32>, vector<32x13xf32>, vector<4000x13xf32> -> vector<4000x13xf32>
    %get3A_22 = arith.constant 0 : index
    %get3A_23 = arith.constant 0 : index
    %get3A_24 = vector.load %arg7[%get3A_22, %get3A_23] : memref<1x13xf32, #tpu.memory_space<vmem>>, vector<1x13xf32>
    %add3A_25 = vector.broadcast %get3A_24 : vector<1x13xf32> to vector<4000x13xf32>
    %add3A_26 = arith.addf %dot_general3A_21, %add3A_25 : vector<4000x13xf32>
    %swap3A = arith.constant 0 : index
    %swap3A_27 = arith.constant 0 : index
    %swap3A_28 = vector.load %arg8[%swap3A, %swap3A_27] : memref<4000x13xf32, #tpu.memory_space<vmem>>, vector<4000x13xf32>
    tpu.vector_store %arg8[%swap3A, %swap3A_27], %add3A_26 {strides = array<i32>} : memref<4000x13xf32, #tpu.memory_space<vmem>>, vector<4000x13xf32>,
    return
  }
  func.func @transform_0(%arg0: i32) -> (i32, i32) {
    %c0_i32 = arith.constant 0 : i32
    %c0_i32_0 = arith.constant 0 : i32
    return %arg0, %c0_i32 : i32, i32
  }
  func.func @transform_1(%arg0: i32) -> (i32, i32) {
    %c0_i32 = arith.constant 0 : i32
    %c0_i32_0 = arith.constant 0 : i32
    return %arg0, %c0_i32 : i32, i32
  }
  func.func @transform_2(%arg0: i32) -> (i32, i32) {
    %c0_i32 = arith.constant 0 : i32
    %c0_i32_0 = arith.constant 0 : i32
    return %arg0, %c0_i32 : i32, i32
  }
  func.func @transform_3(%arg0: i32) -> (i32, i32) {
    %c0_i32 = arith.constant 0 : i32
    %c0_i32_0 = arith.constant 0 : i32
    %c0_i32_1 = arith.constant 0 : i32
    return %c0_i32, %c0_i32_0 : i32, i32
  }
  func.func @transform_4(%arg0: i32) -> (i32, i32) {
    %c0_i32 = arith.constant 0 : i32
    %c0_i32_0 = arith.constant 0 : i32
    %c0_i32_1 = arith.constant 0 : i32
    return %c0_i32, %c0_i32_0 : i32, i32
  }
  func.func @transform_5(%arg0: i32) -> (i32, i32) {
    %c0_i32 = arith.constant 0 : i32
    %c0_i32_0 = arith.constant 0 : i32
    %c0_i32_1 = arith.constant 0 : i32
    return %c0_i32, %c0_i32_0 : i32, i32
  }
  func.func @transform_6(%arg0: i32) -> (i32, i32) {
    %c0_i32 = arith.constant 0 : i32
    %c0_i32_0 = arith.constant 0 : i32
    %c0_i32_1 = arith.constant 0 : i32
    return %c0_i32, %c0_i32_0 : i32, i32
  }
  func.func @transform_7(%arg0: i32) -> (i32, i32) {
    %c0_i32 = arith.constant 0 : i32
    %c0_i32_0 = arith.constant 0 : i32
    return %arg0, %c0_i32 : i32, i32
  }
}

</mosaic_0001>

<sc_bundles>
// kernel: kernel.6.cloned.1.call-start
scs
__scs_entry_jumppad:
0x0: {  	(pc) =	sbr.rel $0x88, $3  }
0x1: {  	(tag) =	ssettag $0x0;
	lr =	simm.s32 $0x1  }
0x2: {  	[smem:$0x3F92] =	sst lr;
	_ =	strace $0xD0000000  }
0x3: {  	_ = 	snop  }
0x4: {  	_ = 	snop  }
0x5: {  	_ = 	snop  }
0x6: {  	_ = 	snop  }
0x7: {  	_ = 	snop  }
__scs_overlays_trampoline_lowered:
0x8: {  	[smem:$0x3FA1] =	sst s0  }
0x9: {  	[smem:$0x3FA2] =	sst s1  }
0xa: {  	[smem:$0x3FA3] =	sst s2  }
0xb: {  	[smem:$0x3FA4] =	sst s3  }
0xc: {  	[smem:$0x3FA5] =	sst s4  }
0xd: {  	[smem:$0x3FA6] =	sst s5  }
0xe: {  	[smem:$0x3FA7] =	sst s6  }
0xf: {  	[smem:$0x3FA8] =	sst s7  }
0x10: {  	[smem:$0x3FA9] =	sst s8  }
0x11: {  	[smem:$0x3FAA] =	sst s9;
	s0 =	simm.s32 @!p0 $0x0  }
0x12: {  	s1 =	sld [smem:$0x3F90];
	s0 =	simm.s32 @p0 $0x1  }
0x13: {  	[smem:$0x3FAB] =	sst s0;
	s0 =	simm.s32 @!p1 $0x0  }
0x14: {  	s2 =	sld [smem:$0x3F8F];
	s0 =	simm.s32 @p1 $0x1  }
0x15: {  	[smem:$0x3FAC] =	sst s0;
	s0 =	simm.s32 @!p2 $0x0  }
0x16: {  	s3 =	sld [smem:$0x3FDB];
	s0 =	simm.s32 @p2 $0x1  }
0x17: {  	s4 =	simm.s32 $0x1BF5;
	[smem:$0x3FAE] =	sst s0  }
0x18: {  	s0 =	sld [smem:$0x3F91];
	_ =	swait.ge [sflag:s4], $0x0  }
0x19: {  	s7 =	sld [smem:$0x3F92]  }
0x1a: {  	s8 =	sadd.s32 $0xFFFFE003, lr  }
0x1b: {  	s9 =	sadd.s32 $0xFFFFFEF7, lr;
	s5 =	simm.s32 $0xFFFFFFFF;
	p2 =	slt.u32 s8, $0xFFFFF086  }
0x1c: {  	p1 =	slt.u32 s9, $0xF7A;
	s5 =	simm.s32 @!p2 $0x0  }
0x1d: {  	s5 =	simm.s32 @p1 $0x1;
	p0 =	seq.s32 s7, s2  }
0x1e: {  	s7 =	smul.u32 @!p0 $0xF7A, s2;
	p2 =	seq.s32 @!p0 s5, $0x0  }
0x1f: {  	s9 =	smul.u32 $0xF7A, s1;
	s8 =	simm.s32 @!p0 $0x1BF5;
	p2 =	por !p2, p0  }
0x20: {  	[sflag:s8] =	ssyncset.s32 @!p0 $0xFFFFF086;
	s6 =	sadd.s32 @!p0 s3, s7;
	s7 =	simm.s32 @!p0 $0x108  }
0x21: {  	s3 =	sadd.s32 s3, s9;
	s6 =	sadd.s32 @!p0 $0x88, s6;
	s7 =	simm.s32 @p2 $0x1082  }
0x22: {  	[simem:s7], [sflag:s8] =	dma.local @!p0 [hbm:s6], $0xF7A  }
0x23: {  	s9 =	sor.u32 $0xD0000000, s2;
	s6 =	simm.s32 $0x108;
	_ =	swait.ge @!p0 [sflag:s8], $0x0  }
0x24: {  	s3 =	sadd.s32 $0x88, s3;
	s6 =	simm.s32 @!p1 $0x1082;
	[sflag:s4] =	ssyncset.s32 $0xFFFFF086  }
0x25: {  	[simem:s6], [sflag:s4] =	dma.local [hbm:s3], $0xF7A  }
0x26: {  	[smem:$0x3F92] =	sst s1;
	(tag) =	ssettag s2;
	_ =	strace s9  }
0x27: {  	s1 =	sld [smem:$0x3FA2]  }
0x28: {  	s2 =	sld [smem:$0x3FA3]  }
0x29: {  	s4 =	sld [smem:$0x3FA5]  }
0x2a: {  	p0 =	seq.s32 s5, $0x0;
	s5 =	sld [smem:$0x3FA6]  }
0x2b: {  	s6 =	sld [smem:$0x3FA7]  }
0x2c: {  	s7 =	sld [smem:$0x3FA8]  }
0x2d: {  	s3 =	simm.s32 $0x108;
	s8 =	sld [smem:$0x3FA9]  }
0x2e: {  	s3 =	simm.s32 @!p0 $0x1082;
	s9 =	sld [smem:$0x3FAA]  }
0x2f: {  	lr =	sadd.s32 s0, s3;
	s0 =	sld [smem:$0x3FA1]  }
0x30: {  	s3 =	sld [smem:$0x3FA4]  }
0x31: {  	[smem:$0x3FAD] =	sst s10  }
0x32: {  	s10 =	sld [smem:$0x3FAB];
	_ =	sdelay $0x3  }
0x33: {  	p0 =	seq.s32 s10, $0x1;
	s10 =	sld [smem:$0x3FAD];
	_ =	sdelay $0x3  }
0x34: {  	[smem:$0x3FAD] =	sst s10  }
0x35: {  	s10 =	sld [smem:$0x3FAC];
	_ =	sdelay $0x3  }
0x36: {  	p1 =	seq.s32 s10, $0x1;
	s10 =	sld [smem:$0x3FAD];
	_ =	sdelay $0x3  }
0x37: {  	[smem:$0x3FAD] =	sst s10  }
0x38: {  	s10 =	sld [smem:$0x3FAE]  }
0x39: {  	_ = 	snop;
	(pc) =	sbr.ind lr, $3  }
0x3a: {  	_ = 	snop  }
0x3b: {  	_ = 	snop  }
0x3c: {  	p2 =	seq.s32 s10, $0x1;
	s10 =	sld [smem:$0x3FAD]  }
0x3d: {  	_ =	shalt  }
0x3e: {  	_ =	shalt  }
0x3f: {  	_ =	shalt  }
0x40: {  	_ =	shalt  }
0x41: {  	_ =	shalt  }
0x42: {  	_ =	shalt  }
0x43: {  	_ =	shalt  }
0x44: {  	_ =	shalt  }
0x45: {  	_ =	shalt  }
0x46: {  	_ =	shalt  }
0x47: {  	_ =	shalt  }
0x48: {  	_ =	shalt  }
0x49: {  	_ =	shalt  }
0x4a: {  	_ =	shalt  }
0x4b: {  	_ =	shalt  }
0x4c: {  	_ =	shalt  }
0x4d: {  	_ =	shalt  }
0x4e: {  	_ =	shalt  }
0x4f: {  	_ =	shalt  }
0x50: {  	_ =	shalt  }
0x51: {  	_ =	shalt  }
0x52: {  	_ =	shalt  }
0x53: {  	_ =	shalt  }
0x54: {  	_ =	shalt  }
0x55: {  	_ =	shalt  }
0x56: {  	_ =	shalt  }
0x57: {  	_ =	shalt  }
0x58: {  	_ =	shalt  }
0x59: {  	_ =	shalt  }
0x5a: {  	_ =	shalt  }
0x5b: {  	_ =	shalt  }
0x5c: {  	_ =	shalt  }
0x5d: {  	_ =	shalt  }
0x5e: {  	_ =	shalt  }
0x5f: {  	_ =	shalt  }
0x60: {  	_ =	shalt  }
0x61: {  	_ =	shalt  }
0x62: {  	_ =	shalt  }
0x63: {  	_ =	shalt  }
0x64: {  	_ =	shalt  }
0x65: {  	_ =	shalt  }
0x66: {  	_ =	shalt  }
0x67: {  	_ =	shalt  }
0x68: {  	_ =	shalt  }
0x69: {  	_ =	shalt  }
0x6a: {  	_ =	shalt  }
0x6b: {  	_ =	shalt  }
0x6c: {  	_ =	shalt  }
0x6d: {  	_ =	shalt  }
0x6e: {  	_ =	shalt  }
0x6f: {  	_ =	shalt  }
0x70: {  	_ =	shalt  }
0x71: {  	_ =	shalt  }
0x72: {  	_ =	shalt  }
0x73: {  	_ =	shalt  }
0x74: {  	_ =	shalt  }
0x75: {  	_ =	shalt  }
0x76: {  	_ =	shalt  }
0x77: {  	_ =	shalt  }
0x78: {  	_ =	shalt  }
0x79: {  	_ =	shalt  }
0x7a: {  	_ =	shalt  }
0x7b: {  	_ =	shalt  }
0x7c: {  	_ =	shalt  }
0x7d: {  	_ =	shalt  }
0x7e: {  	_ =	shalt  }
0x7f: {  	_ =	shalt  }
0x80: {  	_ =	shalt  }
0x81: {  	_ =	shalt  }
0x82: {  	_ =	shalt  }
0x83: {  	_ =	shalt  }
0x84: {  	_ =	shalt  }
0x85: {  	_ =	shalt  }
0x86: {  	_ =	shalt  }
0x87: {  	_ =	shalt  }
.Lfunc_end0:
.L_simem_size_0:
called_computation_lowered:
.L_overlay_start_0:
0x88: {  	s2 =	sld [smem:$0x3FD9]  }
0x89: {  	s3 =	sld [smem:$0x3FFE];
	_ =	sdelay $0x1  }
0x8a: {  	s1 =	srdreg.scid  }
0x8b: {  	s0 =	sand.u32 $0x1, s1  }
0x8c: {  	s16 =	sshll.u32 s0, $0xA;
	s2 =	sadd.s32 s3, s2  }
0x8d: {  	s2 =	sadd.s32 s2, s16  }
0x8e: {  	[smem:$0x3FB9] =	sst s2  }
0x8f: {  	_ = 	snop  }
0x90: {  	(tm) =	ssettm $0x1  }
0x91: {  	s17 =	sld [smem:$0x3FFB];
	_ =	sdelay $0x3  }
0x92: {  	_ =	strace s17  }
0x93: {  	s2 =	sld [smem:$0x3FFC];
	_ =	sdelay $0x3  }
0x94: {  	_ =	strace s2  }
0x95: {  	s2 =	sld [smem:$0x3FFD];
	_ =	sdelay $0x3  }
0x96: {  	_ =	strace s2  }
0x97: {  	_ =	strace $0x8FFFFFFF  }
0x98: {  	s18 =	sld [smem:$0x3FDB];
	_ =	sdelay $0x1  }
0x99: {  	s19 =	simm.s32 $_scs_section_size  }
0x9a: {  	s4 =	simm.s32 $_size__tile_overlayer_lowered;
	s5 =	simm.s32 $_tile_overlayer_lowered  }
0x9b: {  	s22 =	simm.s32 $0x1BFF;
	s21 =	sshll.u32 s5, $0x1;
	s2 =	sadd.s32 s19, s18  }
0x9c: {  	s6 =	simm.s32 $0x0;
	s20 =	sshll.u32 s4, $0x1;
	s4 =	sadd.s32 s21, s2  }
0x9d: {  	[timem:s6], [sflag:s22] =	dma.local [hbm:s4], s20  }
0x9e: {  	_ =	swait.ge [sflag:s22], s20  }
0x9f: {  	s3 =	ssub.s32 $0x0, s20;
	[sflag:s22] =	ssyncset.done $0x0  }
0xa0: {  	[sflag:s22] =	ssyncadd.s32 s3;
	_ =	sdelay $0x1  }
0xa1: {  	s23 =	simm.s32 $0x1B8B  }
0xa2: {  	_ =	swait.ge [sflag:s23], $0x1  }
0xa3: {  	[sflag:s23] =	ssyncset.done $0x0  }
0xa4: {  	s25 =	simm.s32 $0x1B8E;
	s24 =	sld [smem:$0x3FFE];
	[sflag:s23] =	ssyncadd.s32 $0xFFFFFFFF  }
0xa5: {  	s26 =	simm.s32 $execute0_lowered;
	[smem:$0x3FD2] =	sst s25  }
0xa6: {  	s4 =	sshll.u32 s26, $0x1;
	_ =	strace $0x80000046;
	[dreg:$0x1] =	wrdreg $0xFFFFFFFF  }
0xa7: {  	s28 =	simm.s32 $_size_execute0_lowered;
	s2 =	sadd.s32 s2, s4;
	[dreg:$0x0] =	wrdreg $0x0  }
0xa8: {  	s4 =	sshll.u32 s28, $0x1;
	[dreg:$0x2] =	wrdreg s2  }
0xa9: {  	[dreg:$0x3] =	wrdreg s4  }
0xaa: {  	[dreg:$0x4] =	wrdreg $0xC0  }
0xab: {  	_ =	task [dreg:s6], $0x5FFFF  }
0xac: {  	[dreg:$0x1] =	wrdreg $0xFFFFFFFF  }
0xad: {  	[dreg:$0x0] =	wrdreg $0x60  }
0xae: {  	[dreg:$0x2] =	wrdreg s24  }
0xaf: {  	[dreg:$0x3] =	wrdreg $0x9  }
0xb0: {  	_ =	task.clear_ibuf [dreg:s6], $0x4FFFF;
	_ =	strace $0x90000046  }
0xb1: {  	s29 =	simm.s32 $0x9;
	_ =	strace $0x80000054  }
0xb2: {  	_ =	swait.ge [sflag:s29], $0x1  }
0xb3: {  	[sflag:s29] =	ssyncadd.s32 $0xFFFFFFFF  }
0xb4: {  	_ =	strace $0x90000054  }
0xb5: {  	_ =	sfence  }
0xb6: {  	s30 =	sld [smem:$0x0];
	_ =	sdelay $0x2  }
0xb7: {  	s31 =	sshll.u32 s1, $0xD;
	s1 =	sshrl.u32 s1, $0x2  }
0xb8: {  	s3 =	sand.u32 $0x4000, s31;
	s1 =	sadd.s32 s1, s30  }
0xb9: {  	s0 =	sor.u32 s3, s0;
	s1 =	sshll.u32 s1, $0x11  }
0xba: {  	s0 =	sor.u32 s1, s0  }
0xbb: {  	s0 =	sadd.s32 $0x8F2B, s0  }
0xbc: {  	[sflag:s0] =	ssyncadd.remote.s32 $0x1  }
0xbd: {  	_ =	sfence.sel $0xFFFF  }
0xbe: {  	[dreg:$0x0] =	wrdreg $0xFFFFFFFF;
	(pc) =	sbr.abs _section_cstart, $3  }
0xbf: {  	[dreg:$0x1] =	wrdreg $0xFFFFFFFF  }
0xc0: {  	_ =	task.clear_ibuf [dreg:s6], $0x2FFFF;
	_ =	strace $0x9FFFFFFF  }
0xc1: {  	(tm) =	ssettm $0x7FFFFFFF  }
tec
execute0_lowered:
.L_overlay_start_1:
0x0: {  	(tag) =	ssettag $0x1  }
0x1: {  	s1 =	srdreg.scid  }
0x2: {  	s0 =	rddreg [dreg:$0x0];
	s1 =	sand.u32 $0x1, s1  }
0x3: {  	s2 =	simm.s32 $0x0;
	s4 =	stileid.u32;
	s3 =	sshll.u32 s1, $0x4  }
0x4: {  	s10 =	simm.s32 $0x30E;
	s16 =	simm.s32 $0x80;
	s7 =	sor.u32 s4, s3  }
0x5: {  	s17 =	simm.s32 $0x9;
	s18 =	simm.s32 $0x0;
	s8 =	smul.u32 $0x30D, s7  }
0x6: {  	[smem:$0x7FF] =	sst s2;
	s5 =	sadd.s32 $0x4200, s0;
	s9 =	smul.u32 $0x30E, s7  }
0x7: {  	s6 =	sadd.s32 $0x65E00, s0;
	p0 =	slt.u32 s7, $0x8;
	s7 =	sadd.s32 $0x8, s8  }
0x8: {  	_ =	strace $0x80000047;
	s1 =	ssub.s32 $0x2, s1;
	s7 =	smov.u32 @p0 s9  }
0x9: {  	s3 =	sadd.s32 $0x24E400, s0;
	s4 =	sadd.s32 $0x3D4E00, s0;
	s11 =	sshll.u32 s7, $0x4  }
0xa: {  	s30 =	sshrl.u32 s1, $0x1;
	s10 =	simm.s32 @!p0 $0x30D;
	s31 =	sand.u32 $0x1FFFFFF0, s11  }
0xb: {  	s8 =	sadd.s32 $0xA20400, s0;
	s9 =	sadd.s32 $0x405C00, s0;
	s11 =	sadd.s32 s5, s31  }
0xc: {  	s0 =	ssub.s32 s1, s30;
	s1 =	sadd.s32 s6, s31;
	[dreg:$0x2] =	wrdreg s11  }
0xd: {  	s13 =	sadd.s32 $0xFFFFFFFF, s10;
	s14 =	smax.u32 s0, $0x1;
	[dreg:$0x3] =	wrdreg s1  }
.LBB2_1:
0xe: {  	_ =	strace $0x80000048;
	s1 =	simm.s32 $0x100;
	s29 =	simm.s32 $0x1  }
0xf: {  	s30 =	simm.s32 $0x0;
	s19 =	simm.s32 $0x0;
	s20 =	simm.s32 $0x0  }
0x10: {  	s26 =	simm.s32 $0x0;
	s21 =	simm.s32 $0x0;
	s0 =	rddreg [dreg:$0x2]  }
0x11: {  	[tilespmem:s2], [sflag:$0x1] =	stream.linear.gather [hbm4b:s0+s2], $0x80, $0x200038;
	[tilespmem:$0x2200] =	vst v63  }
0x12: {  	s22 =	simm.s32 $0x0;
	s23 =	simm.s32 $0x1;
	s31 =	rddreg [dreg:$0x3]  }
0x13: {  	[tilespmem:s1], [sflag:$0x3] =	stream.linear.gather [hbm4b:s31+s2], $0x80, $0x200038;
	[tilespmem:$0x2200] =	vst v63  }
0x14: {  	s24 =	simm.s32 $0x0;
	s25 =	simm.s32 $0x0;
	_ =	strace $0x90000048  }
.LBB2_2:
0x15: {  	s28 =	sadd.s32 $0x1, s30  }
0x16: {  	p0 =	seq.s32 s28, s10  }
0x17: {  	s28 =	simm.s32 @p0 $0x0;
	p0 =	sge.u32 s25, s13  }
0x18: {  	p1 =	seq.s32 @!p0 s30, s28  }
0x19: {  	p2 =	por p1, p0  }
0x1a: {  	s0 =	sadd.s32 @!p2 s7, s28  }
0x1b: {  	s1 =	sand.u32 @!p2 $0x1, s29;
	s0 =	sshll.u32 @!p2 s0, $0x4  }
0x1c: {  	_ =	strace @!p2 $0x80000049;
	s31 =	simm.s32 @!p2 $0x0;
	s0 =	sand.u32 @!p2 $0x1FFFFFF0, s0  }
0x1d: {  	s11 =	sshll.u32 @!p2 s1, $0x7;
	s1 =	sadd.s32 @!p2 $0x1, s1;
	s15 =	sadd.s32 @!p2 s5, s0  }
0x1e: {  	[tilespmem:s11], [sflag:s1] =	stream.linear.gather @!p2 [hbm4b:s15+s31], $0x80, $0x200038;
	[tilespmem:$0x2200] =	vst v63  }
0x1f: {  	s1 =	sand.u32 @!p2 $0x1, s23  }
0x20: {  	s0 =	sadd.s32 @!p2 s6, s0;
	_ =	strace @!p2 $0x90000049;
	s11 =	sshll.u32 @!p2 s1, $0x7  }
0x21: {  	s1 =	sadd.s32 @!p2 $0x3, s1;
	_ =	strace @!p2 $0x8000004A;
	s11 =	sor.u32 @!p2 $0x100, s11  }
0x22: {  	[tilespmem:s11], [sflag:s1] =	stream.linear.gather @!p2 [hbm4b:s0+s31], $0x80, $0x200038;
	[tilespmem:$0x2200] =	vst v63  }
0x23: {  	s11 =	sand.u32 $0x1, s24;
	_ =	strace @!p2 $0x9000004A  }
0x24: {  	s0 =	sadd.s32 $0x1, s11;
	_ =	strace $0x8000004B  }
0x25: {  	_ =	swait.ge [sflag:s0], $0x80  }
0x26: {  	[sflag:s0] =	ssyncset.done $0x0  }
0x27: {  	[sflag:s0] =	ssyncadd.s32 $0xFFFFFF80  }
0x28: {  	s12 =	sand.u32 $0x1, s22;
	_ =	strace $0x9000004B  }
0x29: {  	s0 =	sadd.s32 $0x3, s12;
	_ =	strace $0x8000004C  }
0x2a: {  	_ =	swait.ge [sflag:s0], $0x80  }
0x2b: {  	p3 =	seq.s32 s13, s25;
	[sflag:s0] =	ssyncset.done $0x0  }
0x2c: {  	p4 =	seq.s32 @!p3 s30, s28;
	[sflag:s0] =	ssyncadd.s32 $0xFFFFFF80;
	s0 =	sand.u32 $0x1, s21  }
0x2d: {  	s31 =	sshll.u32 s24, $0x7;
	_ =	strace $0x9000004C;
	s15 =	sshll.u32 s0, $0xB  }
0x2e: {  	s11 =	sand.u32 $0x80, s31;
	_ =	strace $0x8000004D;
	s15 =	sor.u32 $0x200, s15  }
0x2f: {  	[tilespmem:s15], [sflag:$0x9] =	stream.indirect.gather [hbm4b:s3+s16], $0x10, s11, s16, $0x2000b8;
	[tilespmem:$0x2200] =	vst v63  }
0x30: {  	s1 =	sand.u32 $0x1, s20;
	s12 =	sshll.u32 s22, $0x7;
	_ =	swait.ge [sflag:s17], $0x800  }
0x31: {  	s31 =	sshll.u32 s1, $0xB;
	s12 =	sand.u32 $0x80, s12;
	[sflag:s17] =	ssyncset.done $0x0  }
0x32: {  	s12 =	sor.u32 $0x100, s12;
	s11 =	sor.u32 $0x1200, s31;
	[sflag:s17] =	ssyncadd.s32 $0xFFFFF800  }
0x33: {  	[tilespmem:s11], [sflag:$0x9] =	stream.indirect.gather [hbm4b:s4+s16], $0x10, s12, s16, $0x2000b8;
	[tilespmem:$0x2200] =	vst v63  }
0x34: {  	p3 =	por p3, !p4;
	_ =	swait.ge [sflag:s17], $0x800  }
0x35: {  	s12 =	sadd.s32 @p3 s7, s30;
	[sflag:s17] =	ssyncset.done $0x0  }
0x36: {  	s12 =	sshll.u32 @p3 s12, $0x8;
	[sflag:s17] =	ssyncadd.s32 $0xFFFFF800  }
0x37: {  	p1 =	por !p1, p0;
	s12 =	sand.u32 @p3 $0x1FFFFF00, s12;
	_ =	strace $0x9000004D  }
0x38: {  	s0 =	sadd.s32 @p3 $0x5, s0;
	s30 =	sadd.s32 @p3 s8, s12;
	_ =	strace @p3 $0x8000004E  }
0x39: {  	[hbm4b:s30+s2] =	stream.linear.scatter @p3 [tilespmem:s15], [sflag:s0], $0x800, $0x200038;
	[tilespmem:$0x2200] =	vst v63  }
0x3a: {  	s21 =	sadd.s32 @p3 $0x1, s21;
	s31 =	simm.s32 $0x0;
	_ =	strace @p3 $0x9000004E  }
0x3b: {  	s0 =	sadd.s32 @p3 $0x7, s1;
	s1 =	sadd.s32 @p3 s9, s12;
	_ =	strace @p3 $0x8000004F  }
0x3c: {  	[hbm4b:s1+s2] =	stream.linear.scatter @p3 [tilespmem:s11], [sflag:s0], $0x800, $0x200038;
	[tilespmem:$0x2200] =	vst v63  }
0x3d: {  	s31 =	simm.s32 @p3 $0x1;
	_ =	strace @p3 $0x9000004F;
	p3 =	seq.s32 s25, $0x0  }
0x3e: {  	s20 =	sadd.s32 s20, s31;
	s24 =	sadd.s32 s24, s31;
	s0 =	sand.u32 @!p3 $0x1, s26  }
0x3f: {  	s22 =	sadd.s32 s22, s31;
	_ =	strace @!p3 $0x80000050;
	s0 =	sadd.s32 @!p3 $0x5, s0  }
0x40: {  	s12 =	smov.u32 s29;
	s1 =	sadd.s32 @!p2 $0x1, s29;
	_ =	swait.ge @!p3 [sflag:s0], $0x800  }
0x41: {  	s12 =	smov.u32 @p1 s1;
	s25 =	sadd.s32 $0x1, s25;
	[sflag:s0] =	ssyncset.done @!p3 $0x0  }
0x42: {  	s11 =	sand.u32 @!p3 $0x1, s19;
	[sflag:s0] =	ssyncadd.s32 @!p3 $0xFFFFF800;
	s0 =	simm.s32 $0x0  }
0x43: {  	s12 =	smov.u32 @p0 s29;
	s1 =	simm.s32 @!p3 $0x1;
	s0 =	simm.s32 @p1 $0x1  }
0x44: {  	_ =	strace @!p3 $0x90000050;
	s0 =	simm.s32 @p0 $0x0;
	p0 =	sne.s32 s10, s25  }
.Ltmp0:
0x45: {  	s11 =	sadd.s32 @!p3 $0x7, s11;
	_ =	strace @!p3 $0x80000051;
	(pc) =	sbr.rel @p0 .LBB2_2-.Ltmp0, $4  }
0x46: {  	s30 =	smov.u32 s28;
	s1 =	simm.s32 @p3 $0x0;
	_ =	swait.ge @!p3 [sflag:s11], $0x800  }
0x47: {  	s23 =	sadd.s32 s23, s0;
	s0 =	sadd.s32 @!p3 $0x1, s26;
	[sflag:s11] =	ssyncset.done @!p3 $0x0  }
0x48: {  	s29 =	smov.u32 s12;
	s0 =	smov.u32 @p3 s26;
	[sflag:s11] =	ssyncadd.s32 @!p3 $0xFFFFF800  }
0x49: {  	s19 =	sadd.s32 s19, s1;
	s26 =	smov.u32 s0;
	_ =	strace @!p3 $0x90000051  }
0x4a: {  	s0 =	sand.u32 $0x1, s0  }
0x4b: {  	_ =	strace $0x80000052;
	s0 =	sadd.s32 $0x5, s0  }
0x4c: {  	_ =	swait.ge [sflag:s0], $0x800  }
0x4d: {  	[sflag:s0] =	ssyncset.done $0x0  }
0x4e: {  	s18 =	sadd.s32 $0x1, s18;
	[sflag:s0] =	ssyncadd.s32 $0xFFFFF800  }
0x4f: {  	s31 =	sand.u32 $0x1, s19;
	p0 =	sne.s32 s18, s14;
	_ =	strace $0x90000052  }
.Ltmp1:
0x50: {  	s0 =	sadd.s32 $0x7, s31;
	_ =	strace $0x80000053;
	(pc) =	sbr.rel @p0 .LBB2_1-.Ltmp1, $4  }
0x51: {  	_ =	swait.ge [sflag:s0], $0x800  }
0x52: {  	[sflag:s0] =	ssyncset.done $0x0  }
0x53: {  	[sflag:s0] =	ssyncadd.s32 $0xFFFFF800  }
0x54: {  	_ =	strace $0x90000053  }
0x55: {  	_ =	sfence.sel $0x180000  }
0x56: {  	[bflag:$0x0] =	sbarrier.arrive $0xFFFF  }
0x57: {  	_ =	strace $0x90000047  }
0x58: {  	s0 =	stileid.u32;
	[bflag:$0x2] =	sbarrier.arrive $0xFFFF  }
0x59: {  	p0 =	sne.s32 s0, $0x0;
	s0 =	rddreg [dreg:$0x1]  }
0x5a: {  	s0 =	sadd.s32 @!p0 $0x100000, s0  }
0x5b: {  	[sflag:s0] =	ssyncadd.tile.s32 @!p0 $0x1;
	_ =	shalt  }
.Lfunc_end2:
_tile_overlayer_lowered:
.L_overlay_start_2:
0x5c: {  	(tag) =	ssettag $0x2  }
0x5d: {  	s0 =	rddreg [dreg:$0x0];
	s2 =	stileid.u32  }
0x5e: {  	s1 =	rddreg [dreg:$0x1];
	p0 =	sne.s32 s2, $0x0  }
0x5f: {  	s3 =	rddreg [dreg:$0x2];
	[bflag:$0x3] =	sbarrier.arrive $0xFFFF;
	s2 =	simm.s32 @!p0 $0x1C01  }
0x60: {  	[timem:s3], [sflag:s2] =	dma.local @!p0 [hbm:s0], s1  }
0x61: {  	s0 =	simm.s32 @!p0 $0x1  }
0x62: {  	_ =	swait.ge @!p0 [sflag:s0], s1  }
0x63: {  	s1 =	ssub.s32 @!p0 $0x0, s1;
	[sflag:s0] =	ssyncset.done @!p0 $0x0  }
0x64: {  	[sflag:s0] =	ssyncadd.s32 @!p0 s1  }
0x65: {  	[bflag:$0x3] =	sbarrier.arrive $0xFFFF  }
0x66: {  	_ =	shalt  }

// kernel: kernel.9.cloned.1.call-start
scs
__scs_entry_jumppad:
0x0: {  	(pc) =	sbr.rel $0x88, $3  }
0x1: {  	(tag) =	ssettag $0x0;
	lr =	simm.s32 $0x1  }
0x2: {  	[smem:$0x3F92] =	sst lr;
	_ =	strace $0xD0000000  }
0x3: {  	_ = 	snop  }
0x4: {  	_ = 	snop  }
0x5: {  	_ = 	snop  }
0x6: {  	_ = 	snop  }
0x7: {  	_ = 	snop  }
__scs_overlays_trampoline_lowered:
0x8: {  	[smem:$0x3FA1] =	sst s0  }
0x9: {  	[smem:$0x3FA2] =	sst s1  }
0xa: {  	[smem:$0x3FA3] =	sst s2  }
0xb: {  	[smem:$0x3FA4] =	sst s3  }
0xc: {  	[smem:$0x3FA5] =	sst s4  }
0xd: {  	[smem:$0x3FA6] =	sst s5  }
0xe: {  	[smem:$0x3FA7] =	sst s6  }
0xf: {  	[smem:$0x3FA8] =	sst s7  }
0x10: {  	[smem:$0x3FA9] =	sst s8  }
0x11: {  	[smem:$0x3FAA] =	sst s9;
	s0 =	simm.s32 @!p0 $0x0  }
0x12: {  	s1 =	sld [smem:$0x3F90];
	s0 =	simm.s32 @p0 $0x1  }
0x13: {  	[smem:$0x3FAB] =	sst s0;
	s0 =	simm.s32 @!p1 $0x0  }
0x14: {  	s2 =	sld [smem:$0x3F8F];
	s0 =	simm.s32 @p1 $0x1  }
0x15: {  	[smem:$0x3FAC] =	sst s0;
	s0 =	simm.s32 @!p2 $0x0  }
0x16: {  	s3 =	sld [smem:$0x3FDB];
	s0 =	simm.s32 @p2 $0x1  }
0x17: {  	s4 =	simm.s32 $0x1BF5;
	[smem:$0x3FAE] =	sst s0  }
0x18: {  	s0 =	sld [smem:$0x3F91];
	_ =	swait.ge [sflag:s4], $0x0  }
0x19: {  	s7 =	sld [smem:$0x3F92]  }
0x1a: {  	s8 =	sadd.s32 $0xFFFFE003, lr  }
0x1b: {  	s9 =	sadd.s32 $0xFFFFFEF7, lr;
	s5 =	simm.s32 $0xFFFFFFFF;
	p2 =	slt.u32 s8, $0xFFFFF086  }
0x1c: {  	p1 =	slt.u32 s9, $0xF7A;
	s5 =	simm.s32 @!p2 $0x0  }
0x1d: {  	s5 =	simm.s32 @p1 $0x1;
	p0 =	seq.s32 s7, s2  }
0x1e: {  	s7 =	smul.u32 @!p0 $0xF7A, s2;
	p2 =	seq.s32 @!p0 s5, $0x0  }
0x1f: {  	s9 =	smul.u32 $0xF7A, s1;
	s8 =	simm.s32 @!p0 $0x1BF5;
	p2 =	por !p2, p0  }
0x20: {  	[sflag:s8] =	ssyncset.s32 @!p0 $0xFFFFF086;
	s6 =	sadd.s32 @!p0 s3, s7;
	s7 =	simm.s32 @!p0 $0x108  }
0x21: {  	s3 =	sadd.s32 s3, s9;
	s6 =	sadd.s32 @!p0 $0x88, s6;
	s7 =	simm.s32 @p2 $0x1082  }
0x22: {  	[simem:s7], [sflag:s8] =	dma.local @!p0 [hbm:s6], $0xF7A  }
0x23: {  	s9 =	sor.u32 $0xD0000000, s2;
	s6 =	simm.s32 $0x108;
	_ =	swait.ge @!p0 [sflag:s8], $0x0  }
0x24: {  	s3 =	sadd.s32 $0x88, s3;
	s6 =	simm.s32 @!p1 $0x1082;
	[sflag:s4] =	ssyncset.s32 $0xFFFFF086  }
0x25: {  	[simem:s6], [sflag:s4] =	dma.local [hbm:s3], $0xF7A  }
0x26: {  	[smem:$0x3F92] =	sst s1;
	(tag) =	ssettag s2;
	_ =	strace s9  }
0x27: {  	s1 =	sld [smem:$0x3FA2]  }
0x28: {  	s2 =	sld [smem:$0x3FA3]  }
0x29: {  	s4 =	sld [smem:$0x3FA5]  }
0x2a: {  	p0 =	seq.s32 s5, $0x0;
	s5 =	sld [smem:$0x3FA6]  }
0x2b: {  	s6 =	sld [smem:$0x3FA7]  }
0x2c: {  	s7 =	sld [smem:$0x3FA8]  }
0x2d: {  	s3 =	simm.s32 $0x108;
	s8 =	sld [smem:$0x3FA9]  }
0x2e: {  	s3 =	simm.s32 @!p0 $0x1082;
	s9 =	sld [smem:$0x3FAA]  }
0x2f: {  	lr =	sadd.s32 s0, s3;
	s0 =	sld [smem:$0x3FA1]  }
0x30: {  	s3 =	sld [smem:$0x3FA4]  }
0x31: {  	[smem:$0x3FAD] =	sst s10  }
0x32: {  	s10 =	sld [smem:$0x3FAB];
	_ =	sdelay $0x3  }
0x33: {  	p0 =	seq.s32 s10, $0x1;
	s10 =	sld [smem:$0x3FAD];
	_ =	sdelay $0x3  }
0x34: {  	[smem:$0x3FAD] =	sst s10  }
0x35: {  	s10 =	sld [smem:$0x3FAC];
	_ =	sdelay $0x3  }
0x36: {  	p1 =	seq.s32 s10, $0x1;
	s10 =	sld [smem:$0x3FAD];
	_ =	sdelay $0x3  }
0x37: {  	[smem:$0x3FAD] =	sst s10  }
0x38: {  	s10 =	sld [smem:$0x3FAE]  }
0x39: {  	_ = 	snop;
	(pc) =	sbr.ind lr, $3  }
0x3a: {  	_ = 	snop  }
0x3b: {  	_ = 	snop  }
0x3c: {  	p2 =	seq.s32 s10, $0x1;
	s10 =	sld [smem:$0x3FAD]  }
0x3d: {  	_ =	shalt  }
0x3e: {  	_ =	shalt  }
0x3f: {  	_ =	shalt  }
0x40: {  	_ =	shalt  }
0x41: {  	_ =	shalt  }
0x42: {  	_ =	shalt  }
0x43: {  	_ =	shalt  }
0x44: {  	_ =	shalt  }
0x45: {  	_ =	shalt  }
0x46: {  	_ =	shalt  }
0x47: {  	_ =	shalt  }
0x48: {  	_ =	shalt  }
0x49: {  	_ =	shalt  }
0x4a: {  	_ =	shalt  }
0x4b: {  	_ =	shalt  }
0x4c: {  	_ =	shalt  }
0x4d: {  	_ =	shalt  }
0x4e: {  	_ =	shalt  }
0x4f: {  	_ =	shalt  }
0x50: {  	_ =	shalt  }
0x51: {  	_ =	shalt  }
0x52: {  	_ =	shalt  }
0x53: {  	_ =	shalt  }
0x54: {  	_ =	shalt  }
0x55: {  	_ =	shalt  }
0x56: {  	_ =	shalt  }
0x57: {  	_ =	shalt  }
0x58: {  	_ =	shalt  }
0x59: {  	_ =	shalt  }
0x5a: {  	_ =	shalt  }
0x5b: {  	_ =	shalt  }
0x5c: {  	_ =	shalt  }
0x5d: {  	_ =	shalt  }
0x5e: {  	_ =	shalt  }
0x5f: {  	_ =	shalt  }
0x60: {  	_ =	shalt  }
0x61: {  	_ =	shalt  }
0x62: {  	_ =	shalt  }
0x63: {  	_ =	shalt  }
0x64: {  	_ =	shalt  }
0x65: {  	_ =	shalt  }
0x66: {  	_ =	shalt  }
0x67: {  	_ =	shalt  }
0x68: {  	_ =	shalt  }
0x69: {  	_ =	shalt  }
0x6a: {  	_ =	shalt  }
0x6b: {  	_ =	shalt  }
0x6c: {  	_ =	shalt  }
0x6d: {  	_ =	shalt  }
0x6e: {  	_ =	shalt  }
0x6f: {  	_ =	shalt  }
0x70: {  	_ =	shalt  }
0x71: {  	_ =	shalt  }
0x72: {  	_ =	shalt  }
0x73: {  	_ =	shalt  }
0x74: {  	_ =	shalt  }
0x75: {  	_ =	shalt  }
0x76: {  	_ =	shalt  }
0x77: {  	_ =	shalt  }
0x78: {  	_ =	shalt  }
0x79: {  	_ =	shalt  }
0x7a: {  	_ =	shalt  }
0x7b: {  	_ =	shalt  }
0x7c: {  	_ =	shalt  }
0x7d: {  	_ =	shalt  }
0x7e: {  	_ =	shalt  }
0x7f: {  	_ =	shalt  }
0x80: {  	_ =	shalt  }
0x81: {  	_ =	shalt  }
0x82: {  	_ =	shalt  }
0x83: {  	_ =	shalt  }
0x84: {  	_ =	shalt  }
0x85: {  	_ =	shalt  }
0x86: {  	_ =	shalt  }
0x87: {  	_ =	shalt  }
.Lfunc_end0:
.L_simem_size_0:
called_computation.1_lowered:
.L_overlay_start_0:
0x88: {  	s2 =	sld [smem:$0x3FD9]  }
0x89: {  	s3 =	sld [smem:$0x3FFE];
	_ =	sdelay $0x1  }
0x8a: {  	s1 =	srdreg.scid  }
0x8b: {  	s0 =	sand.u32 $0x1, s1  }
0x8c: {  	s16 =	sshll.u32 s0, $0xA;
	s2 =	sadd.s32 s3, s2  }
0x8d: {  	s2 =	sadd.s32 s2, s16  }
0x8e: {  	[smem:$0x3FB9] =	sst s2  }
0x8f: {  	_ = 	snop  }
0x90: {  	(tm) =	ssettm $0x1  }
0x91: {  	s17 =	sld [smem:$0x3FFB];
	_ =	sdelay $0x3  }
0x92: {  	_ =	strace s17  }
0x93: {  	s2 =	sld [smem:$0x3FFC];
	_ =	sdelay $0x3  }
0x94: {  	_ =	strace s2  }
0x95: {  	s2 =	sld [smem:$0x3FFD];
	_ =	sdelay $0x3  }
0x96: {  	_ =	strace s2  }
0x97: {  	_ =	strace $0x8FFFFFFF  }
0x98: {  	s18 =	sld [smem:$0x3FDB];
	_ =	sdelay $0x1  }
0x99: {  	s19 =	simm.s32 $_scs_section_size  }
0x9a: {  	s4 =	simm.s32 $_size__tile_overlayer_lowered;
	s5 =	simm.s32 $_tile_overlayer_lowered  }
0x9b: {  	s22 =	simm.s32 $0x1BFF;
	s21 =	sshll.u32 s5, $0x1;
	s2 =	sadd.s32 s19, s18  }
0x9c: {  	s6 =	simm.s32 $0x0;
	s20 =	sshll.u32 s4, $0x1;
	s4 =	sadd.s32 s21, s2  }
0x9d: {  	[timem:s6], [sflag:s22] =	dma.local [hbm:s4], s20  }
0x9e: {  	_ =	swait.ge [sflag:s22], s20  }
0x9f: {  	s3 =	ssub.s32 $0x0, s20;
	[sflag:s22] =	ssyncset.done $0x0  }
0xa0: {  	[sflag:s22] =	ssyncadd.s32 s3;
	_ =	sdelay $0x1  }
0xa1: {  	s23 =	simm.s32 $0x1B8B  }
0xa2: {  	_ =	swait.ge [sflag:s23], $0x1  }
0xa3: {  	[sflag:s23] =	ssyncset.done $0x0  }
0xa4: {  	s25 =	simm.s32 $0x1B8E;
	s24 =	sld [smem:$0x3FFE];
	[sflag:s23] =	ssyncadd.s32 $0xFFFFFFFF  }
0xa5: {  	s26 =	simm.s32 $execute0_lowered;
	[smem:$0x3FD2] =	sst s25  }
0xa6: {  	s4 =	sshll.u32 s26, $0x1;
	_ =	strace $0x80000055;
	[dreg:$0x1] =	wrdreg $0xFFFFFFFF  }
0xa7: {  	s28 =	simm.s32 $_size_execute0_lowered;
	s2 =	sadd.s32 s2, s4;
	[dreg:$0x0] =	wrdreg $0x0  }
0xa8: {  	s4 =	sshll.u32 s28, $0x1;
	[dreg:$0x2] =	wrdreg s2  }
0xa9: {  	[dreg:$0x3] =	wrdreg s4  }
0xaa: {  	[dreg:$0x4] =	wrdreg $0xC0  }
0xab: {  	_ =	task [dreg:s6], $0x5FFFF  }
0xac: {  	[dreg:$0x1] =	wrdreg $0xFFFFFFFF  }
0xad: {  	[dreg:$0x0] =	wrdreg $0x60  }
0xae: {  	[dreg:$0x2] =	wrdreg s24  }
0xaf: {  	[dreg:$0x3] =	wrdreg $0x0  }
0xb0: {  	[dreg:$0x4] =	wrdreg $0x9  }
0xb1: {  	_ =	task.clear_ibuf [dreg:s6], $0x5FFFF;
	_ =	strace $0x90000055  }
0xb2: {  	s29 =	simm.s32 $0x9;
	_ =	strace $0x8000005D  }
0xb3: {  	_ =	swait.ge [sflag:s29], $0x1  }
0xb4: {  	[sflag:s29] =	ssyncadd.s32 $0xFFFFFFFF  }
0xb5: {  	_ =	strace $0x9000005D  }
0xb6: {  	_ =	sfence  }
0xb7: {  	s30 =	sld [smem:$0x0];
	_ =	sdelay $0x2  }
0xb8: {  	s31 =	sshll.u32 s1, $0xD;
	s1 =	sshrl.u32 s1, $0x2  }
0xb9: {  	s3 =	sand.u32 $0x4000, s31;
	s1 =	sadd.s32 s1, s30  }
0xba: {  	s0 =	sor.u32 s3, s0;
	s1 =	sshll.u32 s1, $0x11  }
0xbb: {  	s0 =	sor.u32 s1, s0  }
0xbc: {  	s0 =	sadd.s32 $0x8F2B, s0  }
0xbd: {  	[sflag:s0] =	ssyncadd.remote.s32 $0x1  }
0xbe: {  	_ =	sfence.sel $0xFFFF  }
0xbf: {  	[dreg:$0x0] =	wrdreg $0xFFFFFFFF;
	(pc) =	sbr.abs _section_cstart, $3  }
0xc0: {  	[dreg:$0x1] =	wrdreg $0xFFFFFFFF  }
0xc1: {  	_ =	task.clear_ibuf [dreg:s6], $0x2FFFF;
	_ =	strace $0x9FFFFFFF  }
0xc2: {  	(tm) =	ssettm $0x7FFFFFFF  }
0xc3: {  	_ =	shalt  }
tec
execute0_lowered:
.L_overlay_start_1:
0x0: {  	(tag) =	ssettag $0x1  }
0x1: {  	s0 =	rddreg [dreg:$0x0]  }
0x2: {  	s1 =	rddreg [dreg:$0x1];
	s2 =	srdreg.scid  }
0x3: {  	s3 =	simm.s32 $0x0;
	s11 =	stileid.u32;
	s18 =	simm.s32 $0x186A0  }
0x4: {  	s21 =	simm.s32 $0x80;
	s2 =	sand.u32 $0x1, s2;
	s8 =	smul.u32 $0x186A0, s11  }
0x5: {  	[smem:$0x7FF] =	sst s3;
	s5 =	smul.u32 $0x186A00, s2;
	s4 =	sshll.u32 s2, $0x4  }
0x6: {  	_ =	strace $0x80000056;
	s2 =	ssub.s32 $0x2, s2;
	s6 =	sor.u32 s11, s4  }
0x7: {  	s4 =	sadd.s32 $0x24E400, s0;
	s22 =	sshrl.u32 s2, $0x1;
	s11 =	smul.u32 $0x61A80, s11  }
0x8: {  	s26 =	sadd.s32 s8, s1;
	s7 =	sadd.s32 s8, s5;
	s9 =	smul.u32 $0x30D, s6  }
0x9: {  	s5 =	sadd.s32 $0x65E00, s0;
	s10 =	smul.u32 $0x30E, s6;
	p0 =	slt.u32 s6, $0x8  }
0xa: {  	s2 =	ssub.s32 s2, s22;
	s22 =	simm.s32 $0x5;
	s7 =	sshrl.u32 s7, $0x3  }
0xb: {  	s25 =	sshrl.u32 s11, $0x2;
	s2 =	smax.u32 s2, $0x1;
	s6 =	sadd.s32 $0x8, s9  }
0xc: {  	s0 =	sadd.s32 s7, s0;
	s7 =	simm.s32 $0x30E;
	s12 =	sadd.s32 s25, s1  }
0xd: {  	[dreg:$0x6] =	wrdreg s2;
	s6 =	smov.u32 @p0 s10;
	s0 =	sadd.s32 $0x4200, s0  }
0xe: {  	s7 =	simm.s32 @!p0 $0x30D;
	s28 =	sadd.s32 $0x4E20, s12;
	[dreg:$0x5] =	wrdreg s0  }
0xf: {  	s29 =	sadd.s32 $0x9C40, s12;
	s30 =	sadd.s32 $0xEA60, s12;
	[dreg:$0x7] =	wrdreg s28  }
0x10: {  	s31 =	sadd.s32 $0x13880, s12;
	s23 =	sshll.u32 s6, $0x8;
	[dreg:$0x8] =	wrdreg s29  }
0x11: {  	s10 =	sshll.u32 s6, $0x4;
	[dreg:$0x9] =	wrdreg s30;
	s9 =	sand.u32 $0x1FFFFF00, s23  }
0x12: {  	[dreg:$0xa] =	wrdreg s31;
	s24 =	sand.u32 $0x1FFFFFF0, s10;
	s9 =	sadd.s32 s4, s9  }
0x13: {  	s10 =	sadd.s32 $0xFFFFFFFF, s7;
	[dreg:$0x3] =	wrdreg s9;
	s9 =	sadd.s32 s5, s24  }
0x14: {  	v0 =	vimm.f32 $0.0e+00;
	s23 =	simm.s32 $0x1;
	s24 =	sshrl.u32 s26, $0x3;
	[dreg:$0x4] =	wrdreg s9  }
.LBB2_1:
0x15: {  	s0 =	simm.s32 $0x40;
	s2 =	simm.s32 $0x0  }
.LBB2_2:
0x16: {  	p0 =	sne.s32 s0, $0x13840;
	[tilespmem:s2+$0x186A0] =	vst v0;
	s2 =	smov.u32 s0;
	s0 =	sadd.s32 $0x40, s0  }
.Ltmp0:
0x17: {  	(pc) =	sbr.rel @p0 .LBB2_2-.Ltmp0, $2  }
0x18: {  	_ =	sdelay $0x2  }
0x19: {  	s2 =	sshra.s32 s2, $0x2  }
0x1a: {  	[tilespmem:s2+$0x186A0] =	vst v0;
	s31 =	simm.s32 $0x1  }
0x1b: {  	[spmem:s12] =	stream.linear.scatter [tilespmem:s18], [sflag:$0x1], $0x4E20, $0x38;
	[tilespmem:$0x1E5C0] =	vst v63  }
0x1c: {  	_ =	swait.ge [sflag:s31], $0x4E20  }
0x1d: {  	[sflag:s31] =	ssyncset.done $0x0  }
0x1e: {  	s0 =	rddreg [dreg:$0x7];
	[sflag:s31] =	ssyncadd.s32 $0xFFFFB1E0  }
0x1f: {  	[spmem:s0] =	stream.linear.scatter [tilespmem:s18], [sflag:$0x1], $0x4E20, $0x38;
	[tilespmem:$0x1E5C0] =	vst v63  }
0x20: {  	_ =	swait.ge [sflag:s31], $0x4E20  }
0x21: {  	[sflag:s31] =	ssyncset.done $0x0  }
0x22: {  	s16 =	rddreg [dreg:$0x8];
	[sflag:s31] =	ssyncadd.s32 $0xFFFFB1E0  }
0x23: {  	[spmem:s16] =	stream.linear.scatter [tilespmem:s18], [sflag:$0x1], $0x4E20, $0x38;
	[tilespmem:$0x1E5C0] =	vst v63  }
0x24: {  	_ =	swait.ge [sflag:s31], $0x4E20  }
0x25: {  	[sflag:s31] =	ssyncset.done $0x0  }
0x26: {  	s17 =	rddreg [dreg:$0x9];
	[sflag:s31] =	ssyncadd.s32 $0xFFFFB1E0  }
0x27: {  	[spmem:s17] =	stream.linear.scatter [tilespmem:s18], [sflag:$0x1], $0x4E20, $0x38;
	[tilespmem:$0x1E5C0] =	vst v63  }
0x28: {  	_ =	swait.ge [sflag:s31], $0x4E20  }
0x29: {  	[sflag:s31] =	ssyncset.done $0x0  }
0x2a: {  	s19 =	rddreg [dreg:$0xa];
	[sflag:s31] =	ssyncadd.s32 $0xFFFFB1E0  }
0x2b: {  	[spmem:s19] =	stream.linear.scatter [tilespmem:s18], [sflag:$0x1], $0x4E20, $0x38;
	[tilespmem:$0x1E5C0] =	vst v63  }
0x2c: {  	_ =	swait.ge [sflag:s31], $0x4E20  }
0x2d: {  	[sflag:s31] =	ssyncset.done $0x0  }
0x2e: {  	[sflag:s31] =	ssyncadd.s32 $0xFFFFB1E0  }
0x2f: {  	s25 =	simm.s32 $0x0;
	s26 =	simm.s32 $0x1D4C0;
	[bflag:$0x0] =	sbarrier.arrive $0xFFFF  }
0x30: {  	s30 =	simm.s32 $0x1E4C0;
	p1 =	sne.s32 s10, $0x1;
	_ =	strace $0x80000057  }
.Ltmp1:
0x31: {  	p0 =	seq.s32 s7, $0x1;
	s20 =	rddreg [dreg:$0x3];
	(pc) =	sbr.rel @!p1 .LBB2_4-.Ltmp1, $4  }
0x32: {  	[tilespmem:s26], [sflag:$0x1] =	stream.linear.gather [hbm4b:s20+s25], $0x800, $0x200038;
	[tilespmem:$0x1E5C0] =	vst v63  }
0x33: {  	s28 =	simm.s32 $0x1;
	s29 =	rddreg [dreg:$0x4];
	s26 =	simm.s32 $0x1  }
0x34: {  	[tilespmem:s30], [sflag:$0x3] =	stream.linear.gather [hbm4b:s29+s25], $0x80, $0x200038;
	[tilespmem:$0x1E5C0] =	vst v63  }
0x35: {  	s26 =	simm.s32 @p0 $0x0;
	p0 =	por $0x0, $0x0;
	_ =	strace $0x90000057  }
0x36: {  	p0 =	seq.s32 s26, $0x0;
	s28 =	simm.s32 $0x2;
	s14 =	simm.s32 $0x0  }
0x37: {  	s15 =	sand.u32 $0x1, s25;
	s16 =	simm.s32 $0x0;
	p1 =	sne.s32 s10, $0x2  }
0x38: {  	s0 =	sadd.s32 @!p0 s6, s26;
	s2 =	sand.u32 @!p0 $0x1, s31;
	s19 =	simm.s32 @!p0 $0x0  }
0x39: {  	s29 =	simm.s32 @!p0 $0x1;
	_ =	strace @!p0 $0x80000058;
	s17 =	sadd.s32 $0x1, s15  }
0x3a: {  	s8 =	sshll.u32 @!p0 s0, $0x8;
	s9 =	sshll.u32 @!p0 s2, $0xB;
	s11 =	sadd.s32 @!p0 $0x1, s2  }
0x3b: {  	s0 =	sshll.u32 @!p0 s0, $0x4;
	s20 =	sshll.u32 @!p0 s2, $0x7;
	s8 =	sand.u32 @!p0 $0x1FFFFF00, s8  }
0x3c: {  	s2 =	sadd.s32 @!p0 $0x3, s2;
	s9 =	sor.u32 @!p0 $0x1D4C0, s9;
	s8 =	sadd.s32 @!p0 s4, s8  }
0x3d: {  	[tilespmem:s9], [sflag:s11] =	stream.linear.gather @!p0 [hbm4b:s8+s19], $0x800, $0x200038;
	[tilespmem:$0x1E5C0] =	vst v63  }
0x3e: {  	s29 =	simm.s32 @p0 $0x0;
	s0 =	sand.u32 @!p0 $0x1FFFFFF0, s0;
	_ =	strace @!p0 $0x90000058  }
0x3f: {  	s20 =	sadd.s32 @!p0 $0x1E4C0, s20;
	s0 =	sadd.s32 @!p0 s5, s0;
	_ =	strace @!p0 $0x80000059  }
0x40: {  	[tilespmem:s20], [sflag:s2] =	stream.linear.gather @!p0 [hbm4b:s0+s19], $0x80, $0x200038;
	[tilespmem:$0x1E5C0] =	vst v63  }
0x41: {  	s29 =	sadd.s32 $0x1, s29;
	s8 =	simm.s32 @!p0 $0x2;
	_ =	strace @!p0 $0x90000059  }
0x42: {  	s8 =	smov.u32 @p0 s31;
	s31 =	sadd.s32 $0x1, s26;
	_ =	strace $0x8000005A  }
0x43: {  	s19 =	sand.u32 $0x80, s16;
	s2 =	sadd.s32 $0x3, s15;
	_ =	swait.ge [sflag:s17], $0x800  }
0x44: {  	s0 =	sand.u32 $0x800, s14;
	s20 =	simm.s32 $0x1;
	[sflag:s17] =	ssyncset.done $0x0  }
.Ltmp2:
0x45: {  	p0 =	sne.s32 s26, $0x0;
	[sflag:s17] =	ssyncadd.s32 $0xFFFFF800;
	(pc) =	sbr.rel @!p1 .LBB2_6-.Ltmp2, $4  }
0x46: {  	s9 =	sor.u32 $0x1D4C0, s0;
	s11 =	sadd.s32 $0x1E4C0, s19;
	_ =	strace $0x9000005A  }
0x47: {  	s20 =	simm.s32 @!p0 $0x0;
	p0 =	seq.s32 s31, s7;
	_ =	strace $0x8000005B  }
0x48: {  	s0 =	simm.s32 $0x0;
	s31 =	simm.s32 @p0 $0x0;
	_ =	swait.ge [sflag:s2], $0x80  }
0x49: {  	s30 =	sadd.s32 $0x0, s20;
	p0 =	por $0x1, $0x1;
	[sflag:s2] =	ssyncset.done $0x0  }
.LBB2_7:
0x4a: {  	s19 =	smov.u32 s8  }
0x4b: {  	s28 =	sadd.s32 $0x1, s28;
	p1 =	seq.s32 s26, s31;
	s0 =	sadd.s32 s20, s0  }
0x4c: {  	s8 =	sadd.s32 @!p1 s6, s31;
	s20 =	sand.u32 @!p1 $0x1, s19;
	[sflag:s2] =	ssyncadd.s32 $0xFFFFFF80  }
0x4d: {  	s2 =	sshll.u32 @!p1 s20, $0xB;
	s13 =	sshll.u32 @!p1 s8, $0x8;
	_ =	strace $0x9000005B  }
0x4e: {  	s14 =	sand.u32 @!p1 $0x1, s29;
	s13 =	sand.u32 @!p1 $0x1FFFFF00, s13;
	_ =	strace $0x8000005C  }
0x4f: {  	[spmem:s1] =	stream.indirect.scatter.add.f32 [tilespmem:s9], [sflag:$0x5], $0x10, s11, s21, $0x2000b8;
	[tilespmem:$0x1E5C0] =	vst v63  }
0x50: {  	s8 =	sshll.u32 @!p1 s8, $0x4;
	s9 =	sadd.s32 @!p1 $0x1, s20;
	s11 =	simm.s32 @!p1 $0x0  }
0x51: {  	s2 =	sor.u32 @!p1 $0x1D4C0, s2;
	s8 =	sand.u32 @!p1 $0x1FFFFFF0, s8;
	s20 =	sshll.u32 @!p1 s14, $0x7  }
0x52: {  	s15 =	simm.s32 @!p1 $0x1;
	s20 =	sadd.s32 @!p1 $0x1E4C0, s20;
	_ =	swait.ge [sflag:s22], $0x800  }
0x53: {  	s13 =	sadd.s32 @!p1 s4, s13;
	s14 =	sadd.s32 @!p1 $0x3, s14;
	[sflag:s22] =	ssyncset.done $0x0  }
0x54: {  	s15 =	simm.s32 @p1 $0x0;
	s16 =	sadd.s32 @!p1 s5, s8;
	[sflag:s22] =	ssyncadd.s32 $0xFFFFF800  }
0x55: {  	s29 =	sadd.s32 s29, s15;
	s15 =	sshll.u32 s0, $0xB;
	_ =	strace $0x9000005C  }
0x56: {  	s17 =	sshll.u32 s30, $0x7;
	s8 =	sand.u32 $0x1, s0;
	_ =	strace @!p1 $0x80000058  }
0x57: {  	[tilespmem:s2], [sflag:s9] =	stream.linear.gather @!p1 [hbm4b:s13+s11], $0x800, $0x200038;
	[tilespmem:$0x1E5C0] =	vst v63  }
0x58: {  	s9 =	sadd.s32 $0x1, s8;
	s13 =	sand.u32 $0x80, s17;
	_ =	strace @!p1 $0x90000058  }
0x59: {  	s8 =	sadd.s32 @!p1 $0x1, s19;
	s2 =	sand.u32 $0x1, s30;
	_ =	strace @!p1 $0x80000059  }
0x5a: {  	[tilespmem:s20], [sflag:s14] =	stream.linear.gather @!p1 [hbm4b:s16+s11], $0x80, $0x200038;
	[tilespmem:$0x1E5C0] =	vst v63  }
0x5b: {  	s8 =	smov.u32 @p1 s19;
	s2 =	sadd.s32 $0x3, s2;
	_ =	strace @!p1 $0x90000059  }
0x5c: {  	p1 =	sne.s32 s10, s28;
	_ =	strace $0x8000005A  }
0x5d: {  	p2 =	sne.s32 s26, s31;
	_ =	swait.ge [sflag:s9], $0x800  }
0x5e: {  	s26 =	smov.u32 s31;
	s20 =	simm.s32 $0x1;
	[sflag:s9] =	ssyncset.done $0x0  }
.Ltmp3:
0x5f: {  	[sflag:s9] =	ssyncadd.s32 $0xFFFFF800;
	s9 =	sand.u32 $0x800, s15;
	(pc) =	sbr.rel @p1 .LBB2_7-.Ltmp3, $4  }
0x60: {  	s31 =	sadd.s32 $0x1, s31;
	s20 =	simm.s32 @!p2 $0x0;
	_ =	strace $0x9000005A  }
0x61: {  	p2 =	seq.s32 s31, s7;
	s9 =	sor.u32 $0x1D4C0, s9;
	_ =	strace $0x8000005B  }
0x62: {  	s11 =	sadd.s32 $0x1E4C0, s13;
	s31 =	simm.s32 @p2 $0x0;
	_ =	swait.ge [sflag:s2], $0x80  }
0x63: {  	s30 =	sadd.s32 s20, s30;
	[sflag:s2] =	ssyncset.done $0x0  }
0x64: {  	s19 =	smov.u32 s26;
	s26 =	smov.u32 s31;
	s31 =	smov.u32 s8  }
.LBB2_9:
0x65: {  	[sflag:s2] =	ssyncadd.s32 @p0 $0xFFFFFF80  }
0x66: {  	_ =	strace @p0 $0x9000005B  }
0x67: {  	p1 =	seq.s32 s19, s26;
	s0 =	sadd.s32 @p0 s20, s0;
	_ =	strace @p0 $0x8000005C  }
0x68: {  	[spmem:s1] =	stream.indirect.scatter.add.f32 @p0 [tilespmem:s9], [sflag:$0x5], $0x10, s11, s21, $0x2000b8;
	[tilespmem:$0x1E5C0] =	vst v63  }
0x69: {  	s2 =	sadd.s32 @!p1 s6, s26;
	s8 =	sand.u32 @!p1 $0x1, s31;
	_ =	swait.ge @p0 [sflag:s22], $0x800  }
0x6a: {  	s13 =	simm.s32 @!p1 $0x0;
	s9 =	sshll.u32 @!p1 s2, $0x8;
	[sflag:s22] =	ssyncset.done @p0 $0x0  }
0x6b: {  	s11 =	sshll.u32 @!p1 s8, $0xB;
	s8 =	sadd.s32 @!p1 $0x1, s8;
	[sflag:s22] =	ssyncadd.s32 @p0 $0xFFFFF800  }
0x6c: {  	s2 =	sshll.u32 @!p1 s2, $0x4;
	s9 =	sand.u32 @!p1 $0x1FFFFF00, s9;
	_ =	strace @p0 $0x9000005C  }
0x6d: {  	s11 =	sor.u32 @!p1 $0x1D4C0, s11;
	s9 =	sadd.s32 @!p1 s4, s9;
	_ =	strace @!p1 $0x80000058  }
0x6e: {  	[tilespmem:s11], [sflag:s8] =	stream.linear.gather @!p1 [hbm4b:s9+s13], $0x800, $0x200038;
	[tilespmem:$0x1E5C0] =	vst v63  }
0x6f: {  	s25 =	smov.u32 @p0 s0;
	s2 =	sand.u32 @!p1 $0x1FFFFFF0, s2;
	s8 =	sand.u32 @!p1 $0x1, s29  }
0x70: {  	s2 =	sadd.s32 @!p1 s5, s2;
	s9 =	sshll.u32 @!p1 s8, $0x7;
	_ =	strace @!p1 $0x90000058  }
0x71: {  	s8 =	sadd.s32 @!p1 $0x3, s8;
	s9 =	sadd.s32 @!p1 $0x1E4C0, s9;
	_ =	strace @!p1 $0x80000059  }
0x72: {  	[tilespmem:s9], [sflag:s8] =	stream.linear.gather @!p1 [hbm4b:s2+s13], $0x80, $0x200038;
	[tilespmem:$0x1E5C0] =	vst v63  }
0x73: {  	s0 =	sand.u32 $0x1, s25;
	_ =	strace @!p1 $0x90000059  }
0x74: {  	s0 =	sadd.s32 $0x1, s0;
	_ =	strace $0x8000005A  }
0x75: {  	_ =	swait.ge [sflag:s0], $0x800  }
0x76: {  	[sflag:s0] =	ssyncset.done $0x0  }
0x77: {  	[sflag:s0] =	ssyncadd.s32 $0xFFFFF800  }
0x78: {  	s15 =	sand.u32 $0x1, s30;
	_ =	strace $0x9000005A  }
0x79: {  	s0 =	sadd.s32 $0x3, s15;
	_ =	strace $0x8000005B  }
0x7a: {  	_ =	swait.ge [sflag:s0], $0x80  }
0x7b: {  	[sflag:s0] =	ssyncset.done $0x0  }
0x7c: {  	s17 =	sshll.u32 s30, $0x7;
	s16 =	sshll.u32 s25, $0xB;
	[sflag:s0] =	ssyncadd.s32 $0xFFFFFF80  }
0x7d: {  	s20 =	sand.u32 $0x80, s17;
	s2 =	sand.u32 $0x800, s16;
	_ =	strace $0x9000005B  }
0x7e: {  	s2 =	sor.u32 $0x1D4C0, s2;
	s0 =	sadd.s32 $0x1E4C0, s20;
	_ =	strace $0x8000005C  }
0x7f: {  	[spmem:s1] =	stream.indirect.scatter.add.f32 [tilespmem:s2], [sflag:$0x5], $0x10, s0, s21, $0x2000b8;
	[tilespmem:$0x1E5C0] =	vst v63  }
0x80: {  	s0 =	sadd.s32 $0x1, s26  }
0x81: {  	p0 =	seq.s32 s0, s7  }
0x82: {  	_ =	swait.ge [sflag:s22], $0x800;
	s0 =	simm.s32 @p0 $0x0;
	p0 =	sge.u32 s28, s10  }
0x83: {  	[sflag:s22] =	ssyncset.done $0x0;
	p2 =	seq.s32 @!p0 s26, s0  }
0x84: {  	s2 =	sadd.s32 @!p1 $0x1, s31;
	[sflag:s22] =	ssyncadd.s32 $0xFFFFF800;
	p0 =	por p2, p0  }
0x85: {  	s2 =	smov.u32 @p1 s31;
	_ =	strace $0x9000005C;
	s0 =	sadd.s32 @!p0 s6, s0  }
0x86: {  	s2 =	sand.u32 @!p0 $0x1, s2;
	_ =	strace @!p0 $0x80000058;
	s9 =	sshll.u32 @!p0 s0, $0x8  }
0x87: {  	s11 =	simm.s32 @!p0 $0x0;
	s8 =	sshll.u32 @!p0 s2, $0xB;
	s9 =	sand.u32 @!p0 $0x1FFFFF00, s9  }
0x88: {  	s2 =	sadd.s32 @!p0 $0x1, s2;
	s8 =	sor.u32 @!p0 $0x1D4C0, s8;
	s9 =	sadd.s32 @!p0 s4, s9  }
0x89: {  	[tilespmem:s8], [sflag:s2] =	stream.linear.gather @!p0 [hbm4b:s9+s11], $0x800, $0x200038;
	[tilespmem:$0x1E5C0] =	vst v63  }
0x8a: {  	s2 =	simm.s32 @!p1 $0x1  }
0x8b: {  	s2 =	simm.s32 @p1 $0x0  }
0x8c: {  	s0 =	sshll.u32 @!p0 s0, $0x4;
	s2 =	sadd.s32 s29, s2  }
0x8d: {  	s0 =	sand.u32 @!p0 $0x1FFFFFF0, s0;
	s2 =	sand.u32 @!p0 $0x1, s2  }
0x8e: {  	s0 =	sadd.s32 @!p0 s5, s0;
	_ =	strace @!p0 $0x90000058;
	s8 =	sshll.u32 @!p0 s2, $0x7  }
0x8f: {  	_ =	strace @!p0 $0x80000059;
	s2 =	sadd.s32 @!p0 $0x3, s2;
	s8 =	sadd.s32 @!p0 $0x1E4C0, s8  }
0x90: {  	[tilespmem:s8], [sflag:s2] =	stream.linear.gather @!p0 [hbm4b:s0+s11], $0x80, $0x200038;
	[tilespmem:$0x1E5C0] =	vst v63  }
0x91: {  	p1 =	sne.s32 s19, s26;
	s0 =	simm.s32 $0x1  }
0x92: {  	s0 =	simm.s32 @!p1 $0x0  }
0x93: {  	s25 =	sadd.s32 s0, s25  }
0x94: {  	_ =	strace @!p0 $0x90000059;
	s26 =	sand.u32 $0x1, s25  }
0x95: {  	_ =	strace $0x8000005A;
	s8 =	sadd.s32 $0x1, s26  }
0x96: {  	_ =	swait.ge [sflag:s8], $0x800  }
0x97: {  	[sflag:s8] =	ssyncset.done $0x0  }
0x98: {  	s0 =	sadd.s32 s0, s30;
	[sflag:s8] =	ssyncadd.s32 $0xFFFFF800  }
0x99: {  	s28 =	sand.u32 $0x1, s0;
	_ =	strace $0x9000005A  }
0x9a: {  	s8 =	sadd.s32 $0x3, s28;
	_ =	strace $0x8000005B  }
0x9b: {  	_ =	swait.ge [sflag:s8], $0x80  }
0x9c: {  	[sflag:s8] =	ssyncset.done $0x0  }
0x9d: {  	s2 =	sshll.u32 s25, $0xB;
	s0 =	sshll.u32 s0, $0x7;
	[sflag:s8] =	ssyncadd.s32 $0xFFFFFF80  }
0x9e: {  	s2 =	sand.u32 $0x800, s2;
	s0 =	sand.u32 $0x80, s0;
	_ =	strace $0x9000005B  }
0x9f: {  	s2 =	sor.u32 $0x1D4C0, s2;
	s0 =	sadd.s32 $0x1E4C0, s0;
	_ =	strace $0x8000005C  }
0xa0: {  	[spmem:s1] =	stream.indirect.scatter.add.f32 [tilespmem:s2], [sflag:$0x5], $0x10, s0, s21, $0x2000b8;
	[tilespmem:$0x1E5C0] =	vst v63  }
0xa1: {  	_ =	swait.ge [sflag:s22], $0x800  }
0xa2: {  	[sflag:s22] =	ssyncset.done $0x0  }
0xa3: {  	[sflag:s22] =	ssyncadd.s32 $0xFFFFF800  }
0xa4: {  	s29 =	stileid.u32;
	_ =	strace $0x9000005C  }
0xa5: {  	s0 =	sshll.u32 s29, $0x6;
	[bflag:$0x0] =	sbarrier.arrive $0xFFFF  }
0xa6: {  	s0 =	sor.u32 $0x1C01, s0;
	s30 =	rddreg [dreg:$0x5]  }
0xa7: {  	[hbm:s30], [sflag:s0] =	dma.local [spmem:s24], $0x30D4  }
0xa8: {  	_ =	swait.ge [sflag:s23], $0x30D4  }
0xa9: {  	s3 =	sadd.s32 $0x1, s3;
	s31 =	rddreg [dreg:$0x6]  }
0xaa: {  	p0 =	sne.s32 s3, s31  }
.Ltmp4:
0xab: {  	_ = 	snop;
	(pc) =	sbr.rel @p0 .LBB2_1-.Ltmp4, $4  }
.Ltmp5:
0xac: {  	_ = 	snop;
	(pc) =	sbr.rel @!p0 .LBB2_10-.Ltmp5, $4  }
0xad: {  	_ = 	snop  }
0xae: {  	[sflag:s23] =	ssyncset.done $0x0  }
0xaf: {  	[sflag:s23] =	ssyncadd.s32 $0xFFFFCF2C  }
0xb0: {  	_ = 	snop  }
.LBB2_4:
.Ltmp6:
0xb1: {  	(pc) =	sbr.rel .LBB2_9-.Ltmp6, $3  }
0xb2: {  	_ =	sdelay $0x1  }
0xb3: {  	s19 =	simm.s32 $0x0  }
0xb4: {  	s0 =	simm.s32 $0x0;
	s29 =	simm.s32 $0x1;
	s30 =	simm.s32 $0x0  }
.LBB2_6:
.Ltmp7:
0xb5: {  	(pc) =	sbr.rel .LBB2_9-.Ltmp7, $3  }
0xb6: {  	_ =	sdelay $0x1  }
0xb7: {  	s19 =	smov.u32 s26  }
0xb8: {  	s26 =	smov.u32 s31;
	s0 =	simm.s32 $0x0;
	s31 =	smov.u32 s8  }
.LBB2_10:
0xb9: {  	_ =	sfence.sel $0x180000  }
0xba: {  	[bflag:$0x0] =	sbarrier.arrive $0xFFFF  }
0xbb: {  	_ =	strace $0x90000056  }
0xbc: {  	s0 =	stileid.u32;
	[bflag:$0x2] =	sbarrier.arrive $0xFFFF  }
0xbd: {  	p0 =	sne.s32 s0, $0x0;
	s0 =	rddreg [dreg:$0x2]  }
0xbe: {  	s0 =	sadd.s32 @!p0 $0x100000, s0  }
0xbf: {  	[sflag:s0] =	ssyncadd.tile.s32 @!p0 $0x1;
	_ =	shalt  }
.Lfunc_end2:
_tile_overlayer_lowered:
.L_overlay_start_2:
0xc0: {  	(tag) =	ssettag $0x2  }
0xc1: {  	s0 =	rddreg [dreg:$0x0];
	s2 =	stileid.u32  }
0xc2: {  	s1 =	rddreg [dreg:$0x1];
	p0 =	sne.s32 s2, $0x0  }
0xc3: {  	s3 =	rddreg [dreg:$0x2];
	[bflag:$0x3] =	sbarrier.arrive $0xFFFF;
	s2 =	simm.s32 @!p0 $0x1C01  }
0xc4: {  	[timem:s3], [sflag:s2] =	dma.local @!p0 [hbm:s0], s1  }
0xc5: {  	s0 =	simm.s32 @!p0 $0x1  }
0xc6: {  	_ =	swait.ge @!p0 [sflag:s0], s1  }
0xc7: {  	s1 =	ssub.s32 @!p0 $0x0, s1;
	[sflag:s0] =	ssyncset.done @!p0 $0x0  }
0xc8: {  	[sflag:s0] =	ssyncadd.s32 @!p0 s1  }
0xc9: {  	[bflag:$0x3] =	sbarrier.arrive $0xFFFF  }
0xca: {  	_ =	shalt  }

</sc_bundles>
